<compile_context>
chip_gen: v7x
topology: tpu7x:2x2x1
jax: 0.10.2.dev20260603
libtpu: 0.0.44.dev20260713+nightly
codegen_flags: <defaults>
</compile_context>

<pallas_src>
import functools

import jax
import jax.numpy as jnp
from jax import lax
from jax.experimental import pallas as pl
from jax.experimental.pallas import tpu as pltpu
from jax.experimental.pallas import tpu_sc as plsc

N = 10000
NPAD = 10240
E = 320000
NC = 2
NS = 16
BLK = 128
PAD_ROWS = 64

EC = E // (NC * NS)
NB_DEG = -(-EC // BLK)
ECP = NB_DEG * BLK

ET = E // NS
ABLK = 64
CHUNK = 20
NCH = 16
NB_AGG = NCH * CHUNK
ETP = NB_AGG * ABLK

_MESH = plsc.VectorSubcoreMesh(
    core_axis_name="c", subcore_axis_name="s", num_cores=NC, num_subcores=NS)


@functools.partial(
    pl.kernel,
    out_type=jax.ShapeDtypeStruct((NC * NPAD,), jnp.float32),
    mesh=_MESH,
    scratch_types=[
        pltpu.VMEM((NB_DEG, BLK), jnp.int32),
        pltpu.VMEM((640,), jnp.float32),
        pltpu.VMEM((BLK,), jnp.float32),
        pltpu.VMEM_SHARED((NPAD,), jnp.float32),
    ],
)
def _deg_kernel(dstd_hbm, deg_hbm, idx_v, zbuf, ones_v, acc):
    c = lax.axis_index("c")
    s = lax.axis_index("s")
    t = c * NS + s
    for k in range(640 // 16):
        zbuf[pl.ds(k * 16, 16)] = jnp.zeros((16,), jnp.float32)
    for k in range(BLK // 16):
        ones_v[pl.ds(k * 16, 16)] = jnp.full((16,), 1.0, jnp.float32)

    pltpu.sync_copy(dstd_hbm.at[t], idx_v)
    pltpu.sync_copy(zbuf, acc.at[pl.ds(s * 640, 640)])
    plsc.subcore_barrier()

    def body(j, carry):
        pltpu.sync_copy(ones_v, acc.at[idx_v.at[j]], add=True)
        return carry

    lax.fori_loop(0, NB_DEG, body, 0)
    plsc.subcore_barrier()
    pltpu.sync_copy(acc.at[pl.ds(s * 640, 640)],
                    deg_hbm.at[pl.ds(c * NPAD + s * 640, 640)])


@functools.partial(
    pl.kernel,
    out_type=jax.ShapeDtypeStruct((NC * NPAD, 128), jnp.float32),
    mesh=_MESH,
    scratch_types=[
        pltpu.VMEM((2, CHUNK, ABLK), jnp.int32),
        pltpu.VMEM((2, CHUNK, ABLK), jnp.int32),
        pltpu.VMEM((4, ABLK, 128), jnp.float32),
        pltpu.VMEM_SHARED((NPAD, 128), jnp.float32),
        pltpu.SemaphoreType.DMA((4,)),
        pltpu.SemaphoreType.DMA,
    ],
)
def _agg_kernel(y_hbm, src_hbm, dst_hbm, out_hbm, sidx_v, didx_v, rows_v, acc,
                gsem, isem):
    c = lax.axis_index("c")
    s = lax.axis_index("s")
    rows_per_tile = NPAD // NS
    src_t = src_hbm.at[c * NS + s]
    dst_t = dst_hbm.at[s]

    pltpu.sync_copy(
        y_hbm.at[pl.ds(c * NPAD + s * rows_per_tile, rows_per_tile)],
        acc.at[pl.ds(s * rows_per_tile, rows_per_tile)])
    plsc.subcore_barrier()

    pltpu.async_copy(src_t.at[0], sidx_v.at[0], isem)
    pltpu.async_copy(dst_t.at[0], didx_v.at[0], isem)

    def chunk(ch, carry):
        p = lax.rem(ch, 2)
        pltpu.make_async_copy(src_t.at[ch], sidx_v.at[p], isem).wait()
        pltpu.make_async_copy(dst_t.at[ch], didx_v.at[p], isem).wait()

        @pl.when(ch + 1 < NCH)
        def _():
            q = 1 - p
            pltpu.async_copy(src_t.at[ch + 1], sidx_v.at[q], isem)
            pltpu.async_copy(dst_t.at[ch + 1], didx_v.at[q], isem)

        sidx_c = sidx_v.at[p]
        didx_c = didx_v.at[p]
        for k in range(3):
            pltpu.async_copy(y_hbm.at[sidx_c.at[k]], rows_v.at[k],
                             gsem.at[k])

        def body(j, carry2):
            pp = lax.rem(j, 4)
            pltpu.make_async_copy(y_hbm.at[sidx_c.at[j]], rows_v.at[pp],
                                  gsem.at[pp]).wait()

            @pl.when(j + 3 < CHUNK)
            def _():
                qq = lax.rem(j + 3, 4)
                pltpu.async_copy(y_hbm.at[sidx_c.at[j + 3]], rows_v.at[qq],
                                 gsem.at[qq])

            pltpu.sync_copy(rows_v.at[pp], acc.at[didx_c.at[j]], add=True)
            return carry2

        lax.fori_loop(0, CHUNK, body, 0)
        return carry

    lax.fori_loop(0, NCH, chunk, 0)
    plsc.subcore_barrier()
    pltpu.sync_copy(
        acc.at[pl.ds(s * rows_per_tile, rows_per_tile)],
        out_hbm.at[pl.ds(c * NPAD + s * rows_per_tile, rows_per_tile)])



_R = 2048
_GRID = NPAD // _R


def _dis(d_ref):
    return lax.rsqrt(d_ref[0] + d_ref[1] + 1.0)


def _k1_body(x_ref, w_ref, d_ref, o_ref):
    y = jnp.dot(x_ref[...], w_ref[...],
                preferred_element_type=jnp.float32) * _dis(d_ref)
    o_ref[0] = y[:, :128]
    o_ref[1] = y[:, 128:]


def _k23_body(a_ref, w_ref, b_ref, d_ref, o_ref):
    dis = _dis(d_ref)
    h0 = jnp.maximum(a_ref[0] * dis + b_ref[:, :128], 0.0)
    h1 = jnp.maximum(a_ref[1] * dis + b_ref[:, 128:], 0.0)
    y = (jnp.dot(h0, w_ref[:128], preferred_element_type=jnp.float32)
         + jnp.dot(h1, w_ref[128:], preferred_element_type=jnp.float32)) * dis
    o_ref[0] = y[:, :128]
    o_ref[1] = y[:, 128:]


def _k4_body(a_ref, b_ref, d_ref, o_ref):
    dis = _dis(d_ref)
    o_ref[...] = jnp.concatenate(
        [a_ref[0] * dis + b_ref[:, :128], a_ref[1] * dis + b_ref[:, 128:]],
        axis=1)


_ysplit_shape = jax.ShapeDtypeStruct((2, NPAD, 128), jnp.float32)
_spec_a = pl.BlockSpec((2, _R, 128), lambda i: (0, i, 0))
_spec_d = pl.BlockSpec((2, _R, 1), lambda i: (0, i, 0))
_spec_b = pl.BlockSpec((1, 256), lambda i: (0, 0))

_k1 = pl.pallas_call(
    _k1_body, grid=(_GRID,),
    in_specs=[pl.BlockSpec((_R, 128), lambda i: (i, 0)),
              pl.BlockSpec((128, 256), lambda i: (0, 0)),
              _spec_d],
    out_specs=_spec_a,
    out_shape=_ysplit_shape)

_k23 = pl.pallas_call(
    _k23_body, grid=(_GRID,),
    in_specs=[_spec_a,
              pl.BlockSpec((256, 256), lambda i: (0, 0)),
              _spec_b,
              _spec_d],
    out_specs=_spec_a,
    out_shape=_ysplit_shape)

_k4 = pl.pallas_call(
    _k4_body, grid=(_GRID,),
    in_specs=[_spec_a, _spec_b, _spec_d],
    out_specs=pl.BlockSpec((_R, 256), lambda i: (i, 0)),
    out_shape=jax.ShapeDtypeStruct((N, 256), jnp.float32))


def kernel(x, edge_index, W1, b1, W2, b2, W3, b3):
    src = edge_index[0]
    dst = edge_index[1]

    padi_d = (jnp.arange(ECP - EC, dtype=jnp.int32) % PAD_ROWS)
    dstd = jnp.concatenate(
        [dst.reshape(NC * NS, EC),
         jnp.broadcast_to(N + padi_d, (NC * NS, ECP - EC))],
        axis=1).reshape(NC * NS, NB_DEG, BLK)

    padi_a = (jnp.arange(ETP - ET, dtype=jnp.int32) % PAD_ROWS)
    srcr = jnp.concatenate(
        [src.reshape(NS, ET), jnp.broadcast_to(padi_a, (NS, ETP - ET))],
        axis=1)
    dstr = jnp.concatenate(
        [dst.reshape(NS, ET),
         jnp.broadcast_to(N + padi_a, (NS, ETP - ET))],
        axis=1).reshape(NS, NCH, CHUNK, ABLK)
    src2 = jnp.concatenate([srcr, srcr + NPAD],
                           axis=0).reshape(NC * NS, NCH, CHUNK, ABLK)

    deg = _deg_kernel(dstd).reshape(NC, NPAD, 1)

    y1 = _k1(x, W1, deg)
    a1 = _agg_kernel(y1.reshape(NC * NPAD, 128), src2, dstr)
    y2 = _k23(a1.reshape(2, NPAD, 128), W2, b1.reshape(1, 256), deg)
    a2 = _agg_kernel(y2.reshape(NC * NPAD, 128), src2, dstr)
    y3 = _k23(a2.reshape(2, NPAD, 128), W3, b2.reshape(1, 256), deg)
    a3 = _agg_kernel(y3.reshape(NC * NPAD, 128), src2, dstr)
    return _k4(a3.reshape(2, NPAD, 128), b3.reshape(1, 256), deg)

# --- scband reference (transcript-rebuilt; emitter-appended) ---
"""Pipeline reference for scband-gcnencoder-24318104830701 (READ-ONLY COPY).

The authoritative reference and input builder live on the scoring server;
editing this copy changes nothing except your own understanding.
"""

import jax, jax.numpy as jnp
import numpy as np

N = 10000
E = 320000
IN_C = 128
H = 256


def _glorot(key, shape):
    fan_in, fan_out = shape[0], shape[1]
    limit = float(np.sqrt(6.0 / (fan_in + fan_out)))
    return jax.random.uniform(key, shape, dtype=jnp.float32, minval=-limit, maxval=limit)


def setup_inputs(seed: int = 0):
    key = jax.random.key(seed)
    ks = jax.random.split(key, 8)
    x = jax.random.normal(ks[0], (N, IN_C), dtype=jnp.float32)
    edge_index = jax.random.randint(ks[1], (2, E), 0, N, dtype=jnp.int32)
    W1 = _glorot(ks[2], (IN_C, H))
    b1 = jnp.zeros((H,), dtype=jnp.float32)
    W2 = _glorot(ks[3], (H, H))
    b2 = jnp.zeros((H,), dtype=jnp.float32)
    W3 = _glorot(ks[4], (H, H))
    b3 = jnp.zeros((H,), dtype=jnp.float32)
    return {"x": x, "edge_index": edge_index, "W1": W1, "b1": b1, "W2": W2, "b2": b2, "W3": W3, "b3": b3}


def _gcn_conv(x, src, dst, W, b, n):
    # Linear transform first (PyG GCNConv default)
    xw = x @ W
    # Symmetric normalization with self-loops already included in src/dst
    ones = jnp.ones_like(src, dtype=jnp.float32)
    deg = jnp.zeros((n,), dtype=jnp.float32).at[dst].add(ones)
    deg_inv_sqrt = jnp.where(deg > 0, 1.0 / jnp.sqrt(deg), 0.0)
    norm = deg_inv_sqrt[src] * deg_inv_sqrt[dst]
    msgs = xw[src] * norm[:, None]
    out = jnp.zeros((n, W.shape[1]), dtype=xw.dtype).at[dst].add(msgs)
    return out + b


def reference(x, edge_index, W1, b1, W2, b2, W3, b3):
    n = x.shape[0]
    loop = jnp.arange(n, dtype=edge_index.dtype)
    src = jnp.concatenate([edge_index[0], loop])
    dst = jnp.concatenate([edge_index[1], loop])
    # Layer 1 + ReLU (dropout is identity in eval mode)
    h = _gcn_conv(x, src, dst, W1, b1, n)
    h = jax.nn.relu(h)
    # Layer 2 + ReLU
    h = _gcn_conv(h, src, dst, W2, b2, n)
    h = jax.nn.relu(h)
    # Final layer (no activation)
    h = _gcn_conv(h, src, dst, W3, b3, n)
    return h

if __name__ == "__main__":
    import jax
    _d = setup_inputs()
    print(jax.jit(kernel)(*tuple(_d.values())))

</pallas_src>

<mosaic_0001>
#map = affine_map<(d0, d1) -> (0, 0)>
#map1 = affine_map<(d0, d1) -> (0, 0, 0, 0)>
module attributes {stable_mosaic.version = 14 : i64} {
  func.func @_agg_kernel(%arg0: i32, %arg1: i32, %arg2: memref<20480x128xf32, #tpu.memory_space<hbm>>, %arg3: memref<32x16x20x64xi32, #tpu.memory_space<hbm>>, %arg4: memref<16x16x20x64xi32, #tpu.memory_space<hbm>>, %arg5: memref<20480x128xf32, #tpu.memory_space<hbm>>, %arg6: memref<2x20x64xi32, #tpu.memory_space<vmem>>, %arg7: memref<2x20x64xi32, #tpu.memory_space<vmem>>, %arg8: memref<4x64x128xf32, #tpu.memory_space<vmem>>, %arg9: memref<10240x128xf32, #tpu.memory_space<vmem_shared>>, %arg10: memref<4x!tpu.dma_semaphore, #tpu.memory_space<semaphore_mem>>, %arg11: memref<!tpu.dma_semaphore, #tpu.memory_space<semaphore_mem>>) attributes {dimension_semantics = [#tpu.dimension_semantics<core_parallel>, #tpu.dimension_semantics<subcore_parallel>], iteration_bounds = array<i64: 2, 16>, scalar_prefetch = 0 : i64, scratch_operands = 6 : i64, tpu.core_type = #tpu.core_type<sc_vector_subcore>, window_params = [{transform_indices = #map}, {transform_indices = #map1}, {transform_indices = #map1}, {transform_indices = #map}]} {
    %mul3A = arith.constant 16 : i32
    %mul3A_0 = arith.muli %arg0, %mul3A : i32
    %add3A = arith.addi %mul3A_0, %arg1 : i32
    %mul3A_1 = arith.constant 10240 : i32
    %mul3A_2 = arith.muli %arg0, %mul3A_1 : i32
    %mul3A_3 = arith.constant 640 : i32
    %mul3A_4 = arith.muli %arg1, %mul3A_3 : i32
    %add3A_5 = arith.addi %mul3A_2, %mul3A_4 : i32
    %mul3A_6 = arith.constant 640 : i32
    %mul3A_7 = arith.muli %arg1, %mul3A_6 : i32
    "tpu.region"() ({
      %run_scoped3A = tpu.sem_alloc : memref<!tpu.dma_semaphore, #tpu.memory_space<semaphore_mem>>
      %dma_start3A_76 = arith.constant 0 : i32
      %dma_start3A_77 = tpu.memref_slice %arg9[%mul3A_7, %dma_start3A_76] : memref<10240x128xf32, #tpu.memory_space<vmem_shared>> -> memref<640x128xf32, #tpu.memory_space<vmem_shared>>
      %dma_start3A_78 = arith.constant 0 : i32
      %dma_start3A_79 = tpu.memref_slice %arg2[%add3A_5, %dma_start3A_78] : memref<20480x128xf32, #tpu.memory_space<hbm>> -> memref<640x128xf32, #tpu.memory_space<hbm>>
      tpu.enqueue_dma source(%dma_start3A_79 : memref<640x128xf32, #tpu.memory_space<hbm>>) target(%dma_start3A_77 : memref<640x128xf32, #tpu.memory_space<vmem_shared>>) target_semaphore(%run_scoped3A : memref<!tpu.dma_semaphore, #tpu.memory_space<semaphore_mem>>)
      %dma_wait3A = arith.constant 0 : i32
      %dma_wait3A_80 = tpu.memref_slice %arg9[%mul3A_7, %dma_wait3A] : memref<10240x128xf32, #tpu.memory_space<vmem_shared>> -> memref<640x128xf32, #tpu.memory_space<vmem_shared>>
      %dma_wait3A_81 = arith.constant 0 : i32
      %dma_wait3A_82 = tpu.memref_slice %arg2[%add3A_5, %dma_wait3A_81] : memref<20480x128xf32, #tpu.memory_space<hbm>> -> memref<640x128xf32, #tpu.memory_space<hbm>>
      tpu.wait_dma2 semaphore(%run_scoped3A : memref<!tpu.dma_semaphore, #tpu.memory_space<semaphore_mem>>) src(%dma_wait3A_82 : memref<640x128xf32, #tpu.memory_space<hbm>>) dst(%dma_wait3A_80 : memref<640x128xf32, #tpu.memory_space<vmem_shared>>)
      tpu.yield
    }) : () -> ()
    %barrier3A = arith.constant 0 : index
    tpu.barrier barrier_id(%barrier3A)
    %dma_start3A = arith.constant 0 : i32
    %dma_start3A_8 = arith.constant 0 : i32
    %dma_start3A_9 = arith.constant 0 : i32
    %dma_start3A_10 = arith.constant 0 : i32
    %dma_start3A_11 = tpu.memref_slice %arg6[%dma_start3A_8, %dma_start3A_9, %dma_start3A_10] : memref<2x20x64xi32, #tpu.memory_space<vmem>> -> memref<1x20x64xi32, #tpu.memory_space<vmem>>
    %dma_start3A_12 = tpu.memref_squeeze %dma_start3A_11 : memref<1x20x64xi32, #tpu.memory_space<vmem>> -> memref<20x64xi32, #tpu.memory_space<vmem>>
    %dma_start3A_13 = arith.constant 0 : i32
    %dma_start3A_14 = arith.constant 0 : i32
    %dma_start3A_15 = arith.constant 0 : i32
    %dma_start3A_16 = tpu.memref_slice %arg3[%add3A, %dma_start3A_13, %dma_start3A_14, %dma_start3A_15] : memref<32x16x20x64xi32, #tpu.memory_space<hbm>> -> memref<1x16x20x64xi32, #tpu.memory_space<hbm>>
    %dma_start3A_17 = tpu.memref_squeeze %dma_start3A_16 : memref<1x16x20x64xi32, #tpu.memory_space<hbm>> -> memref<16x20x64xi32, #tpu.memory_space<hbm>>
    %dma_start3A_18 = arith.constant 0 : i32
    %dma_start3A_19 = arith.constant 0 : i32
    %dma_start3A_20 = tpu.memref_slice %dma_start3A_17[%dma_start3A, %dma_start3A_18, %dma_start3A_19] : memref<16x20x64xi32, #tpu.memory_space<hbm>> -> memref<1x20x64xi32, #tpu.memory_space<hbm>>
    %dma_start3A_21 = tpu.memref_squeeze %dma_start3A_20 : memref<1x20x64xi32, #tpu.memory_space<hbm>> -> memref<20x64xi32, #tpu.memory_space<hbm>>
    %dma_start3A_22 = arith.constant 0 : i32
    %dma_start3A_23 = arith.constant 0 : i32
    %dma_start3A_24 = tpu.memref_slice %arg6[%dma_start3A_8, %dma_start3A_22, %dma_start3A_23] : memref<2x20x64xi32, #tpu.memory_space<vmem>> -> memref<1x20x64xi32, #tpu.memory_space<vmem>>
    %dma_start3A_25 = tpu.memref_squeeze %dma_start3A_24 : memref<1x20x64xi32, #tpu.memory_space<vmem>> -> memref<20x64xi32, #tpu.memory_space<vmem>>
    %dma_start3A_26 = arith.constant 0 : i32
    %dma_start3A_27 = arith.constant 0 : i32
    %dma_start3A_28 = arith.constant 0 : i32
    %dma_start3A_29 = tpu.memref_slice %arg3[%add3A, %dma_start3A_26, %dma_start3A_27, %dma_start3A_28] : memref<32x16x20x64xi32, #tpu.memory_space<hbm>> -> memref<1x16x20x64xi32, #tpu.memory_space<hbm>>
    %dma_start3A_30 = tpu.memref_squeeze %dma_start3A_29 : memref<1x16x20x64xi32, #tpu.memory_space<hbm>> -> memref<16x20x64xi32, #tpu.memory_space<hbm>>
    %dma_start3A_31 = arith.constant 0 : i32
    %dma_start3A_32 = arith.constant 0 : i32
    %dma_start3A_33 = tpu.memref_slice %dma_start3A_30[%dma_start3A, %dma_start3A_31, %dma_start3A_32] : memref<16x20x64xi32, #tpu.memory_space<hbm>> -> memref<1x20x64xi32, #tpu.memory_space<hbm>>
    %dma_start3A_34 = tpu.memref_squeeze %dma_start3A_33 : memref<1x20x64xi32, #tpu.memory_space<hbm>> -> memref<20x64xi32, #tpu.memory_space<hbm>>
    tpu.enqueue_dma source(%dma_start3A_34 : memref<20x64xi32, #tpu.memory_space<hbm>>) target(%dma_start3A_25 : memref<20x64xi32, #tpu.memory_space<vmem>>) target_semaphore(%arg11 : memref<!tpu.dma_semaphore, #tpu.memory_space<semaphore_mem>>)
    %dma_start3A_35 = arith.constant 0 : i32
    %dma_start3A_36 = arith.constant 0 : i32
    %dma_start3A_37 = arith.constant 0 : i32
    %dma_start3A_38 = arith.constant 0 : i32
    %dma_start3A_39 = tpu.memref_slice %arg7[%dma_start3A_36, %dma_start3A_37, %dma_start3A_38] : memref<2x20x64xi32, #tpu.memory_space<vmem>> -> memref<1x20x64xi32, #tpu.memory_space<vmem>>
    %dma_start3A_40 = tpu.memref_squeeze %dma_start3A_39 : memref<1x20x64xi32, #tpu.memory_space<vmem>> -> memref<20x64xi32, #tpu.memory_space<vmem>>
    %dma_start3A_41 = arith.constant 0 : i32
    %dma_start3A_42 = arith.constant 0 : i32
    %dma_start3A_43 = arith.constant 0 : i32
    %dma_start3A_44 = tpu.memref_slice %arg4[%arg1, %dma_start3A_41, %dma_start3A_42, %dma_start3A_43] : memref<16x16x20x64xi32, #tpu.memory_space<hbm>> -> memref<1x16x20x64xi32, #tpu.memory_space<hbm>>
    %dma_start3A_45 = tpu.memref_squeeze %dma_start3A_44 : memref<1x16x20x64xi32, #tpu.memory_space<hbm>> -> memref<16x20x64xi32, #tpu.memory_space<hbm>>
    %dma_start3A_46 = arith.constant 0 : i32
    %dma_start3A_47 = arith.constant 0 : i32
    %dma_start3A_48 = tpu.memref_slice %dma_start3A_45[%dma_start3A_35, %dma_start3A_46, %dma_start3A_47] : memref<16x20x64xi32, #tpu.memory_space<hbm>> -> memref<1x20x64xi32, #tpu.memory_space<hbm>>
    %dma_start3A_49 = tpu.memref_squeeze %dma_start3A_48 : memref<1x20x64xi32, #tpu.memory_space<hbm>> -> memref<20x64xi32, #tpu.memory_space<hbm>>
    %dma_start3A_50 = arith.constant 0 : i32
    %dma_start3A_51 = arith.constant 0 : i32
    %dma_start3A_52 = tpu.memref_slice %arg7[%dma_start3A_36, %dma_start3A_50, %dma_start3A_51] : memref<2x20x64xi32, #tpu.memory_space<vmem>> -> memref<1x20x64xi32, #tpu.memory_space<vmem>>
    %dma_start3A_53 = tpu.memref_squeeze %dma_start3A_52 : memref<1x20x64xi32, #tpu.memory_space<vmem>> -> memref<20x64xi32, #tpu.memory_space<vmem>>
    %dma_start3A_54 = arith.constant 0 : i32
    %dma_start3A_55 = arith.constant 0 : i32
    %dma_start3A_56 = arith.constant 0 : i32
    %dma_start3A_57 = tpu.memref_slice %arg4[%arg1, %dma_start3A_54, %dma_start3A_55, %dma_start3A_56] : memref<16x16x20x64xi32, #tpu.memory_space<hbm>> -> memref<1x16x20x64xi32, #tpu.memory_space<hbm>>
    %dma_start3A_58 = tpu.memref_squeeze %dma_start3A_57 : memref<1x16x20x64xi32, #tpu.memory_space<hbm>> -> memref<16x20x64xi32, #tpu.memory_space<hbm>>
    %dma_start3A_59 = arith.constant 0 : i32
    %dma_start3A_60 = arith.constant 0 : i32
    %dma_start3A_61 = tpu.memref_slice %dma_start3A_58[%dma_start3A_35, %dma_start3A_59, %dma_start3A_60] : memref<16x20x64xi32, #tpu.memory_space<hbm>> -> memref<1x20x64xi32, #tpu.memory_space<hbm>>
    %dma_start3A_62 = tpu.memref_squeeze %dma_start3A_61 : memref<1x20x64xi32, #tpu.memory_space<hbm>> -> memref<20x64xi32, #tpu.memory_space<hbm>>
    tpu.enqueue_dma source(%dma_start3A_62 : memref<20x64xi32, #tpu.memory_space<hbm>>) target(%dma_start3A_53 : memref<20x64xi32, #tpu.memory_space<vmem>>) target_semaphore(%arg11 : memref<!tpu.dma_semaphore, #tpu.memory_space<semaphore_mem>>)
    %scan3A = arith.constant 0 : i32
    %scan3A_63 = arith.constant 0 : i32
    %scan3A_64 = arith.constant 16 : i32
    %scan3A_65 = arith.addi %scan3A_63, %scan3A_64 : i32
    %scan3A_66 = arith.constant 1 : i32
    scf.for %scan3A_76 = %scan3A_63 to %scan3A_65 step %scan3A_66  : i32 {
      %rem3A = arith.constant 2 : i32
      %rem3A_77 = arith.remsi %scan3A_76, %rem3A : i32
      %dma_wait3A = arith.constant 0 : i32
      %dma_wait3A_78 = arith.constant 0 : i32
      %dma_wait3A_79 = tpu.memref_slice %arg6[%rem3A_77, %dma_wait3A, %dma_wait3A_78] : memref<2x20x64xi32, #tpu.memory_space<vmem>> -> memref<1x20x64xi32, #tpu.memory_space<vmem>>
      %dma_wait3A_80 = tpu.memref_squeeze %dma_wait3A_79 : memref<1x20x64xi32, #tpu.memory_space<vmem>> -> memref<20x64xi32, #tpu.memory_space<vmem>>
      %dma_wait3A_81 = arith.constant 0 : i32
      %dma_wait3A_82 = arith.constant 0 : i32
      %dma_wait3A_83 = arith.constant 0 : i32
      %dma_wait3A_84 = tpu.memref_slice %arg3[%add3A, %dma_wait3A_81, %dma_wait3A_82, %dma_wait3A_83] : memref<32x16x20x64xi32, #tpu.memory_space<hbm>> -> memref<1x16x20x64xi32, #tpu.memory_space<hbm>>
      %dma_wait3A_85 = tpu.memref_squeeze %dma_wait3A_84 : memref<1x16x20x64xi32, #tpu.memory_space<hbm>> -> memref<16x20x64xi32, #tpu.memory_space<hbm>>
      %dma_wait3A_86 = arith.constant 0 : i32
      %dma_wait3A_87 = arith.constant 0 : i32
      %dma_wait3A_88 = tpu.memref_slice %dma_wait3A_85[%scan3A_76, %dma_wait3A_86, %dma_wait3A_87] : memref<16x20x64xi32, #tpu.memory_space<hbm>> -> memref<1x20x64xi32, #tpu.memory_space<hbm>>
      %dma_wait3A_89 = tpu.memref_squeeze %dma_wait3A_88 : memref<1x20x64xi32, #tpu.memory_space<hbm>> -> memref<20x64xi32, #tpu.memory_space<hbm>>
      %dma_wait3A_90 = arith.constant 0 : i32
      %dma_wait3A_91 = arith.constant 0 : i32
      %dma_wait3A_92 = tpu.memref_slice %arg6[%rem3A_77, %dma_wait3A_90, %dma_wait3A_91] : memref<2x20x64xi32, #tpu.memory_space<vmem>> -> memref<1x20x64xi32, #tpu.memory_space<vmem>>
      %dma_wait3A_93 = tpu.memref_squeeze %dma_wait3A_92 : memref<1x20x64xi32, #tpu.memory_space<vmem>> -> memref<20x64xi32, #tpu.memory_space<vmem>>
      %dma_wait3A_94 = arith.constant 0 : i32
      %dma_wait3A_95 = arith.constant 0 : i32
      %dma_wait3A_96 = arith.constant 0 : i32
      %dma_wait3A_97 = tpu.memref_slice %arg3[%add3A, %dma_wait3A_94, %dma_wait3A_95, %dma_wait3A_96] : memref<32x16x20x64xi32, #tpu.memory_space<hbm>> -> memref<1x16x20x64xi32, #tpu.memory_space<hbm>>
      %dma_wait3A_98 = tpu.memref_squeeze %dma_wait3A_97 : memref<1x16x20x64xi32, #tpu.memory_space<hbm>> -> memref<16x20x64xi32, #tpu.memory_space<hbm>>
      %dma_wait3A_99 = arith.constant 0 : i32
      %dma_wait3A_100 = arith.constant 0 : i32
      %dma_wait3A_101 = tpu.memref_slice %dma_wait3A_98[%scan3A_76, %dma_wait3A_99, %dma_wait3A_100] : memref<16x20x64xi32, #tpu.memory_space<hbm>> -> memref<1x20x64xi32, #tpu.memory_space<hbm>>
      %dma_wait3A_102 = tpu.memref_squeeze %dma_wait3A_101 : memref<1x20x64xi32, #tpu.memory_space<hbm>> -> memref<20x64xi32, #tpu.memory_space<hbm>>
      tpu.wait_dma2 semaphore(%arg11 : memref<!tpu.dma_semaphore, #tpu.memory_space<semaphore_mem>>) src(%dma_wait3A_102 : memref<20x64xi32, #tpu.memory_space<hbm>>) dst(%dma_wait3A_93 : memref<20x64xi32, #tpu.memory_space<vmem>>)
      %dma_wait3A_103 = arith.constant 0 : i32
      %dma_wait3A_104 = arith.constant 0 : i32
      %dma_wait3A_105 = tpu.memref_slice %arg7[%rem3A_77, %dma_wait3A_103, %dma_wait3A_104] : memref<2x20x64xi32, #tpu.memory_space<vmem>> -> memref<1x20x64xi32, #tpu.memory_space<vmem>>
      %dma_wait3A_106 = tpu.memref_squeeze %dma_wait3A_105 : memref<1x20x64xi32, #tpu.memory_space<vmem>> -> memref<20x64xi32, #tpu.memory_space<vmem>>
      %dma_wait3A_107 = arith.constant 0 : i32
      %dma_wait3A_108 = arith.constant 0 : i32
      %dma_wait3A_109 = arith.constant 0 : i32
      %dma_wait3A_110 = tpu.memref_slice %arg4[%arg1, %dma_wait3A_107, %dma_wait3A_108, %dma_wait3A_109] : memref<16x16x20x64xi32, #tpu.memory_space<hbm>> -> memref<1x16x20x64xi32, #tpu.memory_space<hbm>>
      %dma_wait3A_111 = tpu.memref_squeeze %dma_wait3A_110 : memref<1x16x20x64xi32, #tpu.memory_space<hbm>> -> memref<16x20x64xi32, #tpu.memory_space<hbm>>
      %dma_wait3A_112 = arith.constant 0 : i32
      %dma_wait3A_113 = arith.constant 0 : i32
      %dma_wait3A_114 = tpu.memref_slice %dma_wait3A_111[%scan3A_76, %dma_wait3A_112, %dma_wait3A_113] : memref<16x20x64xi32, #tpu.memory_space<hbm>> -> memref<1x20x64xi32, #tpu.memory_space<hbm>>
      %dma_wait3A_115 = tpu.memref_squeeze %dma_wait3A_114 : memref<1x20x64xi32, #tpu.memory_space<hbm>> -> memref<20x64xi32, #tpu.memory_space<hbm>>
      %dma_wait3A_116 = arith.constant 0 : i32
      %dma_wait3A_117 = arith.constant 0 : i32
      %dma_wait3A_118 = tpu.memref_slice %arg7[%rem3A_77, %dma_wait3A_116, %dma_wait3A_117] : memref<2x20x64xi32, #tpu.memory_space<vmem>> -> memref<1x20x64xi32, #tpu.memory_space<vmem>>
      %dma_wait3A_119 = tpu.memref_squeeze %dma_wait3A_118 : memref<1x20x64xi32, #tpu.memory_space<vmem>> -> memref<20x64xi32, #tpu.memory_space<vmem>>
      %dma_wait3A_120 = arith.constant 0 : i32
      %dma_wait3A_121 = arith.constant 0 : i32
      %dma_wait3A_122 = arith.constant 0 : i32
      %dma_wait3A_123 = tpu.memref_slice %arg4[%arg1, %dma_wait3A_120, %dma_wait3A_121, %dma_wait3A_122] : memref<16x16x20x64xi32, #tpu.memory_space<hbm>> -> memref<1x16x20x64xi32, #tpu.memory_space<hbm>>
      %dma_wait3A_124 = tpu.memref_squeeze %dma_wait3A_123 : memref<1x16x20x64xi32, #tpu.memory_space<hbm>> -> memref<16x20x64xi32, #tpu.memory_space<hbm>>
      %dma_wait3A_125 = arith.constant 0 : i32
      %dma_wait3A_126 = arith.constant 0 : i32
      %dma_wait3A_127 = tpu.memref_slice %dma_wait3A_124[%scan3A_76, %dma_wait3A_125, %dma_wait3A_126] : memref<16x20x64xi32, #tpu.memory_space<hbm>> -> memref<1x20x64xi32, #tpu.memory_space<hbm>>
      %dma_wait3A_128 = tpu.memref_squeeze %dma_wait3A_127 : memref<1x20x64xi32, #tpu.memory_space<hbm>> -> memref<20x64xi32, #tpu.memory_space<hbm>>
      tpu.wait_dma2 semaphore(%arg11 : memref<!tpu.dma_semaphore, #tpu.memory_space<semaphore_mem>>) src(%dma_wait3A_128 : memref<20x64xi32, #tpu.memory_space<hbm>>) dst(%dma_wait3A_119 : memref<20x64xi32, #tpu.memory_space<vmem>>)
      %add3A_129 = arith.constant 1 : i32
      %add3A_130 = arith.addi %scan3A_76, %add3A_129 : i32
      %lt3A = arith.constant 16 : i32
      %lt3A_131 = arith.cmpi slt, %add3A_130, %lt3A : i32
      %convert_element_type3A = arith.extui %lt3A_131 : i1 to i32
      %cond3A = arith.constant 0 : i32
      %cond3A_132 = arith.cmpi ne, %convert_element_type3A, %cond3A : i32
      scf.if %cond3A_132 {
        %sub3A = arith.constant 1 : i32
        %sub3A_196 = arith.subi %sub3A, %rem3A_77 : i32
        %add3A_197 = arith.constant 1 : i32
        %add3A_198 = arith.addi %scan3A_76, %add3A_197 : i32
        %dma_start3A_199 = arith.constant 0 : i32
        %dma_start3A_200 = arith.constant 0 : i32
        %dma_start3A_201 = tpu.memref_slice %arg6[%sub3A_196, %dma_start3A_199, %dma_start3A_200] : memref<2x20x64xi32, #tpu.memory_space<vmem>> -> memref<1x20x64xi32, #tpu.memory_space<vmem>>
        %dma_start3A_202 = tpu.memref_squeeze %dma_start3A_201 : memref<1x20x64xi32, #tpu.memory_space<vmem>> -> memref<20x64xi32, #tpu.memory_space<vmem>>
        %dma_start3A_203 = arith.constant 0 : i32
        %dma_start3A_204 = arith.constant 0 : i32
        %dma_start3A_205 = arith.constant 0 : i32
        %dma_start3A_206 = tpu.memref_slice %arg3[%add3A, %dma_start3A_203, %dma_start3A_204, %dma_start3A_205] : memref<32x16x20x64xi32, #tpu.memory_space<hbm>> -> memref<1x16x20x64xi32, #tpu.memory_space<hbm>>
        %dma_start3A_207 = tpu.memref_squeeze %dma_start3A_206 : memref<1x16x20x64xi32, #tpu.memory_space<hbm>> -> memref<16x20x64xi32, #tpu.memory_space<hbm>>
        %dma_start3A_208 = arith.constant 0 : i32
        %dma_start3A_209 = arith.constant 0 : i32
        %dma_start3A_210 = tpu.memref_slice %dma_start3A_207[%add3A_198, %dma_start3A_208, %dma_start3A_209] : memref<16x20x64xi32, #tpu.memory_space<hbm>> -> memref<1x20x64xi32, #tpu.memory_space<hbm>>
        %dma_start3A_211 = tpu.memref_squeeze %dma_start3A_210 : memref<1x20x64xi32, #tpu.memory_space<hbm>> -> memref<20x64xi32, #tpu.memory_space<hbm>>
        %dma_start3A_212 = arith.constant 0 : i32
        %dma_start3A_213 = arith.constant 0 : i32
        %dma_start3A_214 = tpu.memref_slice %arg6[%sub3A_196, %dma_start3A_212, %dma_start3A_213] : memref<2x20x64xi32, #tpu.memory_space<vmem>> -> memref<1x20x64xi32, #tpu.memory_space<vmem>>
        %dma_start3A_215 = tpu.memref_squeeze %dma_start3A_214 : memref<1x20x64xi32, #tpu.memory_space<vmem>> -> memref<20x64xi32, #tpu.memory_space<vmem>>
        %dma_start3A_216 = arith.constant 0 : i32
        %dma_start3A_217 = arith.constant 0 : i32
        %dma_start3A_218 = arith.constant 0 : i32
        %dma_start3A_219 = tpu.memref_slice %arg3[%add3A, %dma_start3A_216, %dma_start3A_217, %dma_start3A_218] : memref<32x16x20x64xi32, #tpu.memory_space<hbm>> -> memref<1x16x20x64xi32, #tpu.memory_space<hbm>>
        %dma_start3A_220 = tpu.memref_squeeze %dma_start3A_219 : memref<1x16x20x64xi32, #tpu.memory_space<hbm>> -> memref<16x20x64xi32, #tpu.memory_space<hbm>>
        %dma_start3A_221 = arith.constant 0 : i32
        %dma_start3A_222 = arith.constant 0 : i32
        %dma_start3A_223 = tpu.memref_slice %dma_start3A_220[%add3A_198, %dma_start3A_221, %dma_start3A_222] : memref<16x20x64xi32, #tpu.memory_space<hbm>> -> memref<1x20x64xi32, #tpu.memory_space<hbm>>
        %dma_start3A_224 = tpu.memref_squeeze %dma_start3A_223 : memref<1x20x64xi32, #tpu.memory_space<hbm>> -> memref<20x64xi32, #tpu.memory_space<hbm>>
        tpu.enqueue_dma source(%dma_start3A_224 : memref<20x64xi32, #tpu.memory_space<hbm>>) target(%dma_start3A_215 : memref<20x64xi32, #tpu.memory_space<vmem>>) target_semaphore(%arg11 : memref<!tpu.dma_semaphore, #tpu.memory_space<semaphore_mem>>)
        %add3A_225 = arith.constant 1 : i32
        %add3A_226 = arith.addi %scan3A_76, %add3A_225 : i32
        %dma_start3A_227 = arith.constant 0 : i32
        %dma_start3A_228 = arith.constant 0 : i32
        %dma_start3A_229 = tpu.memref_slice %arg7[%sub3A_196, %dma_start3A_227, %dma_start3A_228] : memref<2x20x64xi32, #tpu.memory_space<vmem>> -> memref<1x20x64xi32, #tpu.memory_space<vmem>>
        %dma_start3A_230 = tpu.memref_squeeze %dma_start3A_229 : memref<1x20x64xi32, #tpu.memory_space<vmem>> -> memref<20x64xi32, #tpu.memory_space<vmem>>
        %dma_start3A_231 = arith.constant 0 : i32
        %dma_start3A_232 = arith.constant 0 : i32
        %dma_start3A_233 = arith.constant 0 : i32
        %dma_start3A_234 = tpu.memref_slice %arg4[%arg1, %dma_start3A_231, %dma_start3A_232, %dma_start3A_233] : memref<16x16x20x64xi32, #tpu.memory_space<hbm>> -> memref<1x16x20x64xi32, #tpu.memory_space<hbm>>
        %dma_start3A_235 = tpu.memref_squeeze %dma_start3A_234 : memref<1x16x20x64xi32, #tpu.memory_space<hbm>> -> memref<16x20x64xi32, #tpu.memory_space<hbm>>
        %dma_start3A_236 = arith.constant 0 : i32
        %dma_start3A_237 = arith.constant 0 : i32
        %dma_start3A_238 = tpu.memref_slice %dma_start3A_235[%add3A_226, %dma_start3A_236, %dma_start3A_237] : memref<16x20x64xi32, #tpu.memory_space<hbm>> -> memref<1x20x64xi32, #tpu.memory_space<hbm>>
        %dma_start3A_239 = tpu.memref_squeeze %dma_start3A_238 : memref<1x20x64xi32, #tpu.memory_space<hbm>> -> memref<20x64xi32, #tpu.memory_space<hbm>>
        %dma_start3A_240 = arith.constant 0 : i32
        %dma_start3A_241 = arith.constant 0 : i32
        %dma_start3A_242 = tpu.memref_slice %arg7[%sub3A_196, %dma_start3A_240, %dma_start3A_241] : memref<2x20x64xi32, #tpu.memory_space<vmem>> -> memref<1x20x64xi32, #tpu.memory_space<vmem>>
        %dma_start3A_243 = tpu.memref_squeeze %dma_start3A_242 : memref<1x20x64xi32, #tpu.memory_space<vmem>> -> memref<20x64xi32, #tpu.memory_space<vmem>>
        %dma_start3A_244 = arith.constant 0 : i32
        %dma_start3A_245 = arith.constant 0 : i32
        %dma_start3A_246 = arith.constant 0 : i32
        %dma_start3A_247 = tpu.memref_slice %arg4[%arg1, %dma_start3A_244, %dma_start3A_245, %dma_start3A_246] : memref<16x16x20x64xi32, #tpu.memory_space<hbm>> -> memref<1x16x20x64xi32, #tpu.memory_space<hbm>>
        %dma_start3A_248 = tpu.memref_squeeze %dma_start3A_247 : memref<1x16x20x64xi32, #tpu.memory_space<hbm>> -> memref<16x20x64xi32, #tpu.memory_space<hbm>>
        %dma_start3A_249 = arith.constant 0 : i32
        %dma_start3A_250 = arith.constant 0 : i32
        %dma_start3A_251 = tpu.memref_slice %dma_start3A_248[%add3A_226, %dma_start3A_249, %dma_start3A_250] : memref<16x20x64xi32, #tpu.memory_space<hbm>> -> memref<1x20x64xi32, #tpu.memory_space<hbm>>
        %dma_start3A_252 = tpu.memref_squeeze %dma_start3A_251 : memref<1x20x64xi32, #tpu.memory_space<hbm>> -> memref<20x64xi32, #tpu.memory_space<hbm>>
        tpu.enqueue_dma source(%dma_start3A_252 : memref<20x64xi32, #tpu.memory_space<hbm>>) target(%dma_start3A_243 : memref<20x64xi32, #tpu.memory_space<vmem>>) target_semaphore(%arg11 : memref<!tpu.dma_semaphore, #tpu.memory_space<semaphore_mem>>)
      } else {
      }
      %dma_start3A_133 = arith.constant 0 : i32
      %dma_start3A_134 = arith.constant 0 : i32
      %dma_start3A_135 = arith.constant 0 : i32
      %dma_start3A_136 = arith.constant 0 : i32
      %dma_start3A_137 = arith.constant 0 : i32
      %dma_start3A_138 = tpu.memref_slice %arg8[%dma_start3A_134, %dma_start3A_136, %dma_start3A_137] : memref<4x64x128xf32, #tpu.memory_space<vmem>> -> memref<1x64x128xf32, #tpu.memory_space<vmem>>
      %dma_start3A_139 = tpu.memref_squeeze %dma_start3A_138 : memref<1x64x128xf32, #tpu.memory_space<vmem>> -> memref<64x128xf32, #tpu.memory_space<vmem>>
      %dma_start3A_140 = arith.constant 0 : i32
      %dma_start3A_141 = arith.constant 0 : i32
      %dma_start3A_142 = tpu.memref_slice %arg6[%rem3A_77, %dma_start3A_140, %dma_start3A_141] : memref<2x20x64xi32, #tpu.memory_space<vmem>> -> memref<1x20x64xi32, #tpu.memory_space<vmem>>
      %dma_start3A_143 = tpu.memref_squeeze %dma_start3A_142 : memref<1x20x64xi32, #tpu.memory_space<vmem>> -> memref<20x64xi32, #tpu.memory_space<vmem>>
      %dma_start3A_144 = arith.constant 0 : i32
      %dma_start3A_145 = tpu.memref_slice %dma_start3A_143[%dma_start3A_133, %dma_start3A_144] : memref<20x64xi32, #tpu.memory_space<vmem>> -> memref<1x64xi32, #tpu.memory_space<vmem>>
      %dma_start3A_146 = tpu.memref_squeeze %dma_start3A_145 : memref<1x64xi32, #tpu.memory_space<vmem>> -> memref<64xi32, #tpu.memory_space<vmem>>
      %dma_start3A_147 = arith.constant 0 : i32
      %dma_start3A_148 = arith.constant 0 : i32
      %dma_start3A_149 = tpu.memref_slice %arg2[%dma_start3A_147, %dma_start3A_148] : memref<20480x128xf32, #tpu.memory_space<hbm>> -> memref<20480x128xf32, #tpu.memory_space<hbm>>
      %dma_start3A_150 = tpu.memref_slice %arg10[%dma_start3A_135] : memref<4x!tpu.dma_semaphore, #tpu.memory_space<semaphore_mem>> -> memref<1x!tpu.dma_semaphore, #tpu.memory_space<semaphore_mem>>
      %dma_start3A_151 = tpu.memref_squeeze %dma_start3A_150 : memref<1x!tpu.dma_semaphore, #tpu.memory_space<semaphore_mem>> -> memref<!tpu.dma_semaphore, #tpu.memory_space<semaphore_mem>>
      tpu.enqueue_indirect_dma source(%dma_start3A_149 : memref<20480x128xf32, #tpu.memory_space<hbm>>) target(%dma_start3A_139 : memref<64x128xf32, #tpu.memory_space<vmem>>) offsets(%dma_start3A_146 : memref<64xi32, #tpu.memory_space<vmem>>) semaphore(%dma_start3A_151 : memref<!tpu.dma_semaphore, #tpu.memory_space<semaphore_mem>>)
      %dma_start3A_152 = arith.constant 1 : i32
      %dma_start3A_153 = arith.constant 1 : i32
      %dma_start3A_154 = arith.constant 1 : i32
      %dma_start3A_155 = arith.constant 0 : i32
      %dma_start3A_156 = arith.constant 0 : i32
      %dma_start3A_157 = tpu.memref_slice %arg8[%dma_start3A_153, %dma_start3A_155, %dma_start3A_156] : memref<4x64x128xf32, #tpu.memory_space<vmem>> -> memref<1x64x128xf32, #tpu.memory_space<vmem>>
      %dma_start3A_158 = tpu.memref_squeeze %dma_start3A_157 : memref<1x64x128xf32, #tpu.memory_space<vmem>> -> memref<64x128xf32, #tpu.memory_space<vmem>>
      %dma_start3A_159 = arith.constant 0 : i32
      %dma_start3A_160 = arith.constant 0 : i32
      %dma_start3A_161 = tpu.memref_slice %arg6[%rem3A_77, %dma_start3A_159, %dma_start3A_160] : memref<2x20x64xi32, #tpu.memory_space<vmem>> -> memref<1x20x64xi32, #tpu.memory_space<vmem>>
      %dma_start3A_162 = tpu.memref_squeeze %dma_start3A_161 : memref<1x20x64xi32, #tpu.memory_space<vmem>> -> memref<20x64xi32, #tpu.memory_space<vmem>>
      %dma_start3A_163 = arith.constant 0 : i32
      %dma_start3A_164 = tpu.memref_slice %dma_start3A_162[%dma_start3A_152, %dma_start3A_163] : memref<20x64xi32, #tpu.memory_space<vmem>> -> memref<1x64xi32, #tpu.memory_space<vmem>>
      %dma_start3A_165 = tpu.memref_squeeze %dma_start3A_164 : memref<1x64xi32, #tpu.memory_space<vmem>> -> memref<64xi32, #tpu.memory_space<vmem>>
      %dma_start3A_166 = arith.constant 0 : i32
      %dma_start3A_167 = arith.constant 0 : i32
      %dma_start3A_168 = tpu.memref_slice %arg2[%dma_start3A_166, %dma_start3A_167] : memref<20480x128xf32, #tpu.memory_space<hbm>> -> memref<20480x128xf32, #tpu.memory_space<hbm>>
      %dma_start3A_169 = tpu.memref_slice %arg10[%dma_start3A_154] : memref<4x!tpu.dma_semaphore, #tpu.memory_space<semaphore_mem>> -> memref<1x!tpu.dma_semaphore, #tpu.memory_space<semaphore_mem>>
      %dma_start3A_170 = tpu.memref_squeeze %dma_start3A_169 : memref<1x!tpu.dma_semaphore, #tpu.memory_space<semaphore_mem>> -> memref<!tpu.dma_semaphore, #tpu.memory_space<semaphore_mem>>
      tpu.enqueue_indirect_dma source(%dma_start3A_168 : memref<20480x128xf32, #tpu.memory_space<hbm>>) target(%dma_start3A_158 : memref<64x128xf32, #tpu.memory_space<vmem>>) offsets(%dma_start3A_165 : memref<64xi32, #tpu.memory_space<vmem>>) semaphore(%dma_start3A_170 : memref<!tpu.dma_semaphore, #tpu.memory_space<semaphore_mem>>)
      %dma_start3A_171 = arith.constant 2 : i32
      %dma_start3A_172 = arith.constant 2 : i32
      %dma_start3A_173 = arith.constant 2 : i32
      %dma_start3A_174 = arith.constant 0 : i32
      %dma_start3A_175 = arith.constant 0 : i32
      %dma_start3A_176 = tpu.memref_slice %arg8[%dma_start3A_172, %dma_start3A_174, %dma_start3A_175] : memref<4x64x128xf32, #tpu.memory_space<vmem>> -> memref<1x64x128xf32, #tpu.memory_space<vmem>>
      %dma_start3A_177 = tpu.memref_squeeze %dma_start3A_176 : memref<1x64x128xf32, #tpu.memory_space<vmem>> -> memref<64x128xf32, #tpu.memory_space<vmem>>
      %dma_start3A_178 = arith.constant 0 : i32
      %dma_start3A_179 = arith.constant 0 : i32
      %dma_start3A_180 = tpu.memref_slice %arg6[%rem3A_77, %dma_start3A_178, %dma_start3A_179] : memref<2x20x64xi32, #tpu.memory_space<vmem>> -> memref<1x20x64xi32, #tpu.memory_space<vmem>>
      %dma_start3A_181 = tpu.memref_squeeze %dma_start3A_180 : memref<1x20x64xi32, #tpu.memory_space<vmem>> -> memref<20x64xi32, #tpu.memory_space<vmem>>
      %dma_start3A_182 = arith.constant 0 : i32
      %dma_start3A_183 = tpu.memref_slice %dma_start3A_181[%dma_start3A_171, %dma_start3A_182] : memref<20x64xi32, #tpu.memory_space<vmem>> -> memref<1x64xi32, #tpu.memory_space<vmem>>
      %dma_start3A_184 = tpu.memref_squeeze %dma_start3A_183 : memref<1x64xi32, #tpu.memory_space<vmem>> -> memref<64xi32, #tpu.memory_space<vmem>>
      %dma_start3A_185 = arith.constant 0 : i32
      %dma_start3A_186 = arith.constant 0 : i32
      %dma_start3A_187 = tpu.memref_slice %arg2[%dma_start3A_185, %dma_start3A_186] : memref<20480x128xf32, #tpu.memory_space<hbm>> -> memref<20480x128xf32, #tpu.memory_space<hbm>>
      %dma_start3A_188 = tpu.memref_slice %arg10[%dma_start3A_173] : memref<4x!tpu.dma_semaphore, #tpu.memory_space<semaphore_mem>> -> memref<1x!tpu.dma_semaphore, #tpu.memory_space<semaphore_mem>>
      %dma_start3A_189 = tpu.memref_squeeze %dma_start3A_188 : memref<1x!tpu.dma_semaphore, #tpu.memory_space<semaphore_mem>> -> memref<!tpu.dma_semaphore, #tpu.memory_space<semaphore_mem>>
      tpu.enqueue_indirect_dma source(%dma_start3A_187 : memref<20480x128xf32, #tpu.memory_space<hbm>>) target(%dma_start3A_177 : memref<64x128xf32, #tpu.memory_space<vmem>>) offsets(%dma_start3A_184 : memref<64xi32, #tpu.memory_space<vmem>>) semaphore(%dma_start3A_189 : memref<!tpu.dma_semaphore, #tpu.memory_space<semaphore_mem>>)
      %scan3A_190 = arith.constant 0 : i32
      %scan3A_191 = arith.constant 0 : i32
      %scan3A_192 = arith.constant 20 : i32
      %scan3A_193 = arith.addi %scan3A_191, %scan3A_192 : i32
      %scan3A_194 = arith.constant 1 : i32
      scf.for %scan3A_196 = %scan3A_191 to %scan3A_193 step %scan3A_194  : i32 {
        %rem3A_197 = arith.constant 4 : i32
        %rem3A_198 = arith.remsi %scan3A_196, %rem3A_197 : i32
        %dma_wait3A_199 = arith.constant 0 : i32
        %dma_wait3A_200 = arith.constant 0 : i32
        %dma_wait3A_201 = tpu.memref_slice %arg8[%rem3A_198, %dma_wait3A_199, %dma_wait3A_200] : memref<4x64x128xf32, #tpu.memory_space<vmem>> -> memref<1x64x128xf32, #tpu.memory_space<vmem>>
        %dma_wait3A_202 = tpu.memref_squeeze %dma_wait3A_201 : memref<1x64x128xf32, #tpu.memory_space<vmem>> -> memref<64x128xf32, #tpu.memory_space<vmem>>
        %dma_wait3A_203 = arith.constant 0 : i32
        %dma_wait3A_204 = arith.constant 0 : i32
        %dma_wait3A_205 = tpu.memref_slice %arg6[%rem3A_77, %dma_wait3A_203, %dma_wait3A_204] : memref<2x20x64xi32, #tpu.memory_space<vmem>> -> memref<1x20x64xi32, #tpu.memory_space<vmem>>
        %dma_wait3A_206 = tpu.memref_squeeze %dma_wait3A_205 : memref<1x20x64xi32, #tpu.memory_space<vmem>> -> memref<20x64xi32, #tpu.memory_space<vmem>>
        %dma_wait3A_207 = arith.constant 0 : i32
        %dma_wait3A_208 = tpu.memref_slice %dma_wait3A_206[%scan3A_196, %dma_wait3A_207] : memref<20x64xi32, #tpu.memory_space<vmem>> -> memref<1x64xi32, #tpu.memory_space<vmem>>
        %dma_wait3A_209 = tpu.memref_squeeze %dma_wait3A_208 : memref<1x64xi32, #tpu.memory_space<vmem>> -> memref<64xi32, #tpu.memory_space<vmem>>
        %dma_wait3A_210 = arith.constant 0 : i32
        %dma_wait3A_211 = arith.constant 0 : i32
        %dma_wait3A_212 = tpu.memref_slice %arg2[%dma_wait3A_210, %dma_wait3A_211] : memref<20480x128xf32, #tpu.memory_space<hbm>> -> memref<20480x128xf32, #tpu.memory_space<hbm>>
        %dma_wait3A_213 = tpu.memref_slice %arg10[%rem3A_198] : memref<4x!tpu.dma_semaphore, #tpu.memory_space<semaphore_mem>> -> memref<1x!tpu.dma_semaphore, #tpu.memory_space<semaphore_mem>>
        %dma_wait3A_214 = tpu.memref_squeeze %dma_wait3A_213 : memref<1x!tpu.dma_semaphore, #tpu.memory_space<semaphore_mem>> -> memref<!tpu.dma_semaphore, #tpu.memory_space<semaphore_mem>>
        tpu.wait_indirect_dma semaphore(%dma_wait3A_214 : memref<!tpu.dma_semaphore, #tpu.memory_space<semaphore_mem>>) src(%dma_wait3A_212 : memref<20480x128xf32, #tpu.memory_space<hbm>>) dst(%dma_wait3A_202 : memref<64x128xf32, #tpu.memory_space<vmem>>)
        %add3A_215 = arith.constant 3 : i32
        %add3A_216 = arith.addi %scan3A_196, %add3A_215 : i32
        %lt3A_217 = arith.constant 20 : i32
        %lt3A_218 = arith.cmpi slt, %add3A_216, %lt3A_217 : i32
        %convert_element_type3A_219 = arith.extui %lt3A_218 : i1 to i32
        %cond3A_220 = arith.constant 0 : i32
        %cond3A_221 = arith.cmpi ne, %convert_element_type3A_219, %cond3A_220 : i32
        scf.if %cond3A_221 {
          %add3A_222 = arith.constant 3 : i32
          %add3A_223 = arith.addi %scan3A_196, %add3A_222 : i32
          %rem3A_224 = arith.constant 4 : i32
          %rem3A_225 = arith.remsi %add3A_223, %rem3A_224 : i32
          %add3A_226 = arith.constant 3 : i32
          %add3A_227 = arith.addi %scan3A_196, %add3A_226 : i32
          %dma_start3A_228 = arith.constant 0 : i32
          %dma_start3A_229 = arith.constant 0 : i32
          %dma_start3A_230 = tpu.memref_slice %arg8[%rem3A_225, %dma_start3A_228, %dma_start3A_229] : memref<4x64x128xf32, #tpu.memory_space<vmem>> -> memref<1x64x128xf32, #tpu.memory_space<vmem>>
          %dma_start3A_231 = tpu.memref_squeeze %dma_start3A_230 : memref<1x64x128xf32, #tpu.memory_space<vmem>> -> memref<64x128xf32, #tpu.memory_space<vmem>>
          %dma_start3A_232 = arith.constant 0 : i32
          %dma_start3A_233 = arith.constant 0 : i32
          %dma_start3A_234 = tpu.memref_slice %arg6[%rem3A_77, %dma_start3A_232, %dma_start3A_233] : memref<2x20x64xi32, #tpu.memory_space<vmem>> -> memref<1x20x64xi32, #tpu.memory_space<vmem>>
          %dma_start3A_235 = tpu.memref_squeeze %dma_start3A_234 : memref<1x20x64xi32, #tpu.memory_space<vmem>> -> memref<20x64xi32, #tpu.memory_space<vmem>>
          %dma_start3A_236 = arith.constant 0 : i32
          %dma_start3A_237 = tpu.memref_slice %dma_start3A_235[%add3A_227, %dma_start3A_236] : memref<20x64xi32, #tpu.memory_space<vmem>> -> memref<1x64xi32, #tpu.memory_space<vmem>>
          %dma_start3A_238 = tpu.memref_squeeze %dma_start3A_237 : memref<1x64xi32, #tpu.memory_space<vmem>> -> memref<64xi32, #tpu.memory_space<vmem>>
          %dma_start3A_239 = arith.constant 0 : i32
          %dma_start3A_240 = arith.constant 0 : i32
          %dma_start3A_241 = tpu.memref_slice %arg2[%dma_start3A_239, %dma_start3A_240] : memref<20480x128xf32, #tpu.memory_space<hbm>> -> memref<20480x128xf32, #tpu.memory_space<hbm>>
          %dma_start3A_242 = tpu.memref_slice %arg10[%rem3A_225] : memref<4x!tpu.dma_semaphore, #tpu.memory_space<semaphore_mem>> -> memref<1x!tpu.dma_semaphore, #tpu.memory_space<semaphore_mem>>
          %dma_start3A_243 = tpu.memref_squeeze %dma_start3A_242 : memref<1x!tpu.dma_semaphore, #tpu.memory_space<semaphore_mem>> -> memref<!tpu.dma_semaphore, #tpu.memory_space<semaphore_mem>>
          tpu.enqueue_indirect_dma source(%dma_start3A_241 : memref<20480x128xf32, #tpu.memory_space<hbm>>) target(%dma_start3A_231 : memref<64x128xf32, #tpu.memory_space<vmem>>) offsets(%dma_start3A_238 : memref<64xi32, #tpu.memory_space<vmem>>) semaphore(%dma_start3A_243 : memref<!tpu.dma_semaphore, #tpu.memory_space<semaphore_mem>>)
        } else {
        }
        "tpu.region"() ({
          %run_scoped3A = tpu.sem_alloc : memref<!tpu.dma_semaphore, #tpu.memory_space<semaphore_mem>>
          %dma_start3A_222 = arith.constant 0 : i32
          %dma_start3A_223 = arith.constant 0 : i32
          %dma_start3A_224 = tpu.memref_slice %arg8[%rem3A_198, %dma_start3A_222, %dma_start3A_223] : memref<4x64x128xf32, #tpu.memory_space<vmem>> -> memref<1x64x128xf32, #tpu.memory_space<vmem>>
          %dma_start3A_225 = tpu.memref_squeeze %dma_start3A_224 : memref<1x64x128xf32, #tpu.memory_space<vmem>> -> memref<64x128xf32, #tpu.memory_space<vmem>>
          %dma_start3A_226 = arith.constant 0 : i32
          %dma_start3A_227 = arith.constant 0 : i32
          %dma_start3A_228 = tpu.memref_slice %arg7[%rem3A_77, %dma_start3A_226, %dma_start3A_227] : memref<2x20x64xi32, #tpu.memory_space<vmem>> -> memref<1x20x64xi32, #tpu.memory_space<vmem>>
          %dma_start3A_229 = tpu.memref_squeeze %dma_start3A_228 : memref<1x20x64xi32, #tpu.memory_space<vmem>> -> memref<20x64xi32, #tpu.memory_space<vmem>>
          %dma_start3A_230 = arith.constant 0 : i32
          %dma_start3A_231 = tpu.memref_slice %dma_start3A_229[%scan3A_196, %dma_start3A_230] : memref<20x64xi32, #tpu.memory_space<vmem>> -> memref<1x64xi32, #tpu.memory_space<vmem>>
          %dma_start3A_232 = tpu.memref_squeeze %dma_start3A_231 : memref<1x64xi32, #tpu.memory_space<vmem>> -> memref<64xi32, #tpu.memory_space<vmem>>
          %dma_start3A_233 = arith.constant 0 : i32
          %dma_start3A_234 = arith.constant 0 : i32
          %dma_start3A_235 = tpu.memref_slice %arg9[%dma_start3A_233, %dma_start3A_234] : memref<10240x128xf32, #tpu.memory_space<vmem_shared>> -> memref<10240x128xf32, #tpu.memory_space<vmem_shared>>
          tpu.enqueue_indirect_dma source(%dma_start3A_225 : memref<64x128xf32, #tpu.memory_space<vmem>>) target(%dma_start3A_235 : memref<10240x128xf32, #tpu.memory_space<vmem_shared>>) offsets(%dma_start3A_232 : memref<64xi32, #tpu.memory_space<vmem>>) semaphore(%run_scoped3A : memref<!tpu.dma_semaphore, #tpu.memory_space<semaphore_mem>>) {add = true}
          %dma_wait3A_236 = arith.constant 0 : i32
          %dma_wait3A_237 = arith.constant 0 : i32
          %dma_wait3A_238 = tpu.memref_slice %arg8[%rem3A_198, %dma_wait3A_236, %dma_wait3A_237] : memref<4x64x128xf32, #tpu.memory_space<vmem>> -> memref<1x64x128xf32, #tpu.memory_space<vmem>>
          %dma_wait3A_239 = tpu.memref_squeeze %dma_wait3A_238 : memref<1x64x128xf32, #tpu.memory_space<vmem>> -> memref<64x128xf32, #tpu.memory_space<vmem>>
          %dma_wait3A_240 = arith.constant 0 : i32
          %dma_wait3A_241 = arith.constant 0 : i32
          %dma_wait3A_242 = tpu.memref_slice %arg7[%rem3A_77, %dma_wait3A_240, %dma_wait3A_241] : memref<2x20x64xi32, #tpu.memory_space<vmem>> -> memref<1x20x64xi32, #tpu.memory_space<vmem>>
          %dma_wait3A_243 = tpu.memref_squeeze %dma_wait3A_242 : memref<1x20x64xi32, #tpu.memory_space<vmem>> -> memref<20x64xi32, #tpu.memory_space<vmem>>
          %dma_wait3A_244 = arith.constant 0 : i32
          %dma_wait3A_245 = tpu.memref_slice %dma_wait3A_243[%scan3A_196, %dma_wait3A_244] : memref<20x64xi32, #tpu.memory_space<vmem>> -> memref<1x64xi32, #tpu.memory_space<vmem>>
          %dma_wait3A_246 = tpu.memref_squeeze %dma_wait3A_245 : memref<1x64xi32, #tpu.memory_space<vmem>> -> memref<64xi32, #tpu.memory_space<vmem>>
          %dma_wait3A_247 = arith.constant 0 : i32
          %dma_wait3A_248 = arith.constant 0 : i32
          %dma_wait3A_249 = tpu.memref_slice %arg9[%dma_wait3A_247, %dma_wait3A_248] : memref<10240x128xf32, #tpu.memory_space<vmem_shared>> -> memref<10240x128xf32, #tpu.memory_space<vmem_shared>>
          tpu.wait_indirect_dma semaphore(%run_scoped3A : memref<!tpu.dma_semaphore, #tpu.memory_space<semaphore_mem>>) src(%dma_wait3A_239 : memref<64x128xf32, #tpu.memory_space<vmem>>) dst(%dma_wait3A_249 : memref<10240x128xf32, #tpu.memory_space<vmem_shared>>)
          tpu.yield
        }) : () -> ()
      }
      %scan3A_195 = arith.constant 20 : i32
    }
    %scan3A_67 = arith.constant 16 : i32
    %barrier3A_68 = arith.constant 0 : index
    tpu.barrier barrier_id(%barrier3A_68)
    %mul3A_69 = arith.constant 640 : i32
    %mul3A_70 = arith.muli %arg1, %mul3A_69 : i32
    %mul3A_71 = arith.constant 10240 : i32
    %mul3A_72 = arith.muli %arg0, %mul3A_71 : i32
    %mul3A_73 = arith.constant 640 : i32
    %mul3A_74 = arith.muli %arg1, %mul3A_73 : i32
    %add3A_75 = arith.addi %mul3A_72, %mul3A_74 : i32
    "tpu.region"() ({
      %run_scoped3A = tpu.sem_alloc : memref<!tpu.dma_semaphore, #tpu.memory_space<semaphore_mem>>
      %dma_start3A_76 = arith.constant 0 : i32
      %dma_start3A_77 = tpu.memref_slice %arg5[%add3A_75, %dma_start3A_76] : memref<20480x128xf32, #tpu.memory_space<hbm>> -> memref<640x128xf32, #tpu.memory_space<hbm>>
      %dma_start3A_78 = arith.constant 0 : i32
      %dma_start3A_79 = tpu.memref_slice %arg9[%mul3A_70, %dma_start3A_78] : memref<10240x128xf32, #tpu.memory_space<vmem_shared>> -> memref<640x128xf32, #tpu.memory_space<vmem_shared>>
      tpu.enqueue_dma source(%dma_start3A_79 : memref<640x128xf32, #tpu.memory_space<vmem_shared>>) target(%dma_start3A_77 : memref<640x128xf32, #tpu.memory_space<hbm>>) target_semaphore(%run_scoped3A : memref<!tpu.dma_semaphore, #tpu.memory_space<semaphore_mem>>)
      %dma_wait3A = arith.constant 0 : i32
      %dma_wait3A_80 = tpu.memref_slice %arg5[%add3A_75, %dma_wait3A] : memref<20480x128xf32, #tpu.memory_space<hbm>> -> memref<640x128xf32, #tpu.memory_space<hbm>>
      %dma_wait3A_81 = arith.constant 0 : i32
      %dma_wait3A_82 = tpu.memref_slice %arg9[%mul3A_70, %dma_wait3A_81] : memref<10240x128xf32, #tpu.memory_space<vmem_shared>> -> memref<640x128xf32, #tpu.memory_space<vmem_shared>>
      tpu.wait_dma2 semaphore(%run_scoped3A : memref<!tpu.dma_semaphore, #tpu.memory_space<semaphore_mem>>) src(%dma_wait3A_82 : memref<640x128xf32, #tpu.memory_space<vmem_shared>>) dst(%dma_wait3A_80 : memref<640x128xf32, #tpu.memory_space<hbm>>)
      tpu.yield
    }) : () -> ()
    return
  }
}

#map = affine_map<(d0, d1) -> (0, 0, 0)>
#map1 = affine_map<(d0, d1) -> (0)>
module attributes {stable_mosaic.version = 14 : i64} {
  func.func @_deg_kernel(%arg0: i32, %arg1: i32, %arg2: memref<32x79x128xi32, #tpu.memory_space<hbm>>, %arg3: memref<20480xf32, #tpu.memory_space<hbm>>, %arg4: memref<79x128xi32, #tpu.memory_space<vmem>>, %arg5: memref<640xf32, #tpu.memory_space<vmem>>, %arg6: memref<128xf32, #tpu.memory_space<vmem>>, %arg7: memref<10240xf32, #tpu.memory_space<vmem_shared>>) attributes {dimension_semantics = [#tpu.dimension_semantics<core_parallel>, #tpu.dimension_semantics<subcore_parallel>], iteration_bounds = array<i64: 2, 16>, scalar_prefetch = 0 : i64, scratch_operands = 4 : i64, tpu.core_type = #tpu.core_type<sc_vector_subcore>, window_params = [{transform_indices = #map}, {transform_indices = #map1}]} {
    %mul3A = arith.constant 16 : i32
    %mul3A_0 = arith.muli %arg0, %mul3A : i32
    %add3A = arith.addi %mul3A_0, %arg1 : i32
    %broadcast_in_dim3A = arith.constant 0.000000e+00 : f32
    %broadcast_in_dim3A_1 = vector.broadcast %broadcast_in_dim3A : f32 to vector<16xf32>
    %swap3A = arith.constant 0 : index
    %swap3A_2 = tpu.vector_load %arg5[%swap3A] {strides = array<i32>} : memref<640xf32, #tpu.memory_space<vmem>>, vector<16xf32>,
    %swap3A_3 = vector.shape_cast %swap3A_2 : vector<16xf32> to vector<16xf32>
    %swap3A_4 = vector.shape_cast %broadcast_in_dim3A_1 : vector<16xf32> to vector<16xf32>
    tpu.vector_store %arg5[%swap3A], %swap3A_4 {strides = array<i32>} : memref<640xf32, #tpu.memory_space<vmem>>, vector<16xf32>,
    %broadcast_in_dim3A_5 = arith.constant 0.000000e+00 : f32
    %broadcast_in_dim3A_6 = vector.broadcast %broadcast_in_dim3A_5 : f32 to vector<16xf32>
    %swap3A_7 = arith.constant 16 : index
    %swap3A_8 = tpu.vector_load %arg5[%swap3A_7] {strides = array<i32>} : memref<640xf32, #tpu.memory_space<vmem>>, vector<16xf32>,
    %swap3A_9 = vector.shape_cast %swap3A_8 : vector<16xf32> to vector<16xf32>
    %swap3A_10 = vector.shape_cast %broadcast_in_dim3A_6 : vector<16xf32> to vector<16xf32>
    tpu.vector_store %arg5[%swap3A_7], %swap3A_10 {strides = array<i32>} : memref<640xf32, #tpu.memory_space<vmem>>, vector<16xf32>,
    %broadcast_in_dim3A_11 = arith.constant 0.000000e+00 : f32
    %broadcast_in_dim3A_12 = vector.broadcast %broadcast_in_dim3A_11 : f32 to vector<16xf32>
    %swap3A_13 = arith.constant 32 : index
    %swap3A_14 = tpu.vector_load %arg5[%swap3A_13] {strides = array<i32>} : memref<640xf32, #tpu.memory_space<vmem>>, vector<16xf32>,
    %swap3A_15 = vector.shape_cast %swap3A_14 : vector<16xf32> to vector<16xf32>
    %swap3A_16 = vector.shape_cast %broadcast_in_dim3A_12 : vector<16xf32> to vector<16xf32>
    tpu.vector_store %arg5[%swap3A_13], %swap3A_16 {strides = array<i32>} : memref<640xf32, #tpu.memory_space<vmem>>, vector<16xf32>,
    %broadcast_in_dim3A_17 = arith.constant 0.000000e+00 : f32
    %broadcast_in_dim3A_18 = vector.broadcast %broadcast_in_dim3A_17 : f32 to vector<16xf32>
    %swap3A_19 = arith.constant 48 : index
    %swap3A_20 = tpu.vector_load %arg5[%swap3A_19] {strides = array<i32>} : memref<640xf32, #tpu.memory_space<vmem>>, vector<16xf32>,
    %swap3A_21 = vector.shape_cast %swap3A_20 : vector<16xf32> to vector<16xf32>
    %swap3A_22 = vector.shape_cast %broadcast_in_dim3A_18 : vector<16xf32> to vector<16xf32>
    tpu.vector_store %arg5[%swap3A_19], %swap3A_22 {strides = array<i32>} : memref<640xf32, #tpu.memory_space<vmem>>, vector<16xf32>,
    %broadcast_in_dim3A_23 = arith.constant 0.000000e+00 : f32
    %broadcast_in_dim3A_24 = vector.broadcast %broadcast_in_dim3A_23 : f32 to vector<16xf32>
    %swap3A_25 = arith.constant 64 : index
    %swap3A_26 = tpu.vector_load %arg5[%swap3A_25] {strides = array<i32>} : memref<640xf32, #tpu.memory_space<vmem>>, vector<16xf32>,
    %swap3A_27 = vector.shape_cast %swap3A_26 : vector<16xf32> to vector<16xf32>
    %swap3A_28 = vector.shape_cast %broadcast_in_dim3A_24 : vector<16xf32> to vector<16xf32>
    tpu.vector_store %arg5[%swap3A_25], %swap3A_28 {strides = array<i32>} : memref<640xf32, #tpu.memory_space<vmem>>, vector<16xf32>,
    %broadcast_in_dim3A_29 = arith.constant 0.000000e+00 : f32
    %broadcast_in_dim3A_30 = vector.broadcast %broadcast_in_dim3A_29 : f32 to vector<16xf32>
    %swap3A_31 = arith.constant 80 : index
    %swap3A_32 = tpu.vector_load %arg5[%swap3A_31] {strides = array<i32>} : memref<640xf32, #tpu.memory_space<vmem>>, vector<16xf32>,
    %swap3A_33 = vector.shape_cast %swap3A_32 : vector<16xf32> to vector<16xf32>
    %swap3A_34 = vector.shape_cast %broadcast_in_dim3A_30 : vector<16xf32> to vector<16xf32>
    tpu.vector_store %arg5[%swap3A_31], %swap3A_34 {strides = array<i32>} : memref<640xf32, #tpu.memory_space<vmem>>, vector<16xf32>,
    %broadcast_in_dim3A_35 = arith.constant 0.000000e+00 : f32
    %broadcast_in_dim3A_36 = vector.broadcast %broadcast_in_dim3A_35 : f32 to vector<16xf32>
    %swap3A_37 = arith.constant 96 : index
    %swap3A_38 = tpu.vector_load %arg5[%swap3A_37] {strides = array<i32>} : memref<640xf32, #tpu.memory_space<vmem>>, vector<16xf32>,
    %swap3A_39 = vector.shape_cast %swap3A_38 : vector<16xf32> to vector<16xf32>
    %swap3A_40 = vector.shape_cast %broadcast_in_dim3A_36 : vector<16xf32> to vector<16xf32>
    tpu.vector_store %arg5[%swap3A_37], %swap3A_40 {strides = array<i32>} : memref<640xf32, #tpu.memory_space<vmem>>, vector<16xf32>,
    %broadcast_in_dim3A_41 = arith.constant 0.000000e+00 : f32
    %broadcast_in_dim3A_42 = vector.broadcast %broadcast_in_dim3A_41 : f32 to vector<16xf32>
    %swap3A_43 = arith.constant 112 : index
    %swap3A_44 = tpu.vector_load %arg5[%swap3A_43] {strides = array<i32>} : memref<640xf32, #tpu.memory_space<vmem>>, vector<16xf32>,
    %swap3A_45 = vector.shape_cast %swap3A_44 : vector<16xf32> to vector<16xf32>
    %swap3A_46 = vector.shape_cast %broadcast_in_dim3A_42 : vector<16xf32> to vector<16xf32>
    tpu.vector_store %arg5[%swap3A_43], %swap3A_46 {strides = array<i32>} : memref<640xf32, #tpu.memory_space<vmem>>, vector<16xf32>,
    %broadcast_in_dim3A_47 = arith.constant 0.000000e+00 : f32
    %broadcast_in_dim3A_48 = vector.broadcast %broadcast_in_dim3A_47 : f32 to vector<16xf32>
    %swap3A_49 = arith.constant 128 : index
    %swap3A_50 = tpu.vector_load %arg5[%swap3A_49] {strides = array<i32>} : memref<640xf32, #tpu.memory_space<vmem>>, vector<16xf32>,
    %swap3A_51 = vector.shape_cast %swap3A_50 : vector<16xf32> to vector<16xf32>
    %swap3A_52 = vector.shape_cast %broadcast_in_dim3A_48 : vector<16xf32> to vector<16xf32>
    tpu.vector_store %arg5[%swap3A_49], %swap3A_52 {strides = array<i32>} : memref<640xf32, #tpu.memory_space<vmem>>, vector<16xf32>,
    %broadcast_in_dim3A_53 = arith.constant 0.000000e+00 : f32
    %broadcast_in_dim3A_54 = vector.broadcast %broadcast_in_dim3A_53 : f32 to vector<16xf32>
    %swap3A_55 = arith.constant 144 : index
    %swap3A_56 = tpu.vector_load %arg5[%swap3A_55] {strides = array<i32>} : memref<640xf32, #tpu.memory_space<vmem>>, vector<16xf32>,
    %swap3A_57 = vector.shape_cast %swap3A_56 : vector<16xf32> to vector<16xf32>
    %swap3A_58 = vector.shape_cast %broadcast_in_dim3A_54 : vector<16xf32> to vector<16xf32>
    tpu.vector_store %arg5[%swap3A_55], %swap3A_58 {strides = array<i32>} : memref<640xf32, #tpu.memory_space<vmem>>, vector<16xf32>,
    %broadcast_in_dim3A_59 = arith.constant 0.000000e+00 : f32
    %broadcast_in_dim3A_60 = vector.broadcast %broadcast_in_dim3A_59 : f32 to vector<16xf32>
    %swap3A_61 = arith.constant 160 : index
    %swap3A_62 = tpu.vector_load %arg5[%swap3A_61] {strides = array<i32>} : memref<640xf32, #tpu.memory_space<vmem>>, vector<16xf32>,
    %swap3A_63 = vector.shape_cast %swap3A_62 : vector<16xf32> to vector<16xf32>
    %swap3A_64 = vector.shape_cast %broadcast_in_dim3A_60 : vector<16xf32> to vector<16xf32>
    tpu.vector_store %arg5[%swap3A_61], %swap3A_64 {strides = array<i32>} : memref<640xf32, #tpu.memory_space<vmem>>, vector<16xf32>,
    %broadcast_in_dim3A_65 = arith.constant 0.000000e+00 : f32
    %broadcast_in_dim3A_66 = vector.broadcast %broadcast_in_dim3A_65 : f32 to vector<16xf32>
    %swap3A_67 = arith.constant 176 : index
    %swap3A_68 = tpu.vector_load %arg5[%swap3A_67] {strides = array<i32>} : memref<640xf32, #tpu.memory_space<vmem>>, vector<16xf32>,
    %swap3A_69 = vector.shape_cast %swap3A_68 : vector<16xf32> to vector<16xf32>
    %swap3A_70 = vector.shape_cast %broadcast_in_dim3A_66 : vector<16xf32> to vector<16xf32>
    tpu.vector_store %arg5[%swap3A_67], %swap3A_70 {strides = array<i32>} : memref<640xf32, #tpu.memory_space<vmem>>, vector<16xf32>,
    %broadcast_in_dim3A_71 = arith.constant 0.000000e+00 : f32
    %broadcast_in_dim3A_72 = vector.broadcast %broadcast_in_dim3A_71 : f32 to vector<16xf32>
    %swap3A_73 = arith.constant 192 : index
    %swap3A_74 = tpu.vector_load %arg5[%swap3A_73] {strides = array<i32>} : memref<640xf32, #tpu.memory_space<vmem>>, vector<16xf32>,
    %swap3A_75 = vector.shape_cast %swap3A_74 : vector<16xf32> to vector<16xf32>
    %swap3A_76 = vector.shape_cast %broadcast_in_dim3A_72 : vector<16xf32> to vector<16xf32>
    tpu.vector_store %arg5[%swap3A_73], %swap3A_76 {strides = array<i32>} : memref<640xf32, #tpu.memory_space<vmem>>, vector<16xf32>,
    %broadcast_in_dim3A_77 = arith.constant 0.000000e+00 : f32
    %broadcast_in_dim3A_78 = vector.broadcast %broadcast_in_dim3A_77 : f32 to vector<16xf32>
    %swap3A_79 = arith.constant 208 : index
    %swap3A_80 = tpu.vector_load %arg5[%swap3A_79] {strides = array<i32>} : memref<640xf32, #tpu.memory_space<vmem>>, vector<16xf32>,
    %swap3A_81 = vector.shape_cast %swap3A_80 : vector<16xf32> to vector<16xf32>
    %swap3A_82 = vector.shape_cast %broadcast_in_dim3A_78 : vector<16xf32> to vector<16xf32>
    tpu.vector_store %arg5[%swap3A_79], %swap3A_82 {strides = array<i32>} : memref<640xf32, #tpu.memory_space<vmem>>, vector<16xf32>,
    %broadcast_in_dim3A_83 = arith.constant 0.000000e+00 : f32
    %broadcast_in_dim3A_84 = vector.broadcast %broadcast_in_dim3A_83 : f32 to vector<16xf32>
    %swap3A_85 = arith.constant 224 : index
    %swap3A_86 = tpu.vector_load %arg5[%swap3A_85] {strides = array<i32>} : memref<640xf32, #tpu.memory_space<vmem>>, vector<16xf32>,
    %swap3A_87 = vector.shape_cast %swap3A_86 : vector<16xf32> to vector<16xf32>
    %swap3A_88 = vector.shape_cast %broadcast_in_dim3A_84 : vector<16xf32> to vector<16xf32>
    tpu.vector_store %arg5[%swap3A_85], %swap3A_88 {strides = array<i32>} : memref<640xf32, #tpu.memory_space<vmem>>, vector<16xf32>,
    %broadcast_in_dim3A_89 = arith.constant 0.000000e+00 : f32
    %broadcast_in_dim3A_90 = vector.broadcast %broadcast_in_dim3A_89 : f32 to vector<16xf32>
    %swap3A_91 = arith.constant 240 : index
    %swap3A_92 = tpu.vector_load %arg5[%swap3A_91] {strides = array<i32>} : memref<640xf32, #tpu.memory_space<vmem>>, vector<16xf32>,
    %swap3A_93 = vector.shape_cast %swap3A_92 : vector<16xf32> to vector<16xf32>
    %swap3A_94 = vector.shape_cast %broadcast_in_dim3A_90 : vector<16xf32> to vector<16xf32>
    tpu.vector_store %arg5[%swap3A_91], %swap3A_94 {strides = array<i32>} : memref<640xf32, #tpu.memory_space<vmem>>, vector<16xf32>,
    %broadcast_in_dim3A_95 = arith.constant 0.000000e+00 : f32
    %broadcast_in_dim3A_96 = vector.broadcast %broadcast_in_dim3A_95 : f32 to vector<16xf32>
    %swap3A_97 = arith.constant 256 : index
    %swap3A_98 = tpu.vector_load %arg5[%swap3A_97] {strides = array<i32>} : memref<640xf32, #tpu.memory_space<vmem>>, vector<16xf32>,
    %swap3A_99 = vector.shape_cast %swap3A_98 : vector<16xf32> to vector<16xf32>
    %swap3A_100 = vector.shape_cast %broadcast_in_dim3A_96 : vector<16xf32> to vector<16xf32>
    tpu.vector_store %arg5[%swap3A_97], %swap3A_100 {strides = array<i32>} : memref<640xf32, #tpu.memory_space<vmem>>, vector<16xf32>,
    %broadcast_in_dim3A_101 = arith.constant 0.000000e+00 : f32
    %broadcast_in_dim3A_102 = vector.broadcast %broadcast_in_dim3A_101 : f32 to vector<16xf32>
    %swap3A_103 = arith.constant 272 : index
    %swap3A_104 = tpu.vector_load %arg5[%swap3A_103] {strides = array<i32>} : memref<640xf32, #tpu.memory_space<vmem>>, vector<16xf32>,
    %swap3A_105 = vector.shape_cast %swap3A_104 : vector<16xf32> to vector<16xf32>
    %swap3A_106 = vector.shape_cast %broadcast_in_dim3A_102 : vector<16xf32> to vector<16xf32>
    tpu.vector_store %arg5[%swap3A_103], %swap3A_106 {strides = array<i32>} : memref<640xf32, #tpu.memory_space<vmem>>, vector<16xf32>,
    %broadcast_in_dim3A_107 = arith.constant 0.000000e+00 : f32
    %broadcast_in_dim3A_108 = vector.broadcast %broadcast_in_dim3A_107 : f32 to vector<16xf32>
    %swap3A_109 = arith.constant 288 : index
    %swap3A_110 = tpu.vector_load %arg5[%swap3A_109] {strides = array<i32>} : memref<640xf32, #tpu.memory_space<vmem>>, vector<16xf32>,
    %swap3A_111 = vector.shape_cast %swap3A_110 : vector<16xf32> to vector<16xf32>
    %swap3A_112 = vector.shape_cast %broadcast_in_dim3A_108 : vector<16xf32> to vector<16xf32>
    tpu.vector_store %arg5[%swap3A_109], %swap3A_112 {strides = array<i32>} : memref<640xf32, #tpu.memory_space<vmem>>, vector<16xf32>,
    %broadcast_in_dim3A_113 = arith.constant 0.000000e+00 : f32
    %broadcast_in_dim3A_114 = vector.broadcast %broadcast_in_dim3A_113 : f32 to vector<16xf32>
    %swap3A_115 = arith.constant 304 : index
    %swap3A_116 = tpu.vector_load %arg5[%swap3A_115] {strides = array<i32>} : memref<640xf32, #tpu.memory_space<vmem>>, vector<16xf32>,
    %swap3A_117 = vector.shape_cast %swap3A_116 : vector<16xf32> to vector<16xf32>
    %swap3A_118 = vector.shape_cast %broadcast_in_dim3A_114 : vector<16xf32> to vector<16xf32>
    tpu.vector_store %arg5[%swap3A_115], %swap3A_118 {strides = array<i32>} : memref<640xf32, #tpu.memory_space<vmem>>, vector<16xf32>,
    %broadcast_in_dim3A_119 = arith.constant 0.000000e+00 : f32
    %broadcast_in_dim3A_120 = vector.broadcast %broadcast_in_dim3A_119 : f32 to vector<16xf32>
    %swap3A_121 = arith.constant 320 : index
    %swap3A_122 = tpu.vector_load %arg5[%swap3A_121] {strides = array<i32>} : memref<640xf32, #tpu.memory_space<vmem>>, vector<16xf32>,
    %swap3A_123 = vector.shape_cast %swap3A_122 : vector<16xf32> to vector<16xf32>
    %swap3A_124 = vector.shape_cast %broadcast_in_dim3A_120 : vector<16xf32> to vector<16xf32>
    tpu.vector_store %arg5[%swap3A_121], %swap3A_124 {strides = array<i32>} : memref<640xf32, #tpu.memory_space<vmem>>, vector<16xf32>,
    %broadcast_in_dim3A_125 = arith.constant 0.000000e+00 : f32
    %broadcast_in_dim3A_126 = vector.broadcast %broadcast_in_dim3A_125 : f32 to vector<16xf32>
    %swap3A_127 = arith.constant 336 : index
    %swap3A_128 = tpu.vector_load %arg5[%swap3A_127] {strides = array<i32>} : memref<640xf32, #tpu.memory_space<vmem>>, vector<16xf32>,
    %swap3A_129 = vector.shape_cast %swap3A_128 : vector<16xf32> to vector<16xf32>
    %swap3A_130 = vector.shape_cast %broadcast_in_dim3A_126 : vector<16xf32> to vector<16xf32>
    tpu.vector_store %arg5[%swap3A_127], %swap3A_130 {strides = array<i32>} : memref<640xf32, #tpu.memory_space<vmem>>, vector<16xf32>,
    %broadcast_in_dim3A_131 = arith.constant 0.000000e+00 : f32
    %broadcast_in_dim3A_132 = vector.broadcast %broadcast_in_dim3A_131 : f32 to vector<16xf32>
    %swap3A_133 = arith.constant 352 : index
    %swap3A_134 = tpu.vector_load %arg5[%swap3A_133] {strides = array<i32>} : memref<640xf32, #tpu.memory_space<vmem>>, vector<16xf32>,
    %swap3A_135 = vector.shape_cast %swap3A_134 : vector<16xf32> to vector<16xf32>
    %swap3A_136 = vector.shape_cast %broadcast_in_dim3A_132 : vector<16xf32> to vector<16xf32>
    tpu.vector_store %arg5[%swap3A_133], %swap3A_136 {strides = array<i32>} : memref<640xf32, #tpu.memory_space<vmem>>, vector<16xf32>,
    %broadcast_in_dim3A_137 = arith.constant 0.000000e+00 : f32
    %broadcast_in_dim3A_138 = vector.broadcast %broadcast_in_dim3A_137 : f32 to vector<16xf32>
    %swap3A_139 = arith.constant 368 : index
    %swap3A_140 = tpu.vector_load %arg5[%swap3A_139] {strides = array<i32>} : memref<640xf32, #tpu.memory_space<vmem>>, vector<16xf32>,
    %swap3A_141 = vector.shape_cast %swap3A_140 : vector<16xf32> to vector<16xf32>
    %swap3A_142 = vector.shape_cast %broadcast_in_dim3A_138 : vector<16xf32> to vector<16xf32>
    tpu.vector_store %arg5[%swap3A_139], %swap3A_142 {strides = array<i32>} : memref<640xf32, #tpu.memory_space<vmem>>, vector<16xf32>,
    %broadcast_in_dim3A_143 = arith.constant 0.000000e+00 : f32
    %broadcast_in_dim3A_144 = vector.broadcast %broadcast_in_dim3A_143 : f32 to vector<16xf32>
    %swap3A_145 = arith.constant 384 : index
    %swap3A_146 = tpu.vector_load %arg5[%swap3A_145] {strides = array<i32>} : memref<640xf32, #tpu.memory_space<vmem>>, vector<16xf32>,
    %swap3A_147 = vector.shape_cast %swap3A_146 : vector<16xf32> to vector<16xf32>
    %swap3A_148 = vector.shape_cast %broadcast_in_dim3A_144 : vector<16xf32> to vector<16xf32>
    tpu.vector_store %arg5[%swap3A_145], %swap3A_148 {strides = array<i32>} : memref<640xf32, #tpu.memory_space<vmem>>, vector<16xf32>,
    %broadcast_in_dim3A_149 = arith.constant 0.000000e+00 : f32
    %broadcast_in_dim3A_150 = vector.broadcast %broadcast_in_dim3A_149 : f32 to vector<16xf32>
    %swap3A_151 = arith.constant 400 : index
    %swap3A_152 = tpu.vector_load %arg5[%swap3A_151] {strides = array<i32>} : memref<640xf32, #tpu.memory_space<vmem>>, vector<16xf32>,
    %swap3A_153 = vector.shape_cast %swap3A_152 : vector<16xf32> to vector<16xf32>
    %swap3A_154 = vector.shape_cast %broadcast_in_dim3A_150 : vector<16xf32> to vector<16xf32>
    tpu.vector_store %arg5[%swap3A_151], %swap3A_154 {strides = array<i32>} : memref<640xf32, #tpu.memory_space<vmem>>, vector<16xf32>,
    %broadcast_in_dim3A_155 = arith.constant 0.000000e+00 : f32
    %broadcast_in_dim3A_156 = vector.broadcast %broadcast_in_dim3A_155 : f32 to vector<16xf32>
    %swap3A_157 = arith.constant 416 : index
    %swap3A_158 = tpu.vector_load %arg5[%swap3A_157] {strides = array<i32>} : memref<640xf32, #tpu.memory_space<vmem>>, vector<16xf32>,
    %swap3A_159 = vector.shape_cast %swap3A_158 : vector<16xf32> to vector<16xf32>
    %swap3A_160 = vector.shape_cast %broadcast_in_dim3A_156 : vector<16xf32> to vector<16xf32>
    tpu.vector_store %arg5[%swap3A_157], %swap3A_160 {strides = array<i32>} : memref<640xf32, #tpu.memory_space<vmem>>, vector<16xf32>,
    %broadcast_in_dim3A_161 = arith.constant 0.000000e+00 : f32
    %broadcast_in_dim3A_162 = vector.broadcast %broadcast_in_dim3A_161 : f32 to vector<16xf32>
    %swap3A_163 = arith.constant 432 : index
    %swap3A_164 = tpu.vector_load %arg5[%swap3A_163] {strides = array<i32>} : memref<640xf32, #tpu.memory_space<vmem>>, vector<16xf32>,
    %swap3A_165 = vector.shape_cast %swap3A_164 : vector<16xf32> to vector<16xf32>
    %swap3A_166 = vector.shape_cast %broadcast_in_dim3A_162 : vector<16xf32> to vector<16xf32>
    tpu.vector_store %arg5[%swap3A_163], %swap3A_166 {strides = array<i32>} : memref<640xf32, #tpu.memory_space<vmem>>, vector<16xf32>,
    %broadcast_in_dim3A_167 = arith.constant 0.000000e+00 : f32
    %broadcast_in_dim3A_168 = vector.broadcast %broadcast_in_dim3A_167 : f32 to vector<16xf32>
    %swap3A_169 = arith.constant 448 : index
    %swap3A_170 = tpu.vector_load %arg5[%swap3A_169] {strides = array<i32>} : memref<640xf32, #tpu.memory_space<vmem>>, vector<16xf32>,
    %swap3A_171 = vector.shape_cast %swap3A_170 : vector<16xf32> to vector<16xf32>
    %swap3A_172 = vector.shape_cast %broadcast_in_dim3A_168 : vector<16xf32> to vector<16xf32>
    tpu.vector_store %arg5[%swap3A_169], %swap3A_172 {strides = array<i32>} : memref<640xf32, #tpu.memory_space<vmem>>, vector<16xf32>,
    %broadcast_in_dim3A_173 = arith.constant 0.000000e+00 : f32
    %broadcast_in_dim3A_174 = vector.broadcast %broadcast_in_dim3A_173 : f32 to vector<16xf32>
    %swap3A_175 = arith.constant 464 : index
    %swap3A_176 = tpu.vector_load %arg5[%swap3A_175] {strides = array<i32>} : memref<640xf32, #tpu.memory_space<vmem>>, vector<16xf32>,
    %swap3A_177 = vector.shape_cast %swap3A_176 : vector<16xf32> to vector<16xf32>
    %swap3A_178 = vector.shape_cast %broadcast_in_dim3A_174 : vector<16xf32> to vector<16xf32>
    tpu.vector_store %arg5[%swap3A_175], %swap3A_178 {strides = array<i32>} : memref<640xf32, #tpu.memory_space<vmem>>, vector<16xf32>,
    %broadcast_in_dim3A_179 = arith.constant 0.000000e+00 : f32
    %broadcast_in_dim3A_180 = vector.broadcast %broadcast_in_dim3A_179 : f32 to vector<16xf32>
    %swap3A_181 = arith.constant 480 : index
    %swap3A_182 = tpu.vector_load %arg5[%swap3A_181] {strides = array<i32>} : memref<640xf32, #tpu.memory_space<vmem>>, vector<16xf32>,
    %swap3A_183 = vector.shape_cast %swap3A_182 : vector<16xf32> to vector<16xf32>
    %swap3A_184 = vector.shape_cast %broadcast_in_dim3A_180 : vector<16xf32> to vector<16xf32>
    tpu.vector_store %arg5[%swap3A_181], %swap3A_184 {strides = array<i32>} : memref<640xf32, #tpu.memory_space<vmem>>, vector<16xf32>,
    %broadcast_in_dim3A_185 = arith.constant 0.000000e+00 : f32
    %broadcast_in_dim3A_186 = vector.broadcast %broadcast_in_dim3A_185 : f32 to vector<16xf32>
    %swap3A_187 = arith.constant 496 : index
    %swap3A_188 = tpu.vector_load %arg5[%swap3A_187] {strides = array<i32>} : memref<640xf32, #tpu.memory_space<vmem>>, vector<16xf32>,
    %swap3A_189 = vector.shape_cast %swap3A_188 : vector<16xf32> to vector<16xf32>
    %swap3A_190 = vector.shape_cast %broadcast_in_dim3A_186 : vector<16xf32> to vector<16xf32>
    tpu.vector_store %arg5[%swap3A_187], %swap3A_190 {strides = array<i32>} : memref<640xf32, #tpu.memory_space<vmem>>, vector<16xf32>,
    %broadcast_in_dim3A_191 = arith.constant 0.000000e+00 : f32
    %broadcast_in_dim3A_192 = vector.broadcast %broadcast_in_dim3A_191 : f32 to vector<16xf32>
    %swap3A_193 = arith.constant 512 : index
    %swap3A_194 = tpu.vector_load %arg5[%swap3A_193] {strides = array<i32>} : memref<640xf32, #tpu.memory_space<vmem>>, vector<16xf32>,
    %swap3A_195 = vector.shape_cast %swap3A_194 : vector<16xf32> to vector<16xf32>
    %swap3A_196 = vector.shape_cast %broadcast_in_dim3A_192 : vector<16xf32> to vector<16xf32>
    tpu.vector_store %arg5[%swap3A_193], %swap3A_196 {strides = array<i32>} : memref<640xf32, #tpu.memory_space<vmem>>, vector<16xf32>,
    %broadcast_in_dim3A_197 = arith.constant 0.000000e+00 : f32
    %broadcast_in_dim3A_198 = vector.broadcast %broadcast_in_dim3A_197 : f32 to vector<16xf32>
    %swap3A_199 = arith.constant 528 : index
    %swap3A_200 = tpu.vector_load %arg5[%swap3A_199] {strides = array<i32>} : memref<640xf32, #tpu.memory_space<vmem>>, vector<16xf32>,
    %swap3A_201 = vector.shape_cast %swap3A_200 : vector<16xf32> to vector<16xf32>
    %swap3A_202 = vector.shape_cast %broadcast_in_dim3A_198 : vector<16xf32> to vector<16xf32>
    tpu.vector_store %arg5[%swap3A_199], %swap3A_202 {strides = array<i32>} : memref<640xf32, #tpu.memory_space<vmem>>, vector<16xf32>,
    %broadcast_in_dim3A_203 = arith.constant 0.000000e+00 : f32
    %broadcast_in_dim3A_204 = vector.broadcast %broadcast_in_dim3A_203 : f32 to vector<16xf32>
    %swap3A_205 = arith.constant 544 : index
    %swap3A_206 = tpu.vector_load %arg5[%swap3A_205] {strides = array<i32>} : memref<640xf32, #tpu.memory_space<vmem>>, vector<16xf32>,
    %swap3A_207 = vector.shape_cast %swap3A_206 : vector<16xf32> to vector<16xf32>
    %swap3A_208 = vector.shape_cast %broadcast_in_dim3A_204 : vector<16xf32> to vector<16xf32>
    tpu.vector_store %arg5[%swap3A_205], %swap3A_208 {strides = array<i32>} : memref<640xf32, #tpu.memory_space<vmem>>, vector<16xf32>,
    %broadcast_in_dim3A_209 = arith.constant 0.000000e+00 : f32
    %broadcast_in_dim3A_210 = vector.broadcast %broadcast_in_dim3A_209 : f32 to vector<16xf32>
    %swap3A_211 = arith.constant 560 : index
    %swap3A_212 = tpu.vector_load %arg5[%swap3A_211] {strides = array<i32>} : memref<640xf32, #tpu.memory_space<vmem>>, vector<16xf32>,
    %swap3A_213 = vector.shape_cast %swap3A_212 : vector<16xf32> to vector<16xf32>
    %swap3A_214 = vector.shape_cast %broadcast_in_dim3A_210 : vector<16xf32> to vector<16xf32>
    tpu.vector_store %arg5[%swap3A_211], %swap3A_214 {strides = array<i32>} : memref<640xf32, #tpu.memory_space<vmem>>, vector<16xf32>,
    %broadcast_in_dim3A_215 = arith.constant 0.000000e+00 : f32
    %broadcast_in_dim3A_216 = vector.broadcast %broadcast_in_dim3A_215 : f32 to vector<16xf32>
    %swap3A_217 = arith.constant 576 : index
    %swap3A_218 = tpu.vector_load %arg5[%swap3A_217] {strides = array<i32>} : memref<640xf32, #tpu.memory_space<vmem>>, vector<16xf32>,
    %swap3A_219 = vector.shape_cast %swap3A_218 : vector<16xf32> to vector<16xf32>
    %swap3A_220 = vector.shape_cast %broadcast_in_dim3A_216 : vector<16xf32> to vector<16xf32>
    tpu.vector_store %arg5[%swap3A_217], %swap3A_220 {strides = array<i32>} : memref<640xf32, #tpu.memory_space<vmem>>, vector<16xf32>,
    %broadcast_in_dim3A_221 = arith.constant 0.000000e+00 : f32
    %broadcast_in_dim3A_222 = vector.broadcast %broadcast_in_dim3A_221 : f32 to vector<16xf32>
    %swap3A_223 = arith.constant 592 : index
    %swap3A_224 = tpu.vector_load %arg5[%swap3A_223] {strides = array<i32>} : memref<640xf32, #tpu.memory_space<vmem>>, vector<16xf32>,
    %swap3A_225 = vector.shape_cast %swap3A_224 : vector<16xf32> to vector<16xf32>
    %swap3A_226 = vector.shape_cast %broadcast_in_dim3A_222 : vector<16xf32> to vector<16xf32>
    tpu.vector_store %arg5[%swap3A_223], %swap3A_226 {strides = array<i32>} : memref<640xf32, #tpu.memory_space<vmem>>, vector<16xf32>,
    %broadcast_in_dim3A_227 = arith.constant 0.000000e+00 : f32
    %broadcast_in_dim3A_228 = vector.broadcast %broadcast_in_dim3A_227 : f32 to vector<16xf32>
    %swap3A_229 = arith.constant 608 : index
    %swap3A_230 = tpu.vector_load %arg5[%swap3A_229] {strides = array<i32>} : memref<640xf32, #tpu.memory_space<vmem>>, vector<16xf32>,
    %swap3A_231 = vector.shape_cast %swap3A_230 : vector<16xf32> to vector<16xf32>
    %swap3A_232 = vector.shape_cast %broadcast_in_dim3A_228 : vector<16xf32> to vector<16xf32>
    tpu.vector_store %arg5[%swap3A_229], %swap3A_232 {strides = array<i32>} : memref<640xf32, #tpu.memory_space<vmem>>, vector<16xf32>,
    %broadcast_in_dim3A_233 = arith.constant 0.000000e+00 : f32
    %broadcast_in_dim3A_234 = vector.broadcast %broadcast_in_dim3A_233 : f32 to vector<16xf32>
    %swap3A_235 = arith.constant 624 : index
    %swap3A_236 = tpu.vector_load %arg5[%swap3A_235] {strides = array<i32>} : memref<640xf32, #tpu.memory_space<vmem>>, vector<16xf32>,
    %swap3A_237 = vector.shape_cast %swap3A_236 : vector<16xf32> to vector<16xf32>
    %swap3A_238 = vector.shape_cast %broadcast_in_dim3A_234 : vector<16xf32> to vector<16xf32>
    tpu.vector_store %arg5[%swap3A_235], %swap3A_238 {strides = array<i32>} : memref<640xf32, #tpu.memory_space<vmem>>, vector<16xf32>,
    %broadcast_in_dim3A_239 = arith.constant 1.000000e+00 : f32
    %broadcast_in_dim3A_240 = vector.broadcast %broadcast_in_dim3A_239 : f32 to vector<16xf32>
    %swap3A_241 = arith.constant 0 : index
    %swap3A_242 = tpu.vector_load %arg6[%swap3A_241] {strides = array<i32>} : memref<128xf32, #tpu.memory_space<vmem>>, vector<16xf32>,
    %swap3A_243 = vector.shape_cast %swap3A_242 : vector<16xf32> to vector<16xf32>
    %swap3A_244 = vector.shape_cast %broadcast_in_dim3A_240 : vector<16xf32> to vector<16xf32>
    tpu.vector_store %arg6[%swap3A_241], %swap3A_244 {strides = array<i32>} : memref<128xf32, #tpu.memory_space<vmem>>, vector<16xf32>,
    %broadcast_in_dim3A_245 = arith.constant 1.000000e+00 : f32
    %broadcast_in_dim3A_246 = vector.broadcast %broadcast_in_dim3A_245 : f32 to vector<16xf32>
    %swap3A_247 = arith.constant 16 : index
    %swap3A_248 = tpu.vector_load %arg6[%swap3A_247] {strides = array<i32>} : memref<128xf32, #tpu.memory_space<vmem>>, vector<16xf32>,
    %swap3A_249 = vector.shape_cast %swap3A_248 : vector<16xf32> to vector<16xf32>
    %swap3A_250 = vector.shape_cast %broadcast_in_dim3A_246 : vector<16xf32> to vector<16xf32>
    tpu.vector_store %arg6[%swap3A_247], %swap3A_250 {strides = array<i32>} : memref<128xf32, #tpu.memory_space<vmem>>, vector<16xf32>,
    %broadcast_in_dim3A_251 = arith.constant 1.000000e+00 : f32
    %broadcast_in_dim3A_252 = vector.broadcast %broadcast_in_dim3A_251 : f32 to vector<16xf32>
    %swap3A_253 = arith.constant 32 : index
    %swap3A_254 = tpu.vector_load %arg6[%swap3A_253] {strides = array<i32>} : memref<128xf32, #tpu.memory_space<vmem>>, vector<16xf32>,
    %swap3A_255 = vector.shape_cast %swap3A_254 : vector<16xf32> to vector<16xf32>
    %swap3A_256 = vector.shape_cast %broadcast_in_dim3A_252 : vector<16xf32> to vector<16xf32>
    tpu.vector_store %arg6[%swap3A_253], %swap3A_256 {strides = array<i32>} : memref<128xf32, #tpu.memory_space<vmem>>, vector<16xf32>,
    %broadcast_in_dim3A_257 = arith.constant 1.000000e+00 : f32
    %broadcast_in_dim3A_258 = vector.broadcast %broadcast_in_dim3A_257 : f32 to vector<16xf32>
    %swap3A_259 = arith.constant 48 : index
    %swap3A_260 = tpu.vector_load %arg6[%swap3A_259] {strides = array<i32>} : memref<128xf32, #tpu.memory_space<vmem>>, vector<16xf32>,
    %swap3A_261 = vector.shape_cast %swap3A_260 : vector<16xf32> to vector<16xf32>
    %swap3A_262 = vector.shape_cast %broadcast_in_dim3A_258 : vector<16xf32> to vector<16xf32>
    tpu.vector_store %arg6[%swap3A_259], %swap3A_262 {strides = array<i32>} : memref<128xf32, #tpu.memory_space<vmem>>, vector<16xf32>,
    %broadcast_in_dim3A_263 = arith.constant 1.000000e+00 : f32
    %broadcast_in_dim3A_264 = vector.broadcast %broadcast_in_dim3A_263 : f32 to vector<16xf32>
    %swap3A_265 = arith.constant 64 : index
    %swap3A_266 = tpu.vector_load %arg6[%swap3A_265] {strides = array<i32>} : memref<128xf32, #tpu.memory_space<vmem>>, vector<16xf32>,
    %swap3A_267 = vector.shape_cast %swap3A_266 : vector<16xf32> to vector<16xf32>
    %swap3A_268 = vector.shape_cast %broadcast_in_dim3A_264 : vector<16xf32> to vector<16xf32>
    tpu.vector_store %arg6[%swap3A_265], %swap3A_268 {strides = array<i32>} : memref<128xf32, #tpu.memory_space<vmem>>, vector<16xf32>,
    %broadcast_in_dim3A_269 = arith.constant 1.000000e+00 : f32
    %broadcast_in_dim3A_270 = vector.broadcast %broadcast_in_dim3A_269 : f32 to vector<16xf32>
    %swap3A_271 = arith.constant 80 : index
    %swap3A_272 = tpu.vector_load %arg6[%swap3A_271] {strides = array<i32>} : memref<128xf32, #tpu.memory_space<vmem>>, vector<16xf32>,
    %swap3A_273 = vector.shape_cast %swap3A_272 : vector<16xf32> to vector<16xf32>
    %swap3A_274 = vector.shape_cast %broadcast_in_dim3A_270 : vector<16xf32> to vector<16xf32>
    tpu.vector_store %arg6[%swap3A_271], %swap3A_274 {strides = array<i32>} : memref<128xf32, #tpu.memory_space<vmem>>, vector<16xf32>,
    %broadcast_in_dim3A_275 = arith.constant 1.000000e+00 : f32
    %broadcast_in_dim3A_276 = vector.broadcast %broadcast_in_dim3A_275 : f32 to vector<16xf32>
    %swap3A_277 = arith.constant 96 : index
    %swap3A_278 = tpu.vector_load %arg6[%swap3A_277] {strides = array<i32>} : memref<128xf32, #tpu.memory_space<vmem>>, vector<16xf32>,
    %swap3A_279 = vector.shape_cast %swap3A_278 : vector<16xf32> to vector<16xf32>
    %swap3A_280 = vector.shape_cast %broadcast_in_dim3A_276 : vector<16xf32> to vector<16xf32>
    tpu.vector_store %arg6[%swap3A_277], %swap3A_280 {strides = array<i32>} : memref<128xf32, #tpu.memory_space<vmem>>, vector<16xf32>,
    %broadcast_in_dim3A_281 = arith.constant 1.000000e+00 : f32
    %broadcast_in_dim3A_282 = vector.broadcast %broadcast_in_dim3A_281 : f32 to vector<16xf32>
    %swap3A_283 = arith.constant 112 : index
    %swap3A_284 = tpu.vector_load %arg6[%swap3A_283] {strides = array<i32>} : memref<128xf32, #tpu.memory_space<vmem>>, vector<16xf32>,
    %swap3A_285 = vector.shape_cast %swap3A_284 : vector<16xf32> to vector<16xf32>
    %swap3A_286 = vector.shape_cast %broadcast_in_dim3A_282 : vector<16xf32> to vector<16xf32>
    tpu.vector_store %arg6[%swap3A_283], %swap3A_286 {strides = array<i32>} : memref<128xf32, #tpu.memory_space<vmem>>, vector<16xf32>,
    "tpu.region"() ({
      %run_scoped3A = tpu.sem_alloc : memref<!tpu.dma_semaphore, #tpu.memory_space<semaphore_mem>>
      %dma_start3A = arith.constant 0 : i32
      %dma_start3A_302 = arith.constant 0 : i32
      %dma_start3A_303 = tpu.memref_slice %arg2[%add3A, %dma_start3A, %dma_start3A_302] : memref<32x79x128xi32, #tpu.memory_space<hbm>> -> memref<1x79x128xi32, #tpu.memory_space<hbm>>
      %dma_start3A_304 = tpu.memref_squeeze %dma_start3A_303 : memref<1x79x128xi32, #tpu.memory_space<hbm>> -> memref<79x128xi32, #tpu.memory_space<hbm>>
      %dma_start3A_305 = arith.constant 0 : i32
      %dma_start3A_306 = arith.constant 0 : i32
      %dma_start3A_307 = tpu.memref_slice %arg2[%add3A, %dma_start3A_305, %dma_start3A_306] : memref<32x79x128xi32, #tpu.memory_space<hbm>> -> memref<1x79x128xi32, #tpu.memory_space<hbm>>
      %dma_start3A_308 = tpu.memref_squeeze %dma_start3A_307 : memref<1x79x128xi32, #tpu.memory_space<hbm>> -> memref<79x128xi32, #tpu.memory_space<hbm>>
      tpu.enqueue_dma source(%dma_start3A_308 : memref<79x128xi32, #tpu.memory_space<hbm>>) target(%arg4 : memref<79x128xi32, #tpu.memory_space<vmem>>) target_semaphore(%run_scoped3A : memref<!tpu.dma_semaphore, #tpu.memory_space<semaphore_mem>>)
      %dma_wait3A = arith.constant 0 : i32
      %dma_wait3A_309 = arith.constant 0 : i32
      %dma_wait3A_310 = tpu.memref_slice %arg2[%add3A, %dma_wait3A, %dma_wait3A_309] : memref<32x79x128xi32, #tpu.memory_space<hbm>> -> memref<1x79x128xi32, #tpu.memory_space<hbm>>
      %dma_wait3A_311 = tpu.memref_squeeze %dma_wait3A_310 : memref<1x79x128xi32, #tpu.memory_space<hbm>> -> memref<79x128xi32, #tpu.memory_space<hbm>>
      %dma_wait3A_312 = arith.constant 0 : i32
      %dma_wait3A_313 = arith.constant 0 : i32
      %dma_wait3A_314 = tpu.memref_slice %arg2[%add3A, %dma_wait3A_312, %dma_wait3A_313] : memref<32x79x128xi32, #tpu.memory_space<hbm>> -> memref<1x79x128xi32, #tpu.memory_space<hbm>>
      %dma_wait3A_315 = tpu.memref_squeeze %dma_wait3A_314 : memref<1x79x128xi32, #tpu.memory_space<hbm>> -> memref<79x128xi32, #tpu.memory_space<hbm>>
      tpu.wait_dma2 semaphore(%run_scoped3A : memref<!tpu.dma_semaphore, #tpu.memory_space<semaphore_mem>>) src(%dma_wait3A_315 : memref<79x128xi32, #tpu.memory_space<hbm>>) dst(%arg4 : memref<79x128xi32, #tpu.memory_space<vmem>>)
      tpu.yield
    }) : () -> ()
    %mul3A_287 = arith.constant 640 : i32
    %mul3A_288 = arith.muli %arg1, %mul3A_287 : i32
    "tpu.region"() ({
      %run_scoped3A = tpu.sem_alloc : memref<!tpu.dma_semaphore, #tpu.memory_space<semaphore_mem>>
      %dma_start3A = tpu.memref_slice %arg7[%mul3A_288] : memref<10240xf32, #tpu.memory_space<vmem_shared>> -> memref<640xf32, #tpu.memory_space<vmem_shared>>
      %dma_start3A_302 = tpu.memref_slice %arg7[%mul3A_288] : memref<10240xf32, #tpu.memory_space<vmem_shared>> -> memref<640xf32, #tpu.memory_space<vmem_shared>>
      tpu.enqueue_dma source(%arg5 : memref<640xf32, #tpu.memory_space<vmem>>) target(%dma_start3A_302 : memref<640xf32, #tpu.memory_space<vmem_shared>>) target_semaphore(%run_scoped3A : memref<!tpu.dma_semaphore, #tpu.memory_space<semaphore_mem>>)
      %dma_wait3A = tpu.memref_slice %arg7[%mul3A_288] : memref<10240xf32, #tpu.memory_space<vmem_shared>> -> memref<640xf32, #tpu.memory_space<vmem_shared>>
      %dma_wait3A_303 = tpu.memref_slice %arg7[%mul3A_288] : memref<10240xf32, #tpu.memory_space<vmem_shared>> -> memref<640xf32, #tpu.memory_space<vmem_shared>>
      tpu.wait_dma2 semaphore(%run_scoped3A : memref<!tpu.dma_semaphore, #tpu.memory_space<semaphore_mem>>) src(%arg5 : memref<640xf32, #tpu.memory_space<vmem>>) dst(%dma_wait3A_303 : memref<640xf32, #tpu.memory_space<vmem_shared>>)
      tpu.yield
    }) : () -> ()
    %barrier3A = arith.constant 0 : index
    tpu.barrier barrier_id(%barrier3A)
    %scan3A = arith.constant 0 : i32
    %scan3A_289 = arith.constant 0 : i32
    %scan3A_290 = arith.constant 79 : i32
    %scan3A_291 = arith.addi %scan3A_289, %scan3A_290 : i32
    %scan3A_292 = arith.constant 1 : i32
    scf.for %scan3A_302 = %scan3A_289 to %scan3A_291 step %scan3A_292  : i32 {
      "tpu.region"() ({
        %run_scoped3A = tpu.sem_alloc : memref<!tpu.dma_semaphore, #tpu.memory_space<semaphore_mem>>
        %dma_start3A = arith.constant 0 : i32
        %dma_start3A_303 = tpu.memref_slice %arg4[%scan3A_302, %dma_start3A] : memref<79x128xi32, #tpu.memory_space<vmem>> -> memref<1x128xi32, #tpu.memory_space<vmem>>
        %dma_start3A_304 = tpu.memref_squeeze %dma_start3A_303 : memref<1x128xi32, #tpu.memory_space<vmem>> -> memref<128xi32, #tpu.memory_space<vmem>>
        %dma_start3A_305 = arith.constant 0 : i32
        %dma_start3A_306 = tpu.memref_slice %arg7[%dma_start3A_305] : memref<10240xf32, #tpu.memory_space<vmem_shared>> -> memref<10240xf32, #tpu.memory_space<vmem_shared>>
        tpu.enqueue_indirect_dma source(%arg6 : memref<128xf32, #tpu.memory_space<vmem>>) target(%dma_start3A_306 : memref<10240xf32, #tpu.memory_space<vmem_shared>>) offsets(%dma_start3A_304 : memref<128xi32, #tpu.memory_space<vmem>>) semaphore(%run_scoped3A : memref<!tpu.dma_semaphore, #tpu.memory_space<semaphore_mem>>) {add = true}
        %dma_wait3A = arith.constant 0 : i32
        %dma_wait3A_307 = tpu.memref_slice %arg4[%scan3A_302, %dma_wait3A] : memref<79x128xi32, #tpu.memory_space<vmem>> -> memref<1x128xi32, #tpu.memory_space<vmem>>
        %dma_wait3A_308 = tpu.memref_squeeze %dma_wait3A_307 : memref<1x128xi32, #tpu.memory_space<vmem>> -> memref<128xi32, #tpu.memory_space<vmem>>
        %dma_wait3A_309 = arith.constant 0 : i32
        %dma_wait3A_310 = tpu.memref_slice %arg7[%dma_wait3A_309] : memref<10240xf32, #tpu.memory_space<vmem_shared>> -> memref<10240xf32, #tpu.memory_space<vmem_shared>>
        tpu.wait_indirect_dma semaphore(%run_scoped3A : memref<!tpu.dma_semaphore, #tpu.memory_space<semaphore_mem>>) src(%arg6 : memref<128xf32, #tpu.memory_space<vmem>>) dst(%dma_wait3A_310 : memref<10240xf32, #tpu.memory_space<vmem_shared>>)
        tpu.yield
      }) : () -> ()
    }
    %scan3A_293 = arith.constant 79 : i32
    %barrier3A_294 = arith.constant 0 : index
    tpu.barrier barrier_id(%barrier3A_294)
    %mul3A_295 = arith.constant 640 : i32
    %mul3A_296 = arith.muli %arg1, %mul3A_295 : i32
    %mul3A_297 = arith.constant 10240 : i32
    %mul3A_298 = arith.muli %arg0, %mul3A_297 : i32
    %mul3A_299 = arith.constant 640 : i32
    %mul3A_300 = arith.muli %arg1, %mul3A_299 : i32
    %add3A_301 = arith.addi %mul3A_298, %mul3A_300 : i32
    "tpu.region"() ({
      %run_scoped3A = tpu.sem_alloc : memref<!tpu.dma_semaphore, #tpu.memory_space<semaphore_mem>>
      %dma_start3A = tpu.memref_slice %arg3[%add3A_301] : memref<20480xf32, #tpu.memory_space<hbm>> -> memref<640xf32, #tpu.memory_space<hbm>>
      %dma_start3A_302 = tpu.memref_slice %arg7[%mul3A_296] : memref<10240xf32, #tpu.memory_space<vmem_shared>> -> memref<640xf32, #tpu.memory_space<vmem_shared>>
      tpu.enqueue_dma source(%dma_start3A_302 : memref<640xf32, #tpu.memory_space<vmem_shared>>) target(%dma_start3A : memref<640xf32, #tpu.memory_space<hbm>>) target_semaphore(%run_scoped3A : memref<!tpu.dma_semaphore, #tpu.memory_space<semaphore_mem>>)
      %dma_wait3A = tpu.memref_slice %arg3[%add3A_301] : memref<20480xf32, #tpu.memory_space<hbm>> -> memref<640xf32, #tpu.memory_space<hbm>>
      %dma_wait3A_303 = tpu.memref_slice %arg7[%mul3A_296] : memref<10240xf32, #tpu.memory_space<vmem_shared>> -> memref<640xf32, #tpu.memory_space<vmem_shared>>
      tpu.wait_dma2 semaphore(%run_scoped3A : memref<!tpu.dma_semaphore, #tpu.memory_space<semaphore_mem>>) src(%dma_wait3A_303 : memref<640xf32, #tpu.memory_space<vmem_shared>>) dst(%dma_wait3A : memref<640xf32, #tpu.memory_space<hbm>>)
      tpu.yield
    }) : () -> ()
    return
  }
}

#map = affine_map<(d0, d1) -> (0, 0)>
#map1 = affine_map<(d0, d1) -> (0, 0, 0, 0)>
module attributes {stable_mosaic.version = 14 : i64} {
  func.func @_agg_kernel(%arg0: i32, %arg1: i32, %arg2: memref<20480x128xf32, #tpu.memory_space<hbm>>, %arg3: memref<32x16x20x64xi32, #tpu.memory_space<hbm>>, %arg4: memref<16x16x20x64xi32, #tpu.memory_space<hbm>>, %arg5: memref<20480x128xf32, #tpu.memory_space<hbm>>, %arg6: memref<2x20x64xi32, #tpu.memory_space<vmem>>, %arg7: memref<2x20x64xi32, #tpu.memory_space<vmem>>, %arg8: memref<4x64x128xf32, #tpu.memory_space<vmem>>, %arg9: memref<10240x128xf32, #tpu.memory_space<vmem_shared>>, %arg10: memref<4x!tpu.dma_semaphore, #tpu.memory_space<semaphore_mem>>, %arg11: memref<!tpu.dma_semaphore, #tpu.memory_space<semaphore_mem>>) attributes {dimension_semantics = [#tpu.dimension_semantics<core_parallel>, #tpu.dimension_semantics<subcore_parallel>], iteration_bounds = array<i64: 2, 16>, scalar_prefetch = 0 : i64, scratch_operands = 6 : i64, tpu.core_type = #tpu.core_type<sc_vector_subcore>, window_params = [{transform_indices = #map}, {transform_indices = #map1}, {transform_indices = #map1}, {transform_indices = #map}]} {
    %mul3A = arith.constant 16 : i32
    %mul3A_0 = arith.muli %arg0, %mul3A : i32
    %add3A = arith.addi %mul3A_0, %arg1 : i32
    %mul3A_1 = arith.constant 10240 : i32
    %mul3A_2 = arith.muli %arg0, %mul3A_1 : i32
    %mul3A_3 = arith.constant 640 : i32
    %mul3A_4 = arith.muli %arg1, %mul3A_3 : i32
    %add3A_5 = arith.addi %mul3A_2, %mul3A_4 : i32
    %mul3A_6 = arith.constant 640 : i32
    %mul3A_7 = arith.muli %arg1, %mul3A_6 : i32
    "tpu.region"() ({
      %run_scoped3A = tpu.sem_alloc : memref<!tpu.dma_semaphore, #tpu.memory_space<semaphore_mem>>
      %dma_start3A_76 = arith.constant 0 : i32
      %dma_start3A_77 = tpu.memref_slice %arg9[%mul3A_7, %dma_start3A_76] : memref<10240x128xf32, #tpu.memory_space<vmem_shared>> -> memref<640x128xf32, #tpu.memory_space<vmem_shared>>
      %dma_start3A_78 = arith.constant 0 : i32
      %dma_start3A_79 = tpu.memref_slice %arg2[%add3A_5, %dma_start3A_78] : memref<20480x128xf32, #tpu.memory_space<hbm>> -> memref<640x128xf32, #tpu.memory_space<hbm>>
      tpu.enqueue_dma source(%dma_start3A_79 : memref<640x128xf32, #tpu.memory_space<hbm>>) target(%dma_start3A_77 : memref<640x128xf32, #tpu.memory_space<vmem_shared>>) target_semaphore(%run_scoped3A : memref<!tpu.dma_semaphore, #tpu.memory_space<semaphore_mem>>)
      %dma_wait3A = arith.constant 0 : i32
      %dma_wait3A_80 = tpu.memref_slice %arg9[%mul3A_7, %dma_wait3A] : memref<10240x128xf32, #tpu.memory_space<vmem_shared>> -> memref<640x128xf32, #tpu.memory_space<vmem_shared>>
      %dma_wait3A_81 = arith.constant 0 : i32
      %dma_wait3A_82 = tpu.memref_slice %arg2[%add3A_5, %dma_wait3A_81] : memref<20480x128xf32, #tpu.memory_space<hbm>> -> memref<640x128xf32, #tpu.memory_space<hbm>>
      tpu.wait_dma2 semaphore(%run_scoped3A : memref<!tpu.dma_semaphore, #tpu.memory_space<semaphore_mem>>) src(%dma_wait3A_82 : memref<640x128xf32, #tpu.memory_space<hbm>>) dst(%dma_wait3A_80 : memref<640x128xf32, #tpu.memory_space<vmem_shared>>)
      tpu.yield
    }) : () -> ()
    %barrier3A = arith.constant 0 : index
    tpu.barrier barrier_id(%barrier3A)
    %dma_start3A = arith.constant 0 : i32
    %dma_start3A_8 = arith.constant 0 : i32
    %dma_start3A_9 = arith.constant 0 : i32
    %dma_start3A_10 = arith.constant 0 : i32
    %dma_start3A_11 = tpu.memref_slice %arg6[%dma_start3A_8, %dma_start3A_9, %dma_start3A_10] : memref<2x20x64xi32, #tpu.memory_space<vmem>> -> memref<1x20x64xi32, #tpu.memory_space<vmem>>
    %dma_start3A_12 = tpu.memref_squeeze %dma_start3A_11 : memref<1x20x64xi32, #tpu.memory_space<vmem>> -> memref<20x64xi32, #tpu.memory_space<vmem>>
    %dma_start3A_13 = arith.constant 0 : i32
    %dma_start3A_14 = arith.constant 0 : i32
    %dma_start3A_15 = arith.constant 0 : i32
    %dma_start3A_16 = tpu.memref_slice %arg3[%add3A, %dma_start3A_13, %dma_start3A_14, %dma_start3A_15] : memref<32x16x20x64xi32, #tpu.memory_space<hbm>> -> memref<1x16x20x64xi32, #tpu.memory_space<hbm>>
    %dma_start3A_17 = tpu.memref_squeeze %dma_start3A_16 : memref<1x16x20x64xi32, #tpu.memory_space<hbm>> -> memref<16x20x64xi32, #tpu.memory_space<hbm>>
    %dma_start3A_18 = arith.constant 0 : i32
    %dma_start3A_19 = arith.constant 0 : i32
    %dma_start3A_20 = tpu.memref_slice %dma_start3A_17[%dma_start3A, %dma_start3A_18, %dma_start3A_19] : memref<16x20x64xi32, #tpu.memory_space<hbm>> -> memref<1x20x64xi32, #tpu.memory_space<hbm>>
    %dma_start3A_21 = tpu.memref_squeeze %dma_start3A_20 : memref<1x20x64xi32, #tpu.memory_space<hbm>> -> memref<20x64xi32, #tpu.memory_space<hbm>>
    %dma_start3A_22 = arith.constant 0 : i32
    %dma_start3A_23 = arith.constant 0 : i32
    %dma_start3A_24 = tpu.memref_slice %arg6[%dma_start3A_8, %dma_start3A_22, %dma_start3A_23] : memref<2x20x64xi32, #tpu.memory_space<vmem>> -> memref<1x20x64xi32, #tpu.memory_space<vmem>>
    %dma_start3A_25 = tpu.memref_squeeze %dma_start3A_24 : memref<1x20x64xi32, #tpu.memory_space<vmem>> -> memref<20x64xi32, #tpu.memory_space<vmem>>
    %dma_start3A_26 = arith.constant 0 : i32
    %dma_start3A_27 = arith.constant 0 : i32
    %dma_start3A_28 = arith.constant 0 : i32
    %dma_start3A_29 = tpu.memref_slice %arg3[%add3A, %dma_start3A_26, %dma_start3A_27, %dma_start3A_28] : memref<32x16x20x64xi32, #tpu.memory_space<hbm>> -> memref<1x16x20x64xi32, #tpu.memory_space<hbm>>
    %dma_start3A_30 = tpu.memref_squeeze %dma_start3A_29 : memref<1x16x20x64xi32, #tpu.memory_space<hbm>> -> memref<16x20x64xi32, #tpu.memory_space<hbm>>
    %dma_start3A_31 = arith.constant 0 : i32
    %dma_start3A_32 = arith.constant 0 : i32
    %dma_start3A_33 = tpu.memref_slice %dma_start3A_30[%dma_start3A, %dma_start3A_31, %dma_start3A_32] : memref<16x20x64xi32, #tpu.memory_space<hbm>> -> memref<1x20x64xi32, #tpu.memory_space<hbm>>
    %dma_start3A_34 = tpu.memref_squeeze %dma_start3A_33 : memref<1x20x64xi32, #tpu.memory_space<hbm>> -> memref<20x64xi32, #tpu.memory_space<hbm>>
    tpu.enqueue_dma source(%dma_start3A_34 : memref<20x64xi32, #tpu.memory_space<hbm>>) target(%dma_start3A_25 : memref<20x64xi32, #tpu.memory_space<vmem>>) target_semaphore(%arg11 : memref<!tpu.dma_semaphore, #tpu.memory_space<semaphore_mem>>)
    %dma_start3A_35 = arith.constant 0 : i32
    %dma_start3A_36 = arith.constant 0 : i32
    %dma_start3A_37 = arith.constant 0 : i32
    %dma_start3A_38 = arith.constant 0 : i32
    %dma_start3A_39 = tpu.memref_slice %arg7[%dma_start3A_36, %dma_start3A_37, %dma_start3A_38] : memref<2x20x64xi32, #tpu.memory_space<vmem>> -> memref<1x20x64xi32, #tpu.memory_space<vmem>>
    %dma_start3A_40 = tpu.memref_squeeze %dma_start3A_39 : memref<1x20x64xi32, #tpu.memory_space<vmem>> -> memref<20x64xi32, #tpu.memory_space<vmem>>
    %dma_start3A_41 = arith.constant 0 : i32
    %dma_start3A_42 = arith.constant 0 : i32
    %dma_start3A_43 = arith.constant 0 : i32
    %dma_start3A_44 = tpu.memref_slice %arg4[%arg1, %dma_start3A_41, %dma_start3A_42, %dma_start3A_43] : memref<16x16x20x64xi32, #tpu.memory_space<hbm>> -> memref<1x16x20x64xi32, #tpu.memory_space<hbm>>
    %dma_start3A_45 = tpu.memref_squeeze %dma_start3A_44 : memref<1x16x20x64xi32, #tpu.memory_space<hbm>> -> memref<16x20x64xi32, #tpu.memory_space<hbm>>
    %dma_start3A_46 = arith.constant 0 : i32
    %dma_start3A_47 = arith.constant 0 : i32
    %dma_start3A_48 = tpu.memref_slice %dma_start3A_45[%dma_start3A_35, %dma_start3A_46, %dma_start3A_47] : memref<16x20x64xi32, #tpu.memory_space<hbm>> -> memref<1x20x64xi32, #tpu.memory_space<hbm>>
    %dma_start3A_49 = tpu.memref_squeeze %dma_start3A_48 : memref<1x20x64xi32, #tpu.memory_space<hbm>> -> memref<20x64xi32, #tpu.memory_space<hbm>>
    %dma_start3A_50 = arith.constant 0 : i32
    %dma_start3A_51 = arith.constant 0 : i32
    %dma_start3A_52 = tpu.memref_slice %arg7[%dma_start3A_36, %dma_start3A_50, %dma_start3A_51] : memref<2x20x64xi32, #tpu.memory_space<vmem>> -> memref<1x20x64xi32, #tpu.memory_space<vmem>>
    %dma_start3A_53 = tpu.memref_squeeze %dma_start3A_52 : memref<1x20x64xi32, #tpu.memory_space<vmem>> -> memref<20x64xi32, #tpu.memory_space<vmem>>
    %dma_start3A_54 = arith.constant 0 : i32
    %dma_start3A_55 = arith.constant 0 : i32
    %dma_start3A_56 = arith.constant 0 : i32
    %dma_start3A_57 = tpu.memref_slice %arg4[%arg1, %dma_start3A_54, %dma_start3A_55, %dma_start3A_56] : memref<16x16x20x64xi32, #tpu.memory_space<hbm>> -> memref<1x16x20x64xi32, #tpu.memory_space<hbm>>
    %dma_start3A_58 = tpu.memref_squeeze %dma_start3A_57 : memref<1x16x20x64xi32, #tpu.memory_space<hbm>> -> memref<16x20x64xi32, #tpu.memory_space<hbm>>
    %dma_start3A_59 = arith.constant 0 : i32
    %dma_start3A_60 = arith.constant 0 : i32
    %dma_start3A_61 = tpu.memref_slice %dma_start3A_58[%dma_start3A_35, %dma_start3A_59, %dma_start3A_60] : memref<16x20x64xi32, #tpu.memory_space<hbm>> -> memref<1x20x64xi32, #tpu.memory_space<hbm>>
    %dma_start3A_62 = tpu.memref_squeeze %dma_start3A_61 : memref<1x20x64xi32, #tpu.memory_space<hbm>> -> memref<20x64xi32, #tpu.memory_space<hbm>>
    tpu.enqueue_dma source(%dma_start3A_62 : memref<20x64xi32, #tpu.memory_space<hbm>>) target(%dma_start3A_53 : memref<20x64xi32, #tpu.memory_space<vmem>>) target_semaphore(%arg11 : memref<!tpu.dma_semaphore, #tpu.memory_space<semaphore_mem>>)
    %scan3A = arith.constant 0 : i32
    %scan3A_63 = arith.constant 0 : i32
    %scan3A_64 = arith.constant 16 : i32
    %scan3A_65 = arith.addi %scan3A_63, %scan3A_64 : i32
    %scan3A_66 = arith.constant 1 : i32
    scf.for %scan3A_76 = %scan3A_63 to %scan3A_65 step %scan3A_66  : i32 {
      %rem3A = arith.constant 2 : i32
      %rem3A_77 = arith.remsi %scan3A_76, %rem3A : i32
      %dma_wait3A = arith.constant 0 : i32
      %dma_wait3A_78 = arith.constant 0 : i32
      %dma_wait3A_79 = tpu.memref_slice %arg6[%rem3A_77, %dma_wait3A, %dma_wait3A_78] : memref<2x20x64xi32, #tpu.memory_space<vmem>> -> memref<1x20x64xi32, #tpu.memory_space<vmem>>
      %dma_wait3A_80 = tpu.memref_squeeze %dma_wait3A_79 : memref<1x20x64xi32, #tpu.memory_space<vmem>> -> memref<20x64xi32, #tpu.memory_space<vmem>>
      %dma_wait3A_81 = arith.constant 0 : i32
      %dma_wait3A_82 = arith.constant 0 : i32
      %dma_wait3A_83 = arith.constant 0 : i32
      %dma_wait3A_84 = tpu.memref_slice %arg3[%add3A, %dma_wait3A_81, %dma_wait3A_82, %dma_wait3A_83] : memref<32x16x20x64xi32, #tpu.memory_space<hbm>> -> memref<1x16x20x64xi32, #tpu.memory_space<hbm>>
      %dma_wait3A_85 = tpu.memref_squeeze %dma_wait3A_84 : memref<1x16x20x64xi32, #tpu.memory_space<hbm>> -> memref<16x20x64xi32, #tpu.memory_space<hbm>>
      %dma_wait3A_86 = arith.constant 0 : i32
      %dma_wait3A_87 = arith.constant 0 : i32
      %dma_wait3A_88 = tpu.memref_slice %dma_wait3A_85[%scan3A_76, %dma_wait3A_86, %dma_wait3A_87] : memref<16x20x64xi32, #tpu.memory_space<hbm>> -> memref<1x20x64xi32, #tpu.memory_space<hbm>>
      %dma_wait3A_89 = tpu.memref_squeeze %dma_wait3A_88 : memref<1x20x64xi32, #tpu.memory_space<hbm>> -> memref<20x64xi32, #tpu.memory_space<hbm>>
      %dma_wait3A_90 = arith.constant 0 : i32
      %dma_wait3A_91 = arith.constant 0 : i32
      %dma_wait3A_92 = tpu.memref_slice %arg6[%rem3A_77, %dma_wait3A_90, %dma_wait3A_91] : memref<2x20x64xi32, #tpu.memory_space<vmem>> -> memref<1x20x64xi32, #tpu.memory_space<vmem>>
      %dma_wait3A_93 = tpu.memref_squeeze %dma_wait3A_92 : memref<1x20x64xi32, #tpu.memory_space<vmem>> -> memref<20x64xi32, #tpu.memory_space<vmem>>
      %dma_wait3A_94 = arith.constant 0 : i32
      %dma_wait3A_95 = arith.constant 0 : i32
      %dma_wait3A_96 = arith.constant 0 : i32
      %dma_wait3A_97 = tpu.memref_slice %arg3[%add3A, %dma_wait3A_94, %dma_wait3A_95, %dma_wait3A_96] : memref<32x16x20x64xi32, #tpu.memory_space<hbm>> -> memref<1x16x20x64xi32, #tpu.memory_space<hbm>>
      %dma_wait3A_98 = tpu.memref_squeeze %dma_wait3A_97 : memref<1x16x20x64xi32, #tpu.memory_space<hbm>> -> memref<16x20x64xi32, #tpu.memory_space<hbm>>
      %dma_wait3A_99 = arith.constant 0 : i32
      %dma_wait3A_100 = arith.constant 0 : i32
      %dma_wait3A_101 = tpu.memref_slice %dma_wait3A_98[%scan3A_76, %dma_wait3A_99, %dma_wait3A_100] : memref<16x20x64xi32, #tpu.memory_space<hbm>> -> memref<1x20x64xi32, #tpu.memory_space<hbm>>
      %dma_wait3A_102 = tpu.memref_squeeze %dma_wait3A_101 : memref<1x20x64xi32, #tpu.memory_space<hbm>> -> memref<20x64xi32, #tpu.memory_space<hbm>>
      tpu.wait_dma2 semaphore(%arg11 : memref<!tpu.dma_semaphore, #tpu.memory_space<semaphore_mem>>) src(%dma_wait3A_102 : memref<20x64xi32, #tpu.memory_space<hbm>>) dst(%dma_wait3A_93 : memref<20x64xi32, #tpu.memory_space<vmem>>)
      %dma_wait3A_103 = arith.constant 0 : i32
      %dma_wait3A_104 = arith.constant 0 : i32
      %dma_wait3A_105 = tpu.memref_slice %arg7[%rem3A_77, %dma_wait3A_103, %dma_wait3A_104] : memref<2x20x64xi32, #tpu.memory_space<vmem>> -> memref<1x20x64xi32, #tpu.memory_space<vmem>>
      %dma_wait3A_106 = tpu.memref_squeeze %dma_wait3A_105 : memref<1x20x64xi32, #tpu.memory_space<vmem>> -> memref<20x64xi32, #tpu.memory_space<vmem>>
      %dma_wait3A_107 = arith.constant 0 : i32
      %dma_wait3A_108 = arith.constant 0 : i32
      %dma_wait3A_109 = arith.constant 0 : i32
      %dma_wait3A_110 = tpu.memref_slice %arg4[%arg1, %dma_wait3A_107, %dma_wait3A_108, %dma_wait3A_109] : memref<16x16x20x64xi32, #tpu.memory_space<hbm>> -> memref<1x16x20x64xi32, #tpu.memory_space<hbm>>
      %dma_wait3A_111 = tpu.memref_squeeze %dma_wait3A_110 : memref<1x16x20x64xi32, #tpu.memory_space<hbm>> -> memref<16x20x64xi32, #tpu.memory_space<hbm>>
      %dma_wait3A_112 = arith.constant 0 : i32
      %dma_wait3A_113 = arith.constant 0 : i32
      %dma_wait3A_114 = tpu.memref_slice %dma_wait3A_111[%scan3A_76, %dma_wait3A_112, %dma_wait3A_113] : memref<16x20x64xi32, #tpu.memory_space<hbm>> -> memref<1x20x64xi32, #tpu.memory_space<hbm>>
      %dma_wait3A_115 = tpu.memref_squeeze %dma_wait3A_114 : memref<1x20x64xi32, #tpu.memory_space<hbm>> -> memref<20x64xi32, #tpu.memory_space<hbm>>
      %dma_wait3A_116 = arith.constant 0 : i32
      %dma_wait3A_117 = arith.constant 0 : i32
      %dma_wait3A_118 = tpu.memref_slice %arg7[%rem3A_77, %dma_wait3A_116, %dma_wait3A_117] : memref<2x20x64xi32, #tpu.memory_space<vmem>> -> memref<1x20x64xi32, #tpu.memory_space<vmem>>
      %dma_wait3A_119 = tpu.memref_squeeze %dma_wait3A_118 : memref<1x20x64xi32, #tpu.memory_space<vmem>> -> memref<20x64xi32, #tpu.memory_space<vmem>>
      %dma_wait3A_120 = arith.constant 0 : i32
      %dma_wait3A_121 = arith.constant 0 : i32
      %dma_wait3A_122 = arith.constant 0 : i32
      %dma_wait3A_123 = tpu.memref_slice %arg4[%arg1, %dma_wait3A_120, %dma_wait3A_121, %dma_wait3A_122] : memref<16x16x20x64xi32, #tpu.memory_space<hbm>> -> memref<1x16x20x64xi32, #tpu.memory_space<hbm>>
      %dma_wait3A_124 = tpu.memref_squeeze %dma_wait3A_123 : memref<1x16x20x64xi32, #tpu.memory_space<hbm>> -> memref<16x20x64xi32, #tpu.memory_space<hbm>>
      %dma_wait3A_125 = arith.constant 0 : i32
      %dma_wait3A_126 = arith.constant 0 : i32
      %dma_wait3A_127 = tpu.memref_slice %dma_wait3A_124[%scan3A_76, %dma_wait3A_125, %dma_wait3A_126] : memref<16x20x64xi32, #tpu.memory_space<hbm>> -> memref<1x20x64xi32, #tpu.memory_space<hbm>>
      %dma_wait3A_128 = tpu.memref_squeeze %dma_wait3A_127 : memref<1x20x64xi32, #tpu.memory_space<hbm>> -> memref<20x64xi32, #tpu.memory_space<hbm>>
      tpu.wait_dma2 semaphore(%arg11 : memref<!tpu.dma_semaphore, #tpu.memory_space<semaphore_mem>>) src(%dma_wait3A_128 : memref<20x64xi32, #tpu.memory_space<hbm>>) dst(%dma_wait3A_119 : memref<20x64xi32, #tpu.memory_space<vmem>>)
      %add3A_129 = arith.constant 1 : i32
      %add3A_130 = arith.addi %scan3A_76, %add3A_129 : i32
      %lt3A = arith.constant 16 : i32
      %lt3A_131 = arith.cmpi slt, %add3A_130, %lt3A : i32
      %convert_element_type3A = arith.extui %lt3A_131 : i1 to i32
      %cond3A = arith.constant 0 : i32
      %cond3A_132 = arith.cmpi ne, %convert_element_type3A, %cond3A : i32
      scf.if %cond3A_132 {
        %sub3A = arith.constant 1 : i32
        %sub3A_196 = arith.subi %sub3A, %rem3A_77 : i32
        %add3A_197 = arith.constant 1 : i32
        %add3A_198 = arith.addi %scan3A_76, %add3A_197 : i32
        %dma_start3A_199 = arith.constant 0 : i32
        %dma_start3A_200 = arith.constant 0 : i32
        %dma_start3A_201 = tpu.memref_slice %arg6[%sub3A_196, %dma_start3A_199, %dma_start3A_200] : memref<2x20x64xi32, #tpu.memory_space<vmem>> -> memref<1x20x64xi32, #tpu.memory_space<vmem>>
        %dma_start3A_202 = tpu.memref_squeeze %dma_start3A_201 : memref<1x20x64xi32, #tpu.memory_space<vmem>> -> memref<20x64xi32, #tpu.memory_space<vmem>>
        %dma_start3A_203 = arith.constant 0 : i32
        %dma_start3A_204 = arith.constant 0 : i32
        %dma_start3A_205 = arith.constant 0 : i32
        %dma_start3A_206 = tpu.memref_slice %arg3[%add3A, %dma_start3A_203, %dma_start3A_204, %dma_start3A_205] : memref<32x16x20x64xi32, #tpu.memory_space<hbm>> -> memref<1x16x20x64xi32, #tpu.memory_space<hbm>>
        %dma_start3A_207 = tpu.memref_squeeze %dma_start3A_206 : memref<1x16x20x64xi32, #tpu.memory_space<hbm>> -> memref<16x20x64xi32, #tpu.memory_space<hbm>>
        %dma_start3A_208 = arith.constant 0 : i32
        %dma_start3A_209 = arith.constant 0 : i32
        %dma_start3A_210 = tpu.memref_slice %dma_start3A_207[%add3A_198, %dma_start3A_208, %dma_start3A_209] : memref<16x20x64xi32, #tpu.memory_space<hbm>> -> memref<1x20x64xi32, #tpu.memory_space<hbm>>
        %dma_start3A_211 = tpu.memref_squeeze %dma_start3A_210 : memref<1x20x64xi32, #tpu.memory_space<hbm>> -> memref<20x64xi32, #tpu.memory_space<hbm>>
        %dma_start3A_212 = arith.constant 0 : i32
        %dma_start3A_213 = arith.constant 0 : i32
        %dma_start3A_214 = tpu.memref_slice %arg6[%sub3A_196, %dma_start3A_212, %dma_start3A_213] : memref<2x20x64xi32, #tpu.memory_space<vmem>> -> memref<1x20x64xi32, #tpu.memory_space<vmem>>
        %dma_start3A_215 = tpu.memref_squeeze %dma_start3A_214 : memref<1x20x64xi32, #tpu.memory_space<vmem>> -> memref<20x64xi32, #tpu.memory_space<vmem>>
        %dma_start3A_216 = arith.constant 0 : i32
        %dma_start3A_217 = arith.constant 0 : i32
        %dma_start3A_218 = arith.constant 0 : i32
        %dma_start3A_219 = tpu.memref_slice %arg3[%add3A, %dma_start3A_216, %dma_start3A_217, %dma_start3A_218] : memref<32x16x20x64xi32, #tpu.memory_space<hbm>> -> memref<1x16x20x64xi32, #tpu.memory_space<hbm>>
        %dma_start3A_220 = tpu.memref_squeeze %dma_start3A_219 : memref<1x16x20x64xi32, #tpu.memory_space<hbm>> -> memref<16x20x64xi32, #tpu.memory_space<hbm>>
        %dma_start3A_221 = arith.constant 0 : i32
        %dma_start3A_222 = arith.constant 0 : i32
        %dma_start3A_223 = tpu.memref_slice %dma_start3A_220[%add3A_198, %dma_start3A_221, %dma_start3A_222] : memref<16x20x64xi32, #tpu.memory_space<hbm>> -> memref<1x20x64xi32, #tpu.memory_space<hbm>>
        %dma_start3A_224 = tpu.memref_squeeze %dma_start3A_223 : memref<1x20x64xi32, #tpu.memory_space<hbm>> -> memref<20x64xi32, #tpu.memory_space<hbm>>
        tpu.enqueue_dma source(%dma_start3A_224 : memref<20x64xi32, #tpu.memory_space<hbm>>) target(%dma_start3A_215 : memref<20x64xi32, #tpu.memory_space<vmem>>) target_semaphore(%arg11 : memref<!tpu.dma_semaphore, #tpu.memory_space<semaphore_mem>>)
        %add3A_225 = arith.constant 1 : i32
        %add3A_226 = arith.addi %scan3A_76, %add3A_225 : i32
        %dma_start3A_227 = arith.constant 0 : i32
        %dma_start3A_228 = arith.constant 0 : i32
        %dma_start3A_229 = tpu.memref_slice %arg7[%sub3A_196, %dma_start3A_227, %dma_start3A_228] : memref<2x20x64xi32, #tpu.memory_space<vmem>> -> memref<1x20x64xi32, #tpu.memory_space<vmem>>
        %dma_start3A_230 = tpu.memref_squeeze %dma_start3A_229 : memref<1x20x64xi32, #tpu.memory_space<vmem>> -> memref<20x64xi32, #tpu.memory_space<vmem>>
        %dma_start3A_231 = arith.constant 0 : i32
        %dma_start3A_232 = arith.constant 0 : i32
        %dma_start3A_233 = arith.constant 0 : i32
        %dma_start3A_234 = tpu.memref_slice %arg4[%arg1, %dma_start3A_231, %dma_start3A_232, %dma_start3A_233] : memref<16x16x20x64xi32, #tpu.memory_space<hbm>> -> memref<1x16x20x64xi32, #tpu.memory_space<hbm>>
        %dma_start3A_235 = tpu.memref_squeeze %dma_start3A_234 : memref<1x16x20x64xi32, #tpu.memory_space<hbm>> -> memref<16x20x64xi32, #tpu.memory_space<hbm>>
        %dma_start3A_236 = arith.constant 0 : i32
        %dma_start3A_237 = arith.constant 0 : i32
        %dma_start3A_238 = tpu.memref_slice %dma_start3A_235[%add3A_226, %dma_start3A_236, %dma_start3A_237] : memref<16x20x64xi32, #tpu.memory_space<hbm>> -> memref<1x20x64xi32, #tpu.memory_space<hbm>>
        %dma_start3A_239 = tpu.memref_squeeze %dma_start3A_238 : memref<1x20x64xi32, #tpu.memory_space<hbm>> -> memref<20x64xi32, #tpu.memory_space<hbm>>
        %dma_start3A_240 = arith.constant 0 : i32
        %dma_start3A_241 = arith.constant 0 : i32
        %dma_start3A_242 = tpu.memref_slice %arg7[%sub3A_196, %dma_start3A_240, %dma_start3A_241] : memref<2x20x64xi32, #tpu.memory_space<vmem>> -> memref<1x20x64xi32, #tpu.memory_space<vmem>>
        %dma_start3A_243 = tpu.memref_squeeze %dma_start3A_242 : memref<1x20x64xi32, #tpu.memory_space<vmem>> -> memref<20x64xi32, #tpu.memory_space<vmem>>
        %dma_start3A_244 = arith.constant 0 : i32
        %dma_start3A_245 = arith.constant 0 : i32
        %dma_start3A_246 = arith.constant 0 : i32
        %dma_start3A_247 = tpu.memref_slice %arg4[%arg1, %dma_start3A_244, %dma_start3A_245, %dma_start3A_246] : memref<16x16x20x64xi32, #tpu.memory_space<hbm>> -> memref<1x16x20x64xi32, #tpu.memory_space<hbm>>
        %dma_start3A_248 = tpu.memref_squeeze %dma_start3A_247 : memref<1x16x20x64xi32, #tpu.memory_space<hbm>> -> memref<16x20x64xi32, #tpu.memory_space<hbm>>
        %dma_start3A_249 = arith.constant 0 : i32
        %dma_start3A_250 = arith.constant 0 : i32
        %dma_start3A_251 = tpu.memref_slice %dma_start3A_248[%add3A_226, %dma_start3A_249, %dma_start3A_250] : memref<16x20x64xi32, #tpu.memory_space<hbm>> -> memref<1x20x64xi32, #tpu.memory_space<hbm>>
        %dma_start3A_252 = tpu.memref_squeeze %dma_start3A_251 : memref<1x20x64xi32, #tpu.memory_space<hbm>> -> memref<20x64xi32, #tpu.memory_space<hbm>>
        tpu.enqueue_dma source(%dma_start3A_252 : memref<20x64xi32, #tpu.memory_space<hbm>>) target(%dma_start3A_243 : memref<20x64xi32, #tpu.memory_space<vmem>>) target_semaphore(%arg11 : memref<!tpu.dma_semaphore, #tpu.memory_space<semaphore_mem>>)
      } else {
      }
      %dma_start3A_133 = arith.constant 0 : i32
      %dma_start3A_134 = arith.constant 0 : i32
      %dma_start3A_135 = arith.constant 0 : i32
      %dma_start3A_136 = arith.constant 0 : i32
      %dma_start3A_137 = arith.constant 0 : i32
      %dma_start3A_138 = tpu.memref_slice %arg8[%dma_start3A_134, %dma_start3A_136, %dma_start3A_137] : memref<4x64x128xf32, #tpu.memory_space<vmem>> -> memref<1x64x128xf32, #tpu.memory_space<vmem>>
      %dma_start3A_139 = tpu.memref_squeeze %dma_start3A_138 : memref<1x64x128xf32, #tpu.memory_space<vmem>> -> memref<64x128xf32, #tpu.memory_space<vmem>>
      %dma_start3A_140 = arith.constant 0 : i32
      %dma_start3A_141 = arith.constant 0 : i32
      %dma_start3A_142 = tpu.memref_slice %arg6[%rem3A_77, %dma_start3A_140, %dma_start3A_141] : memref<2x20x64xi32, #tpu.memory_space<vmem>> -> memref<1x20x64xi32, #tpu.memory_space<vmem>>
      %dma_start3A_143 = tpu.memref_squeeze %dma_start3A_142 : memref<1x20x64xi32, #tpu.memory_space<vmem>> -> memref<20x64xi32, #tpu.memory_space<vmem>>
      %dma_start3A_144 = arith.constant 0 : i32
      %dma_start3A_145 = tpu.memref_slice %dma_start3A_143[%dma_start3A_133, %dma_start3A_144] : memref<20x64xi32, #tpu.memory_space<vmem>> -> memref<1x64xi32, #tpu.memory_space<vmem>>
      %dma_start3A_146 = tpu.memref_squeeze %dma_start3A_145 : memref<1x64xi32, #tpu.memory_space<vmem>> -> memref<64xi32, #tpu.memory_space<vmem>>
      %dma_start3A_147 = arith.constant 0 : i32
      %dma_start3A_148 = arith.constant 0 : i32
      %dma_start3A_149 = tpu.memref_slice %arg2[%dma_start3A_147, %dma_start3A_148] : memref<20480x128xf32, #tpu.memory_space<hbm>> -> memref<20480x128xf32, #tpu.memory_space<hbm>>
      %dma_start3A_150 = tpu.memref_slice %arg10[%dma_start3A_135] : memref<4x!tpu.dma_semaphore, #tpu.memory_space<semaphore_mem>> -> memref<1x!tpu.dma_semaphore, #tpu.memory_space<semaphore_mem>>
      %dma_start3A_151 = tpu.memref_squeeze %dma_start3A_150 : memref<1x!tpu.dma_semaphore, #tpu.memory_space<semaphore_mem>> -> memref<!tpu.dma_semaphore, #tpu.memory_space<semaphore_mem>>
      tpu.enqueue_indirect_dma source(%dma_start3A_149 : memref<20480x128xf32, #tpu.memory_space<hbm>>) target(%dma_start3A_139 : memref<64x128xf32, #tpu.memory_space<vmem>>) offsets(%dma_start3A_146 : memref<64xi32, #tpu.memory_space<vmem>>) semaphore(%dma_start3A_151 : memref<!tpu.dma_semaphore, #tpu.memory_space<semaphore_mem>>)
      %dma_start3A_152 = arith.constant 1 : i32
      %dma_start3A_153 = arith.constant 1 : i32
      %dma_start3A_154 = arith.constant 1 : i32
      %dma_start3A_155 = arith.constant 0 : i32
      %dma_start3A_156 = arith.constant 0 : i32
      %dma_start3A_157 = tpu.memref_slice %arg8[%dma_start3A_153, %dma_start3A_155, %dma_start3A_156] : memref<4x64x128xf32, #tpu.memory_space<vmem>> -> memref<1x64x128xf32, #tpu.memory_space<vmem>>
      %dma_start3A_158 = tpu.memref_squeeze %dma_start3A_157 : memref<1x64x128xf32, #tpu.memory_space<vmem>> -> memref<64x128xf32, #tpu.memory_space<vmem>>
      %dma_start3A_159 = arith.constant 0 : i32
      %dma_start3A_160 = arith.constant 0 : i32
      %dma_start3A_161 = tpu.memref_slice %arg6[%rem3A_77, %dma_start3A_159, %dma_start3A_160] : memref<2x20x64xi32, #tpu.memory_space<vmem>> -> memref<1x20x64xi32, #tpu.memory_space<vmem>>
      %dma_start3A_162 = tpu.memref_squeeze %dma_start3A_161 : memref<1x20x64xi32, #tpu.memory_space<vmem>> -> memref<20x64xi32, #tpu.memory_space<vmem>>
      %dma_start3A_163 = arith.constant 0 : i32
      %dma_start3A_164 = tpu.memref_slice %dma_start3A_162[%dma_start3A_152, %dma_start3A_163] : memref<20x64xi32, #tpu.memory_space<vmem>> -> memref<1x64xi32, #tpu.memory_space<vmem>>
      %dma_start3A_165 = tpu.memref_squeeze %dma_start3A_164 : memref<1x64xi32, #tpu.memory_space<vmem>> -> memref<64xi32, #tpu.memory_space<vmem>>
      %dma_start3A_166 = arith.constant 0 : i32
      %dma_start3A_167 = arith.constant 0 : i32
      %dma_start3A_168 = tpu.memref_slice %arg2[%dma_start3A_166, %dma_start3A_167] : memref<20480x128xf32, #tpu.memory_space<hbm>> -> memref<20480x128xf32, #tpu.memory_space<hbm>>
      %dma_start3A_169 = tpu.memref_slice %arg10[%dma_start3A_154] : memref<4x!tpu.dma_semaphore, #tpu.memory_space<semaphore_mem>> -> memref<1x!tpu.dma_semaphore, #tpu.memory_space<semaphore_mem>>
      %dma_start3A_170 = tpu.memref_squeeze %dma_start3A_169 : memref<1x!tpu.dma_semaphore, #tpu.memory_space<semaphore_mem>> -> memref<!tpu.dma_semaphore, #tpu.memory_space<semaphore_mem>>
      tpu.enqueue_indirect_dma source(%dma_start3A_168 : memref<20480x128xf32, #tpu.memory_space<hbm>>) target(%dma_start3A_158 : memref<64x128xf32, #tpu.memory_space<vmem>>) offsets(%dma_start3A_165 : memref<64xi32, #tpu.memory_space<vmem>>) semaphore(%dma_start3A_170 : memref<!tpu.dma_semaphore, #tpu.memory_space<semaphore_mem>>)
      %dma_start3A_171 = arith.constant 2 : i32
      %dma_start3A_172 = arith.constant 2 : i32
      %dma_start3A_173 = arith.constant 2 : i32
      %dma_start3A_174 = arith.constant 0 : i32
      %dma_start3A_175 = arith.constant 0 : i32
      %dma_start3A_176 = tpu.memref_slice %arg8[%dma_start3A_172, %dma_start3A_174, %dma_start3A_175] : memref<4x64x128xf32, #tpu.memory_space<vmem>> -> memref<1x64x128xf32, #tpu.memory_space<vmem>>
      %dma_start3A_177 = tpu.memref_squeeze %dma_start3A_176 : memref<1x64x128xf32, #tpu.memory_space<vmem>> -> memref<64x128xf32, #tpu.memory_space<vmem>>
      %dma_start3A_178 = arith.constant 0 : i32
      %dma_start3A_179 = arith.constant 0 : i32
      %dma_start3A_180 = tpu.memref_slice %arg6[%rem3A_77, %dma_start3A_178, %dma_start3A_179] : memref<2x20x64xi32, #tpu.memory_space<vmem>> -> memref<1x20x64xi32, #tpu.memory_space<vmem>>
      %dma_start3A_181 = tpu.memref_squeeze %dma_start3A_180 : memref<1x20x64xi32, #tpu.memory_space<vmem>> -> memref<20x64xi32, #tpu.memory_space<vmem>>
      %dma_start3A_182 = arith.constant 0 : i32
      %dma_start3A_183 = tpu.memref_slice %dma_start3A_181[%dma_start3A_171, %dma_start3A_182] : memref<20x64xi32, #tpu.memory_space<vmem>> -> memref<1x64xi32, #tpu.memory_space<vmem>>
      %dma_start3A_184 = tpu.memref_squeeze %dma_start3A_183 : memref<1x64xi32, #tpu.memory_space<vmem>> -> memref<64xi32, #tpu.memory_space<vmem>>
      %dma_start3A_185 = arith.constant 0 : i32
      %dma_start3A_186 = arith.constant 0 : i32
      %dma_start3A_187 = tpu.memref_slice %arg2[%dma_start3A_185, %dma_start3A_186] : memref<20480x128xf32, #tpu.memory_space<hbm>> -> memref<20480x128xf32, #tpu.memory_space<hbm>>
      %dma_start3A_188 = tpu.memref_slice %arg10[%dma_start3A_173] : memref<4x!tpu.dma_semaphore, #tpu.memory_space<semaphore_mem>> -> memref<1x!tpu.dma_semaphore, #tpu.memory_space<semaphore_mem>>
      %dma_start3A_189 = tpu.memref_squeeze %dma_start3A_188 : memref<1x!tpu.dma_semaphore, #tpu.memory_space<semaphore_mem>> -> memref<!tpu.dma_semaphore, #tpu.memory_space<semaphore_mem>>
      tpu.enqueue_indirect_dma source(%dma_start3A_187 : memref<20480x128xf32, #tpu.memory_space<hbm>>) target(%dma_start3A_177 : memref<64x128xf32, #tpu.memory_space<vmem>>) offsets(%dma_start3A_184 : memref<64xi32, #tpu.memory_space<vmem>>) semaphore(%dma_start3A_189 : memref<!tpu.dma_semaphore, #tpu.memory_space<semaphore_mem>>)
      %scan3A_190 = arith.constant 0 : i32
      %scan3A_191 = arith.constant 0 : i32
      %scan3A_192 = arith.constant 20 : i32
      %scan3A_193 = arith.addi %scan3A_191, %scan3A_192 : i32
      %scan3A_194 = arith.constant 1 : i32
      scf.for %scan3A_196 = %scan3A_191 to %scan3A_193 step %scan3A_194  : i32 {
        %rem3A_197 = arith.constant 4 : i32
        %rem3A_198 = arith.remsi %scan3A_196, %rem3A_197 : i32
        %dma_wait3A_199 = arith.constant 0 : i32
        %dma_wait3A_200 = arith.constant 0 : i32
        %dma_wait3A_201 = tpu.memref_slice %arg8[%rem3A_198, %dma_wait3A_199, %dma_wait3A_200] : memref<4x64x128xf32, #tpu.memory_space<vmem>> -> memref<1x64x128xf32, #tpu.memory_space<vmem>>
        %dma_wait3A_202 = tpu.memref_squeeze %dma_wait3A_201 : memref<1x64x128xf32, #tpu.memory_space<vmem>> -> memref<64x128xf32, #tpu.memory_space<vmem>>
        %dma_wait3A_203 = arith.constant 0 : i32
        %dma_wait3A_204 = arith.constant 0 : i32
        %dma_wait3A_205 = tpu.memref_slice %arg6[%rem3A_77, %dma_wait3A_203, %dma_wait3A_204] : memref<2x20x64xi32, #tpu.memory_space<vmem>> -> memref<1x20x64xi32, #tpu.memory_space<vmem>>
        %dma_wait3A_206 = tpu.memref_squeeze %dma_wait3A_205 : memref<1x20x64xi32, #tpu.memory_space<vmem>> -> memref<20x64xi32, #tpu.memory_space<vmem>>
        %dma_wait3A_207 = arith.constant 0 : i32
        %dma_wait3A_208 = tpu.memref_slice %dma_wait3A_206[%scan3A_196, %dma_wait3A_207] : memref<20x64xi32, #tpu.memory_space<vmem>> -> memref<1x64xi32, #tpu.memory_space<vmem>>
        %dma_wait3A_209 = tpu.memref_squeeze %dma_wait3A_208 : memref<1x64xi32, #tpu.memory_space<vmem>> -> memref<64xi32, #tpu.memory_space<vmem>>
        %dma_wait3A_210 = arith.constant 0 : i32
        %dma_wait3A_211 = arith.constant 0 : i32
        %dma_wait3A_212 = tpu.memref_slice %arg2[%dma_wait3A_210, %dma_wait3A_211] : memref<20480x128xf32, #tpu.memory_space<hbm>> -> memref<20480x128xf32, #tpu.memory_space<hbm>>
        %dma_wait3A_213 = tpu.memref_slice %arg10[%rem3A_198] : memref<4x!tpu.dma_semaphore, #tpu.memory_space<semaphore_mem>> -> memref<1x!tpu.dma_semaphore, #tpu.memory_space<semaphore_mem>>
        %dma_wait3A_214 = tpu.memref_squeeze %dma_wait3A_213 : memref<1x!tpu.dma_semaphore, #tpu.memory_space<semaphore_mem>> -> memref<!tpu.dma_semaphore, #tpu.memory_space<semaphore_mem>>
        tpu.wait_indirect_dma semaphore(%dma_wait3A_214 : memref<!tpu.dma_semaphore, #tpu.memory_space<semaphore_mem>>) src(%dma_wait3A_212 : memref<20480x128xf32, #tpu.memory_space<hbm>>) dst(%dma_wait3A_202 : memref<64x128xf32, #tpu.memory_space<vmem>>)
        %add3A_215 = arith.constant 3 : i32
        %add3A_216 = arith.addi %scan3A_196, %add3A_215 : i32
        %lt3A_217 = arith.constant 20 : i32
        %lt3A_218 = arith.cmpi slt, %add3A_216, %lt3A_217 : i32
        %convert_element_type3A_219 = arith.extui %lt3A_218 : i1 to i32
        %cond3A_220 = arith.constant 0 : i32
        %cond3A_221 = arith.cmpi ne, %convert_element_type3A_219, %cond3A_220 : i32
        scf.if %cond3A_221 {
          %add3A_222 = arith.constant 3 : i32
          %add3A_223 = arith.addi %scan3A_196, %add3A_222 : i32
          %rem3A_224 = arith.constant 4 : i32
          %rem3A_225 = arith.remsi %add3A_223, %rem3A_224 : i32
          %add3A_226 = arith.constant 3 : i32
          %add3A_227 = arith.addi %scan3A_196, %add3A_226 : i32
          %dma_start3A_228 = arith.constant 0 : i32
          %dma_start3A_229 = arith.constant 0 : i32
          %dma_start3A_230 = tpu.memref_slice %arg8[%rem3A_225, %dma_start3A_228, %dma_start3A_229] : memref<4x64x128xf32, #tpu.memory_space<vmem>> -> memref<1x64x128xf32, #tpu.memory_space<vmem>>
          %dma_start3A_231 = tpu.memref_squeeze %dma_start3A_230 : memref<1x64x128xf32, #tpu.memory_space<vmem>> -> memref<64x128xf32, #tpu.memory_space<vmem>>
          %dma_start3A_232 = arith.constant 0 : i32
          %dma_start3A_233 = arith.constant 0 : i32
          %dma_start3A_234 = tpu.memref_slice %arg6[%rem3A_77, %dma_start3A_232, %dma_start3A_233] : memref<2x20x64xi32, #tpu.memory_space<vmem>> -> memref<1x20x64xi32, #tpu.memory_space<vmem>>
          %dma_start3A_235 = tpu.memref_squeeze %dma_start3A_234 : memref<1x20x64xi32, #tpu.memory_space<vmem>> -> memref<20x64xi32, #tpu.memory_space<vmem>>
          %dma_start3A_236 = arith.constant 0 : i32
          %dma_start3A_237 = tpu.memref_slice %dma_start3A_235[%add3A_227, %dma_start3A_236] : memref<20x64xi32, #tpu.memory_space<vmem>> -> memref<1x64xi32, #tpu.memory_space<vmem>>
          %dma_start3A_238 = tpu.memref_squeeze %dma_start3A_237 : memref<1x64xi32, #tpu.memory_space<vmem>> -> memref<64xi32, #tpu.memory_space<vmem>>
          %dma_start3A_239 = arith.constant 0 : i32
          %dma_start3A_240 = arith.constant 0 : i32
          %dma_start3A_241 = tpu.memref_slice %arg2[%dma_start3A_239, %dma_start3A_240] : memref<20480x128xf32, #tpu.memory_space<hbm>> -> memref<20480x128xf32, #tpu.memory_space<hbm>>
          %dma_start3A_242 = tpu.memref_slice %arg10[%rem3A_225] : memref<4x!tpu.dma_semaphore, #tpu.memory_space<semaphore_mem>> -> memref<1x!tpu.dma_semaphore, #tpu.memory_space<semaphore_mem>>
          %dma_start3A_243 = tpu.memref_squeeze %dma_start3A_242 : memref<1x!tpu.dma_semaphore, #tpu.memory_space<semaphore_mem>> -> memref<!tpu.dma_semaphore, #tpu.memory_space<semaphore_mem>>
          tpu.enqueue_indirect_dma source(%dma_start3A_241 : memref<20480x128xf32, #tpu.memory_space<hbm>>) target(%dma_start3A_231 : memref<64x128xf32, #tpu.memory_space<vmem>>) offsets(%dma_start3A_238 : memref<64xi32, #tpu.memory_space<vmem>>) semaphore(%dma_start3A_243 : memref<!tpu.dma_semaphore, #tpu.memory_space<semaphore_mem>>)
        } else {
        }
        "tpu.region"() ({
          %run_scoped3A = tpu.sem_alloc : memref<!tpu.dma_semaphore, #tpu.memory_space<semaphore_mem>>
          %dma_start3A_222 = arith.constant 0 : i32
          %dma_start3A_223 = arith.constant 0 : i32
          %dma_start3A_224 = tpu.memref_slice %arg8[%rem3A_198, %dma_start3A_222, %dma_start3A_223] : memref<4x64x128xf32, #tpu.memory_space<vmem>> -> memref<1x64x128xf32, #tpu.memory_space<vmem>>
          %dma_start3A_225 = tpu.memref_squeeze %dma_start3A_224 : memref<1x64x128xf32, #tpu.memory_space<vmem>> -> memref<64x128xf32, #tpu.memory_space<vmem>>
          %dma_start3A_226 = arith.constant 0 : i32
          %dma_start3A_227 = arith.constant 0 : i32
          %dma_start3A_228 = tpu.memref_slice %arg7[%rem3A_77, %dma_start3A_226, %dma_start3A_227] : memref<2x20x64xi32, #tpu.memory_space<vmem>> -> memref<1x20x64xi32, #tpu.memory_space<vmem>>
          %dma_start3A_229 = tpu.memref_squeeze %dma_start3A_228 : memref<1x20x64xi32, #tpu.memory_space<vmem>> -> memref<20x64xi32, #tpu.memory_space<vmem>>
          %dma_start3A_230 = arith.constant 0 : i32
          %dma_start3A_231 = tpu.memref_slice %dma_start3A_229[%scan3A_196, %dma_start3A_230] : memref<20x64xi32, #tpu.memory_space<vmem>> -> memref<1x64xi32, #tpu.memory_space<vmem>>
          %dma_start3A_232 = tpu.memref_squeeze %dma_start3A_231 : memref<1x64xi32, #tpu.memory_space<vmem>> -> memref<64xi32, #tpu.memory_space<vmem>>
          %dma_start3A_233 = arith.constant 0 : i32
          %dma_start3A_234 = arith.constant 0 : i32
          %dma_start3A_235 = tpu.memref_slice %arg9[%dma_start3A_233, %dma_start3A_234] : memref<10240x128xf32, #tpu.memory_space<vmem_shared>> -> memref<10240x128xf32, #tpu.memory_space<vmem_shared>>
          tpu.enqueue_indirect_dma source(%dma_start3A_225 : memref<64x128xf32, #tpu.memory_space<vmem>>) target(%dma_start3A_235 : memref<10240x128xf32, #tpu.memory_space<vmem_shared>>) offsets(%dma_start3A_232 : memref<64xi32, #tpu.memory_space<vmem>>) semaphore(%run_scoped3A : memref<!tpu.dma_semaphore, #tpu.memory_space<semaphore_mem>>) {add = true}
          %dma_wait3A_236 = arith.constant 0 : i32
          %dma_wait3A_237 = arith.constant 0 : i32
          %dma_wait3A_238 = tpu.memref_slice %arg8[%rem3A_198, %dma_wait3A_236, %dma_wait3A_237] : memref<4x64x128xf32, #tpu.memory_space<vmem>> -> memref<1x64x128xf32, #tpu.memory_space<vmem>>
          %dma_wait3A_239 = tpu.memref_squeeze %dma_wait3A_238 : memref<1x64x128xf32, #tpu.memory_space<vmem>> -> memref<64x128xf32, #tpu.memory_space<vmem>>
          %dma_wait3A_240 = arith.constant 0 : i32
          %dma_wait3A_241 = arith.constant 0 : i32
          %dma_wait3A_242 = tpu.memref_slice %arg7[%rem3A_77, %dma_wait3A_240, %dma_wait3A_241] : memref<2x20x64xi32, #tpu.memory_space<vmem>> -> memref<1x20x64xi32, #tpu.memory_space<vmem>>
          %dma_wait3A_243 = tpu.memref_squeeze %dma_wait3A_242 : memref<1x20x64xi32, #tpu.memory_space<vmem>> -> memref<20x64xi32, #tpu.memory_space<vmem>>
          %dma_wait3A_244 = arith.constant 0 : i32
          %dma_wait3A_245 = tpu.memref_slice %dma_wait3A_243[%scan3A_196, %dma_wait3A_244] : memref<20x64xi32, #tpu.memory_space<vmem>> -> memref<1x64xi32, #tpu.memory_space<vmem>>
          %dma_wait3A_246 = tpu.memref_squeeze %dma_wait3A_245 : memref<1x64xi32, #tpu.memory_space<vmem>> -> memref<64xi32, #tpu.memory_space<vmem>>
          %dma_wait3A_247 = arith.constant 0 : i32
          %dma_wait3A_248 = arith.constant 0 : i32
          %dma_wait3A_249 = tpu.memref_slice %arg9[%dma_wait3A_247, %dma_wait3A_248] : memref<10240x128xf32, #tpu.memory_space<vmem_shared>> -> memref<10240x128xf32, #tpu.memory_space<vmem_shared>>
          tpu.wait_indirect_dma semaphore(%run_scoped3A : memref<!tpu.dma_semaphore, #tpu.memory_space<semaphore_mem>>) src(%dma_wait3A_239 : memref<64x128xf32, #tpu.memory_space<vmem>>) dst(%dma_wait3A_249 : memref<10240x128xf32, #tpu.memory_space<vmem_shared>>)
          tpu.yield
        }) : () -> ()
      }
      %scan3A_195 = arith.constant 20 : i32
    }
    %scan3A_67 = arith.constant 16 : i32
    %barrier3A_68 = arith.constant 0 : index
    tpu.barrier barrier_id(%barrier3A_68)
    %mul3A_69 = arith.constant 640 : i32
    %mul3A_70 = arith.muli %arg1, %mul3A_69 : i32
    %mul3A_71 = arith.constant 10240 : i32
    %mul3A_72 = arith.muli %arg0, %mul3A_71 : i32
    %mul3A_73 = arith.constant 640 : i32
    %mul3A_74 = arith.muli %arg1, %mul3A_73 : i32
    %add3A_75 = arith.addi %mul3A_72, %mul3A_74 : i32
    "tpu.region"() ({
      %run_scoped3A = tpu.sem_alloc : memref<!tpu.dma_semaphore, #tpu.memory_space<semaphore_mem>>
      %dma_start3A_76 = arith.constant 0 : i32
      %dma_start3A_77 = tpu.memref_slice %arg5[%add3A_75, %dma_start3A_76] : memref<20480x128xf32, #tpu.memory_space<hbm>> -> memref<640x128xf32, #tpu.memory_space<hbm>>
      %dma_start3A_78 = arith.constant 0 : i32
      %dma_start3A_79 = tpu.memref_slice %arg9[%mul3A_70, %dma_start3A_78] : memref<10240x128xf32, #tpu.memory_space<vmem_shared>> -> memref<640x128xf32, #tpu.memory_space<vmem_shared>>
      tpu.enqueue_dma source(%dma_start3A_79 : memref<640x128xf32, #tpu.memory_space<vmem_shared>>) target(%dma_start3A_77 : memref<640x128xf32, #tpu.memory_space<hbm>>) target_semaphore(%run_scoped3A : memref<!tpu.dma_semaphore, #tpu.memory_space<semaphore_mem>>)
      %dma_wait3A = arith.constant 0 : i32
      %dma_wait3A_80 = tpu.memref_slice %arg5[%add3A_75, %dma_wait3A] : memref<20480x128xf32, #tpu.memory_space<hbm>> -> memref<640x128xf32, #tpu.memory_space<hbm>>
      %dma_wait3A_81 = arith.constant 0 : i32
      %dma_wait3A_82 = tpu.memref_slice %arg9[%mul3A_70, %dma_wait3A_81] : memref<10240x128xf32, #tpu.memory_space<vmem_shared>> -> memref<640x128xf32, #tpu.memory_space<vmem_shared>>
      tpu.wait_dma2 semaphore(%run_scoped3A : memref<!tpu.dma_semaphore, #tpu.memory_space<semaphore_mem>>) src(%dma_wait3A_82 : memref<640x128xf32, #tpu.memory_space<vmem_shared>>) dst(%dma_wait3A_80 : memref<640x128xf32, #tpu.memory_space<hbm>>)
      tpu.yield
    }) : () -> ()
    return
  }
}

#map = affine_map<(d0, d1) -> (0, 0)>
#map1 = affine_map<(d0, d1) -> (0, 0, 0, 0)>
module attributes {stable_mosaic.version = 14 : i64} {
  func.func @_agg_kernel(%arg0: i32, %arg1: i32, %arg2: memref<20480x128xf32, #tpu.memory_space<hbm>>, %arg3: memref<32x16x20x64xi32, #tpu.memory_space<hbm>>, %arg4: memref<16x16x20x64xi32, #tpu.memory_space<hbm>>, %arg5: memref<20480x128xf32, #tpu.memory_space<hbm>>, %arg6: memref<2x20x64xi32, #tpu.memory_space<vmem>>, %arg7: memref<2x20x64xi32, #tpu.memory_space<vmem>>, %arg8: memref<4x64x128xf32, #tpu.memory_space<vmem>>, %arg9: memref<10240x128xf32, #tpu.memory_space<vmem_shared>>, %arg10: memref<4x!tpu.dma_semaphore, #tpu.memory_space<semaphore_mem>>, %arg11: memref<!tpu.dma_semaphore, #tpu.memory_space<semaphore_mem>>) attributes {dimension_semantics = [#tpu.dimension_semantics<core_parallel>, #tpu.dimension_semantics<subcore_parallel>], iteration_bounds = array<i64: 2, 16>, scalar_prefetch = 0 : i64, scratch_operands = 6 : i64, tpu.core_type = #tpu.core_type<sc_vector_subcore>, window_params = [{transform_indices = #map}, {transform_indices = #map1}, {transform_indices = #map1}, {transform_indices = #map}]} {
    %mul3A = arith.constant 16 : i32
    %mul3A_0 = arith.muli %arg0, %mul3A : i32
    %add3A = arith.addi %mul3A_0, %arg1 : i32
    %mul3A_1 = arith.constant 10240 : i32
    %mul3A_2 = arith.muli %arg0, %mul3A_1 : i32
    %mul3A_3 = arith.constant 640 : i32
    %mul3A_4 = arith.muli %arg1, %mul3A_3 : i32
    %add3A_5 = arith.addi %mul3A_2, %mul3A_4 : i32
    %mul3A_6 = arith.constant 640 : i32
    %mul3A_7 = arith.muli %arg1, %mul3A_6 : i32
    "tpu.region"() ({
      %run_scoped3A = tpu.sem_alloc : memref<!tpu.dma_semaphore, #tpu.memory_space<semaphore_mem>>
      %dma_start3A_76 = arith.constant 0 : i32
      %dma_start3A_77 = tpu.memref_slice %arg9[%mul3A_7, %dma_start3A_76] : memref<10240x128xf32, #tpu.memory_space<vmem_shared>> -> memref<640x128xf32, #tpu.memory_space<vmem_shared>>
      %dma_start3A_78 = arith.constant 0 : i32
      %dma_start3A_79 = tpu.memref_slice %arg2[%add3A_5, %dma_start3A_78] : memref<20480x128xf32, #tpu.memory_space<hbm>> -> memref<640x128xf32, #tpu.memory_space<hbm>>
      tpu.enqueue_dma source(%dma_start3A_79 : memref<640x128xf32, #tpu.memory_space<hbm>>) target(%dma_start3A_77 : memref<640x128xf32, #tpu.memory_space<vmem_shared>>) target_semaphore(%run_scoped3A : memref<!tpu.dma_semaphore, #tpu.memory_space<semaphore_mem>>)
      %dma_wait3A = arith.constant 0 : i32
      %dma_wait3A_80 = tpu.memref_slice %arg9[%mul3A_7, %dma_wait3A] : memref<10240x128xf32, #tpu.memory_space<vmem_shared>> -> memref<640x128xf32, #tpu.memory_space<vmem_shared>>
      %dma_wait3A_81 = arith.constant 0 : i32
      %dma_wait3A_82 = tpu.memref_slice %arg2[%add3A_5, %dma_wait3A_81] : memref<20480x128xf32, #tpu.memory_space<hbm>> -> memref<640x128xf32, #tpu.memory_space<hbm>>
      tpu.wait_dma2 semaphore(%run_scoped3A : memref<!tpu.dma_semaphore, #tpu.memory_space<semaphore_mem>>) src(%dma_wait3A_82 : memref<640x128xf32, #tpu.memory_space<hbm>>) dst(%dma_wait3A_80 : memref<640x128xf32, #tpu.memory_space<vmem_shared>>)
      tpu.yield
    }) : () -> ()
    %barrier3A = arith.constant 0 : index
    tpu.barrier barrier_id(%barrier3A)
    %dma_start3A = arith.constant 0 : i32
    %dma_start3A_8 = arith.constant 0 : i32
    %dma_start3A_9 = arith.constant 0 : i32
    %dma_start3A_10 = arith.constant 0 : i32
    %dma_start3A_11 = tpu.memref_slice %arg6[%dma_start3A_8, %dma_start3A_9, %dma_start3A_10] : memref<2x20x64xi32, #tpu.memory_space<vmem>> -> memref<1x20x64xi32, #tpu.memory_space<vmem>>
    %dma_start3A_12 = tpu.memref_squeeze %dma_start3A_11 : memref<1x20x64xi32, #tpu.memory_space<vmem>> -> memref<20x64xi32, #tpu.memory_space<vmem>>
    %dma_start3A_13 = arith.constant 0 : i32
    %dma_start3A_14 = arith.constant 0 : i32
    %dma_start3A_15 = arith.constant 0 : i32
    %dma_start3A_16 = tpu.memref_slice %arg3[%add3A, %dma_start3A_13, %dma_start3A_14, %dma_start3A_15] : memref<32x16x20x64xi32, #tpu.memory_space<hbm>> -> memref<1x16x20x64xi32, #tpu.memory_space<hbm>>
    %dma_start3A_17 = tpu.memref_squeeze %dma_start3A_16 : memref<1x16x20x64xi32, #tpu.memory_space<hbm>> -> memref<16x20x64xi32, #tpu.memory_space<hbm>>
    %dma_start3A_18 = arith.constant 0 : i32
    %dma_start3A_19 = arith.constant 0 : i32
    %dma_start3A_20 = tpu.memref_slice %dma_start3A_17[%dma_start3A, %dma_start3A_18, %dma_start3A_19] : memref<16x20x64xi32, #tpu.memory_space<hbm>> -> memref<1x20x64xi32, #tpu.memory_space<hbm>>
    %dma_start3A_21 = tpu.memref_squeeze %dma_start3A_20 : memref<1x20x64xi32, #tpu.memory_space<hbm>> -> memref<20x64xi32, #tpu.memory_space<hbm>>
    %dma_start3A_22 = arith.constant 0 : i32
    %dma_start3A_23 = arith.constant 0 : i32
    %dma_start3A_24 = tpu.memref_slice %arg6[%dma_start3A_8, %dma_start3A_22, %dma_start3A_23] : memref<2x20x64xi32, #tpu.memory_space<vmem>> -> memref<1x20x64xi32, #tpu.memory_space<vmem>>
    %dma_start3A_25 = tpu.memref_squeeze %dma_start3A_24 : memref<1x20x64xi32, #tpu.memory_space<vmem>> -> memref<20x64xi32, #tpu.memory_space<vmem>>
    %dma_start3A_26 = arith.constant 0 : i32
    %dma_start3A_27 = arith.constant 0 : i32
    %dma_start3A_28 = arith.constant 0 : i32
    %dma_start3A_29 = tpu.memref_slice %arg3[%add3A, %dma_start3A_26, %dma_start3A_27, %dma_start3A_28] : memref<32x16x20x64xi32, #tpu.memory_space<hbm>> -> memref<1x16x20x64xi32, #tpu.memory_space<hbm>>
    %dma_start3A_30 = tpu.memref_squeeze %dma_start3A_29 : memref<1x16x20x64xi32, #tpu.memory_space<hbm>> -> memref<16x20x64xi32, #tpu.memory_space<hbm>>
    %dma_start3A_31 = arith.constant 0 : i32
    %dma_start3A_32 = arith.constant 0 : i32
    %dma_start3A_33 = tpu.memref_slice %dma_start3A_30[%dma_start3A, %dma_start3A_31, %dma_start3A_32] : memref<16x20x64xi32, #tpu.memory_space<hbm>> -> memref<1x20x64xi32, #tpu.memory_space<hbm>>
    %dma_start3A_34 = tpu.memref_squeeze %dma_start3A_33 : memref<1x20x64xi32, #tpu.memory_space<hbm>> -> memref<20x64xi32, #tpu.memory_space<hbm>>
    tpu.enqueue_dma source(%dma_start3A_34 : memref<20x64xi32, #tpu.memory_space<hbm>>) target(%dma_start3A_25 : memref<20x64xi32, #tpu.memory_space<vmem>>) target_semaphore(%arg11 : memref<!tpu.dma_semaphore, #tpu.memory_space<semaphore_mem>>)
    %dma_start3A_35 = arith.constant 0 : i32
    %dma_start3A_36 = arith.constant 0 : i32
    %dma_start3A_37 = arith.constant 0 : i32
    %dma_start3A_38 = arith.constant 0 : i32
    %dma_start3A_39 = tpu.memref_slice %arg7[%dma_start3A_36, %dma_start3A_37, %dma_start3A_38] : memref<2x20x64xi32, #tpu.memory_space<vmem>> -> memref<1x20x64xi32, #tpu.memory_space<vmem>>
    %dma_start3A_40 = tpu.memref_squeeze %dma_start3A_39 : memref<1x20x64xi32, #tpu.memory_space<vmem>> -> memref<20x64xi32, #tpu.memory_space<vmem>>
    %dma_start3A_41 = arith.constant 0 : i32
    %dma_start3A_42 = arith.constant 0 : i32
    %dma_start3A_43 = arith.constant 0 : i32
    %dma_start3A_44 = tpu.memref_slice %arg4[%arg1, %dma_start3A_41, %dma_start3A_42, %dma_start3A_43] : memref<16x16x20x64xi32, #tpu.memory_space<hbm>> -> memref<1x16x20x64xi32, #tpu.memory_space<hbm>>
    %dma_start3A_45 = tpu.memref_squeeze %dma_start3A_44 : memref<1x16x20x64xi32, #tpu.memory_space<hbm>> -> memref<16x20x64xi32, #tpu.memory_space<hbm>>
    %dma_start3A_46 = arith.constant 0 : i32
    %dma_start3A_47 = arith.constant 0 : i32
    %dma_start3A_48 = tpu.memref_slice %dma_start3A_45[%dma_start3A_35, %dma_start3A_46, %dma_start3A_47] : memref<16x20x64xi32, #tpu.memory_space<hbm>> -> memref<1x20x64xi32, #tpu.memory_space<hbm>>
    %dma_start3A_49 = tpu.memref_squeeze %dma_start3A_48 : memref<1x20x64xi32, #tpu.memory_space<hbm>> -> memref<20x64xi32, #tpu.memory_space<hbm>>
    %dma_start3A_50 = arith.constant 0 : i32
    %dma_start3A_51 = arith.constant 0 : i32
    %dma_start3A_52 = tpu.memref_slice %arg7[%dma_start3A_36, %dma_start3A_50, %dma_start3A_51] : memref<2x20x64xi32, #tpu.memory_space<vmem>> -> memref<1x20x64xi32, #tpu.memory_space<vmem>>
    %dma_start3A_53 = tpu.memref_squeeze %dma_start3A_52 : memref<1x20x64xi32, #tpu.memory_space<vmem>> -> memref<20x64xi32, #tpu.memory_space<vmem>>
    %dma_start3A_54 = arith.constant 0 : i32
    %dma_start3A_55 = arith.constant 0 : i32
    %dma_start3A_56 = arith.constant 0 : i32
    %dma_start3A_57 = tpu.memref_slice %arg4[%arg1, %dma_start3A_54, %dma_start3A_55, %dma_start3A_56] : memref<16x16x20x64xi32, #tpu.memory_space<hbm>> -> memref<1x16x20x64xi32, #tpu.memory_space<hbm>>
    %dma_start3A_58 = tpu.memref_squeeze %dma_start3A_57 : memref<1x16x20x64xi32, #tpu.memory_space<hbm>> -> memref<16x20x64xi32, #tpu.memory_space<hbm>>
    %dma_start3A_59 = arith.constant 0 : i32
    %dma_start3A_60 = arith.constant 0 : i32
    %dma_start3A_61 = tpu.memref_slice %dma_start3A_58[%dma_start3A_35, %dma_start3A_59, %dma_start3A_60] : memref<16x20x64xi32, #tpu.memory_space<hbm>> -> memref<1x20x64xi32, #tpu.memory_space<hbm>>
    %dma_start3A_62 = tpu.memref_squeeze %dma_start3A_61 : memref<1x20x64xi32, #tpu.memory_space<hbm>> -> memref<20x64xi32, #tpu.memory_space<hbm>>
    tpu.enqueue_dma source(%dma_start3A_62 : memref<20x64xi32, #tpu.memory_space<hbm>>) target(%dma_start3A_53 : memref<20x64xi32, #tpu.memory_space<vmem>>) target_semaphore(%arg11 : memref<!tpu.dma_semaphore, #tpu.memory_space<semaphore_mem>>)
    %scan3A = arith.constant 0 : i32
    %scan3A_63 = arith.constant 0 : i32
    %scan3A_64 = arith.constant 16 : i32
    %scan3A_65 = arith.addi %scan3A_63, %scan3A_64 : i32
    %scan3A_66 = arith.constant 1 : i32
    scf.for %scan3A_76 = %scan3A_63 to %scan3A_65 step %scan3A_66  : i32 {
      %rem3A = arith.constant 2 : i32
      %rem3A_77 = arith.remsi %scan3A_76, %rem3A : i32
      %dma_wait3A = arith.constant 0 : i32
      %dma_wait3A_78 = arith.constant 0 : i32
      %dma_wait3A_79 = tpu.memref_slice %arg6[%rem3A_77, %dma_wait3A, %dma_wait3A_78] : memref<2x20x64xi32, #tpu.memory_space<vmem>> -> memref<1x20x64xi32, #tpu.memory_space<vmem>>
      %dma_wait3A_80 = tpu.memref_squeeze %dma_wait3A_79 : memref<1x20x64xi32, #tpu.memory_space<vmem>> -> memref<20x64xi32, #tpu.memory_space<vmem>>
      %dma_wait3A_81 = arith.constant 0 : i32
      %dma_wait3A_82 = arith.constant 0 : i32
      %dma_wait3A_83 = arith.constant 0 : i32
      %dma_wait3A_84 = tpu.memref_slice %arg3[%add3A, %dma_wait3A_81, %dma_wait3A_82, %dma_wait3A_83] : memref<32x16x20x64xi32, #tpu.memory_space<hbm>> -> memref<1x16x20x64xi32, #tpu.memory_space<hbm>>
      %dma_wait3A_85 = tpu.memref_squeeze %dma_wait3A_84 : memref<1x16x20x64xi32, #tpu.memory_space<hbm>> -> memref<16x20x64xi32, #tpu.memory_space<hbm>>
      %dma_wait3A_86 = arith.constant 0 : i32
      %dma_wait3A_87 = arith.constant 0 : i32
      %dma_wait3A_88 = tpu.memref_slice %dma_wait3A_85[%scan3A_76, %dma_wait3A_86, %dma_wait3A_87] : memref<16x20x64xi32, #tpu.memory_space<hbm>> -> memref<1x20x64xi32, #tpu.memory_space<hbm>>
      %dma_wait3A_89 = tpu.memref_squeeze %dma_wait3A_88 : memref<1x20x64xi32, #tpu.memory_space<hbm>> -> memref<20x64xi32, #tpu.memory_space<hbm>>
      %dma_wait3A_90 = arith.constant 0 : i32
      %dma_wait3A_91 = arith.constant 0 : i32
      %dma_wait3A_92 = tpu.memref_slice %arg6[%rem3A_77, %dma_wait3A_90, %dma_wait3A_91] : memref<2x20x64xi32, #tpu.memory_space<vmem>> -> memref<1x20x64xi32, #tpu.memory_space<vmem>>
      %dma_wait3A_93 = tpu.memref_squeeze %dma_wait3A_92 : memref<1x20x64xi32, #tpu.memory_space<vmem>> -> memref<20x64xi32, #tpu.memory_space<vmem>>
      %dma_wait3A_94 = arith.constant 0 : i32
      %dma_wait3A_95 = arith.constant 0 : i32
      %dma_wait3A_96 = arith.constant 0 : i32
      %dma_wait3A_97 = tpu.memref_slice %arg3[%add3A, %dma_wait3A_94, %dma_wait3A_95, %dma_wait3A_96] : memref<32x16x20x64xi32, #tpu.memory_space<hbm>> -> memref<1x16x20x64xi32, #tpu.memory_space<hbm>>
      %dma_wait3A_98 = tpu.memref_squeeze %dma_wait3A_97 : memref<1x16x20x64xi32, #tpu.memory_space<hbm>> -> memref<16x20x64xi32, #tpu.memory_space<hbm>>
      %dma_wait3A_99 = arith.constant 0 : i32
      %dma_wait3A_100 = arith.constant 0 : i32
      %dma_wait3A_101 = tpu.memref_slice %dma_wait3A_98[%scan3A_76, %dma_wait3A_99, %dma_wait3A_100] : memref<16x20x64xi32, #tpu.memory_space<hbm>> -> memref<1x20x64xi32, #tpu.memory_space<hbm>>
      %dma_wait3A_102 = tpu.memref_squeeze %dma_wait3A_101 : memref<1x20x64xi32, #tpu.memory_space<hbm>> -> memref<20x64xi32, #tpu.memory_space<hbm>>
      tpu.wait_dma2 semaphore(%arg11 : memref<!tpu.dma_semaphore, #tpu.memory_space<semaphore_mem>>) src(%dma_wait3A_102 : memref<20x64xi32, #tpu.memory_space<hbm>>) dst(%dma_wait3A_93 : memref<20x64xi32, #tpu.memory_space<vmem>>)
      %dma_wait3A_103 = arith.constant 0 : i32
      %dma_wait3A_104 = arith.constant 0 : i32
      %dma_wait3A_105 = tpu.memref_slice %arg7[%rem3A_77, %dma_wait3A_103, %dma_wait3A_104] : memref<2x20x64xi32, #tpu.memory_space<vmem>> -> memref<1x20x64xi32, #tpu.memory_space<vmem>>
      %dma_wait3A_106 = tpu.memref_squeeze %dma_wait3A_105 : memref<1x20x64xi32, #tpu.memory_space<vmem>> -> memref<20x64xi32, #tpu.memory_space<vmem>>
      %dma_wait3A_107 = arith.constant 0 : i32
      %dma_wait3A_108 = arith.constant 0 : i32
      %dma_wait3A_109 = arith.constant 0 : i32
      %dma_wait3A_110 = tpu.memref_slice %arg4[%arg1, %dma_wait3A_107, %dma_wait3A_108, %dma_wait3A_109] : memref<16x16x20x64xi32, #tpu.memory_space<hbm>> -> memref<1x16x20x64xi32, #tpu.memory_space<hbm>>
      %dma_wait3A_111 = tpu.memref_squeeze %dma_wait3A_110 : memref<1x16x20x64xi32, #tpu.memory_space<hbm>> -> memref<16x20x64xi32, #tpu.memory_space<hbm>>
      %dma_wait3A_112 = arith.constant 0 : i32
      %dma_wait3A_113 = arith.constant 0 : i32
      %dma_wait3A_114 = tpu.memref_slice %dma_wait3A_111[%scan3A_76, %dma_wait3A_112, %dma_wait3A_113] : memref<16x20x64xi32, #tpu.memory_space<hbm>> -> memref<1x20x64xi32, #tpu.memory_space<hbm>>
      %dma_wait3A_115 = tpu.memref_squeeze %dma_wait3A_114 : memref<1x20x64xi32, #tpu.memory_space<hbm>> -> memref<20x64xi32, #tpu.memory_space<hbm>>
      %dma_wait3A_116 = arith.constant 0 : i32
      %dma_wait3A_117 = arith.constant 0 : i32
      %dma_wait3A_118 = tpu.memref_slice %arg7[%rem3A_77, %dma_wait3A_116, %dma_wait3A_117] : memref<2x20x64xi32, #tpu.memory_space<vmem>> -> memref<1x20x64xi32, #tpu.memory_space<vmem>>
      %dma_wait3A_119 = tpu.memref_squeeze %dma_wait3A_118 : memref<1x20x64xi32, #tpu.memory_space<vmem>> -> memref<20x64xi32, #tpu.memory_space<vmem>>
      %dma_wait3A_120 = arith.constant 0 : i32
      %dma_wait3A_121 = arith.constant 0 : i32
      %dma_wait3A_122 = arith.constant 0 : i32
      %dma_wait3A_123 = tpu.memref_slice %arg4[%arg1, %dma_wait3A_120, %dma_wait3A_121, %dma_wait3A_122] : memref<16x16x20x64xi32, #tpu.memory_space<hbm>> -> memref<1x16x20x64xi32, #tpu.memory_space<hbm>>
      %dma_wait3A_124 = tpu.memref_squeeze %dma_wait3A_123 : memref<1x16x20x64xi32, #tpu.memory_space<hbm>> -> memref<16x20x64xi32, #tpu.memory_space<hbm>>
      %dma_wait3A_125 = arith.constant 0 : i32
      %dma_wait3A_126 = arith.constant 0 : i32
      %dma_wait3A_127 = tpu.memref_slice %dma_wait3A_124[%scan3A_76, %dma_wait3A_125, %dma_wait3A_126] : memref<16x20x64xi32, #tpu.memory_space<hbm>> -> memref<1x20x64xi32, #tpu.memory_space<hbm>>
      %dma_wait3A_128 = tpu.memref_squeeze %dma_wait3A_127 : memref<1x20x64xi32, #tpu.memory_space<hbm>> -> memref<20x64xi32, #tpu.memory_space<hbm>>
      tpu.wait_dma2 semaphore(%arg11 : memref<!tpu.dma_semaphore, #tpu.memory_space<semaphore_mem>>) src(%dma_wait3A_128 : memref<20x64xi32, #tpu.memory_space<hbm>>) dst(%dma_wait3A_119 : memref<20x64xi32, #tpu.memory_space<vmem>>)
      %add3A_129 = arith.constant 1 : i32
      %add3A_130 = arith.addi %scan3A_76, %add3A_129 : i32
      %lt3A = arith.constant 16 : i32
      %lt3A_131 = arith.cmpi slt, %add3A_130, %lt3A : i32
      %convert_element_type3A = arith.extui %lt3A_131 : i1 to i32
      %cond3A = arith.constant 0 : i32
      %cond3A_132 = arith.cmpi ne, %convert_element_type3A, %cond3A : i32
      scf.if %cond3A_132 {
        %sub3A = arith.constant 1 : i32
        %sub3A_196 = arith.subi %sub3A, %rem3A_77 : i32
        %add3A_197 = arith.constant 1 : i32
        %add3A_198 = arith.addi %scan3A_76, %add3A_197 : i32
        %dma_start3A_199 = arith.constant 0 : i32
        %dma_start3A_200 = arith.constant 0 : i32
        %dma_start3A_201 = tpu.memref_slice %arg6[%sub3A_196, %dma_start3A_199, %dma_start3A_200] : memref<2x20x64xi32, #tpu.memory_space<vmem>> -> memref<1x20x64xi32, #tpu.memory_space<vmem>>
        %dma_start3A_202 = tpu.memref_squeeze %dma_start3A_201 : memref<1x20x64xi32, #tpu.memory_space<vmem>> -> memref<20x64xi32, #tpu.memory_space<vmem>>
        %dma_start3A_203 = arith.constant 0 : i32
        %dma_start3A_204 = arith.constant 0 : i32
        %dma_start3A_205 = arith.constant 0 : i32
        %dma_start3A_206 = tpu.memref_slice %arg3[%add3A, %dma_start3A_203, %dma_start3A_204, %dma_start3A_205] : memref<32x16x20x64xi32, #tpu.memory_space<hbm>> -> memref<1x16x20x64xi32, #tpu.memory_space<hbm>>
        %dma_start3A_207 = tpu.memref_squeeze %dma_start3A_206 : memref<1x16x20x64xi32, #tpu.memory_space<hbm>> -> memref<16x20x64xi32, #tpu.memory_space<hbm>>
        %dma_start3A_208 = arith.constant 0 : i32
        %dma_start3A_209 = arith.constant 0 : i32
        %dma_start3A_210 = tpu.memref_slice %dma_start3A_207[%add3A_198, %dma_start3A_208, %dma_start3A_209] : memref<16x20x64xi32, #tpu.memory_space<hbm>> -> memref<1x20x64xi32, #tpu.memory_space<hbm>>
        %dma_start3A_211 = tpu.memref_squeeze %dma_start3A_210 : memref<1x20x64xi32, #tpu.memory_space<hbm>> -> memref<20x64xi32, #tpu.memory_space<hbm>>
        %dma_start3A_212 = arith.constant 0 : i32
        %dma_start3A_213 = arith.constant 0 : i32
        %dma_start3A_214 = tpu.memref_slice %arg6[%sub3A_196, %dma_start3A_212, %dma_start3A_213] : memref<2x20x64xi32, #tpu.memory_space<vmem>> -> memref<1x20x64xi32, #tpu.memory_space<vmem>>
        %dma_start3A_215 = tpu.memref_squeeze %dma_start3A_214 : memref<1x20x64xi32, #tpu.memory_space<vmem>> -> memref<20x64xi32, #tpu.memory_space<vmem>>
        %dma_start3A_216 = arith.constant 0 : i32
        %dma_start3A_217 = arith.constant 0 : i32
        %dma_start3A_218 = arith.constant 0 : i32
        %dma_start3A_219 = tpu.memref_slice %arg3[%add3A, %dma_start3A_216, %dma_start3A_217, %dma_start3A_218] : memref<32x16x20x64xi32, #tpu.memory_space<hbm>> -> memref<1x16x20x64xi32, #tpu.memory_space<hbm>>
        %dma_start3A_220 = tpu.memref_squeeze %dma_start3A_219 : memref<1x16x20x64xi32, #tpu.memory_space<hbm>> -> memref<16x20x64xi32, #tpu.memory_space<hbm>>
        %dma_start3A_221 = arith.constant 0 : i32
        %dma_start3A_222 = arith.constant 0 : i32
        %dma_start3A_223 = tpu.memref_slice %dma_start3A_220[%add3A_198, %dma_start3A_221, %dma_start3A_222] : memref<16x20x64xi32, #tpu.memory_space<hbm>> -> memref<1x20x64xi32, #tpu.memory_space<hbm>>
        %dma_start3A_224 = tpu.memref_squeeze %dma_start3A_223 : memref<1x20x64xi32, #tpu.memory_space<hbm>> -> memref<20x64xi32, #tpu.memory_space<hbm>>
        tpu.enqueue_dma source(%dma_start3A_224 : memref<20x64xi32, #tpu.memory_space<hbm>>) target(%dma_start3A_215 : memref<20x64xi32, #tpu.memory_space<vmem>>) target_semaphore(%arg11 : memref<!tpu.dma_semaphore, #tpu.memory_space<semaphore_mem>>)
        %add3A_225 = arith.constant 1 : i32
        %add3A_226 = arith.addi %scan3A_76, %add3A_225 : i32
        %dma_start3A_227 = arith.constant 0 : i32
        %dma_start3A_228 = arith.constant 0 : i32
        %dma_start3A_229 = tpu.memref_slice %arg7[%sub3A_196, %dma_start3A_227, %dma_start3A_228] : memref<2x20x64xi32, #tpu.memory_space<vmem>> -> memref<1x20x64xi32, #tpu.memory_space<vmem>>
        %dma_start3A_230 = tpu.memref_squeeze %dma_start3A_229 : memref<1x20x64xi32, #tpu.memory_space<vmem>> -> memref<20x64xi32, #tpu.memory_space<vmem>>
        %dma_start3A_231 = arith.constant 0 : i32
        %dma_start3A_232 = arith.constant 0 : i32
        %dma_start3A_233 = arith.constant 0 : i32
        %dma_start3A_234 = tpu.memref_slice %arg4[%arg1, %dma_start3A_231, %dma_start3A_232, %dma_start3A_233] : memref<16x16x20x64xi32, #tpu.memory_space<hbm>> -> memref<1x16x20x64xi32, #tpu.memory_space<hbm>>
        %dma_start3A_235 = tpu.memref_squeeze %dma_start3A_234 : memref<1x16x20x64xi32, #tpu.memory_space<hbm>> -> memref<16x20x64xi32, #tpu.memory_space<hbm>>
        %dma_start3A_236 = arith.constant 0 : i32
        %dma_start3A_237 = arith.constant 0 : i32
        %dma_start3A_238 = tpu.memref_slice %dma_start3A_235[%add3A_226, %dma_start3A_236, %dma_start3A_237] : memref<16x20x64xi32, #tpu.memory_space<hbm>> -> memref<1x20x64xi32, #tpu.memory_space<hbm>>
        %dma_start3A_239 = tpu.memref_squeeze %dma_start3A_238 : memref<1x20x64xi32, #tpu.memory_space<hbm>> -> memref<20x64xi32, #tpu.memory_space<hbm>>
        %dma_start3A_240 = arith.constant 0 : i32
        %dma_start3A_241 = arith.constant 0 : i32
        %dma_start3A_242 = tpu.memref_slice %arg7[%sub3A_196, %dma_start3A_240, %dma_start3A_241] : memref<2x20x64xi32, #tpu.memory_space<vmem>> -> memref<1x20x64xi32, #tpu.memory_space<vmem>>
        %dma_start3A_243 = tpu.memref_squeeze %dma_start3A_242 : memref<1x20x64xi32, #tpu.memory_space<vmem>> -> memref<20x64xi32, #tpu.memory_space<vmem>>
        %dma_start3A_244 = arith.constant 0 : i32
        %dma_start3A_245 = arith.constant 0 : i32
        %dma_start3A_246 = arith.constant 0 : i32
        %dma_start3A_247 = tpu.memref_slice %arg4[%arg1, %dma_start3A_244, %dma_start3A_245, %dma_start3A_246] : memref<16x16x20x64xi32, #tpu.memory_space<hbm>> -> memref<1x16x20x64xi32, #tpu.memory_space<hbm>>
        %dma_start3A_248 = tpu.memref_squeeze %dma_start3A_247 : memref<1x16x20x64xi32, #tpu.memory_space<hbm>> -> memref<16x20x64xi32, #tpu.memory_space<hbm>>
        %dma_start3A_249 = arith.constant 0 : i32
        %dma_start3A_250 = arith.constant 0 : i32
        %dma_start3A_251 = tpu.memref_slice %dma_start3A_248[%add3A_226, %dma_start3A_249, %dma_start3A_250] : memref<16x20x64xi32, #tpu.memory_space<hbm>> -> memref<1x20x64xi32, #tpu.memory_space<hbm>>
        %dma_start3A_252 = tpu.memref_squeeze %dma_start3A_251 : memref<1x20x64xi32, #tpu.memory_space<hbm>> -> memref<20x64xi32, #tpu.memory_space<hbm>>
        tpu.enqueue_dma source(%dma_start3A_252 : memref<20x64xi32, #tpu.memory_space<hbm>>) target(%dma_start3A_243 : memref<20x64xi32, #tpu.memory_space<vmem>>) target_semaphore(%arg11 : memref<!tpu.dma_semaphore, #tpu.memory_space<semaphore_mem>>)
      } else {
      }
      %dma_start3A_133 = arith.constant 0 : i32
      %dma_start3A_134 = arith.constant 0 : i32
      %dma_start3A_135 = arith.constant 0 : i32
      %dma_start3A_136 = arith.constant 0 : i32
      %dma_start3A_137 = arith.constant 0 : i32
      %dma_start3A_138 = tpu.memref_slice %arg8[%dma_start3A_134, %dma_start3A_136, %dma_start3A_137] : memref<4x64x128xf32, #tpu.memory_space<vmem>> -> memref<1x64x128xf32, #tpu.memory_space<vmem>>
      %dma_start3A_139 = tpu.memref_squeeze %dma_start3A_138 : memref<1x64x128xf32, #tpu.memory_space<vmem>> -> memref<64x128xf32, #tpu.memory_space<vmem>>
      %dma_start3A_140 = arith.constant 0 : i32
      %dma_start3A_141 = arith.constant 0 : i32
      %dma_start3A_142 = tpu.memref_slice %arg6[%rem3A_77, %dma_start3A_140, %dma_start3A_141] : memref<2x20x64xi32, #tpu.memory_space<vmem>> -> memref<1x20x64xi32, #tpu.memory_space<vmem>>
      %dma_start3A_143 = tpu.memref_squeeze %dma_start3A_142 : memref<1x20x64xi32, #tpu.memory_space<vmem>> -> memref<20x64xi32, #tpu.memory_space<vmem>>
      %dma_start3A_144 = arith.constant 0 : i32
      %dma_start3A_145 = tpu.memref_slice %dma_start3A_143[%dma_start3A_133, %dma_start3A_144] : memref<20x64xi32, #tpu.memory_space<vmem>> -> memref<1x64xi32, #tpu.memory_space<vmem>>
      %dma_start3A_146 = tpu.memref_squeeze %dma_start3A_145 : memref<1x64xi32, #tpu.memory_space<vmem>> -> memref<64xi32, #tpu.memory_space<vmem>>
      %dma_start3A_147 = arith.constant 0 : i32
      %dma_start3A_148 = arith.constant 0 : i32
      %dma_start3A_149 = tpu.memref_slice %arg2[%dma_start3A_147, %dma_start3A_148] : memref<20480x128xf32, #tpu.memory_space<hbm>> -> memref<20480x128xf32, #tpu.memory_space<hbm>>
      %dma_start3A_150 = tpu.memref_slice %arg10[%dma_start3A_135] : memref<4x!tpu.dma_semaphore, #tpu.memory_space<semaphore_mem>> -> memref<1x!tpu.dma_semaphore, #tpu.memory_space<semaphore_mem>>
      %dma_start3A_151 = tpu.memref_squeeze %dma_start3A_150 : memref<1x!tpu.dma_semaphore, #tpu.memory_space<semaphore_mem>> -> memref<!tpu.dma_semaphore, #tpu.memory_space<semaphore_mem>>
      tpu.enqueue_indirect_dma source(%dma_start3A_149 : memref<20480x128xf32, #tpu.memory_space<hbm>>) target(%dma_start3A_139 : memref<64x128xf32, #tpu.memory_space<vmem>>) offsets(%dma_start3A_146 : memref<64xi32, #tpu.memory_space<vmem>>) semaphore(%dma_start3A_151 : memref<!tpu.dma_semaphore, #tpu.memory_space<semaphore_mem>>)
      %dma_start3A_152 = arith.constant 1 : i32
      %dma_start3A_153 = arith.constant 1 : i32
      %dma_start3A_154 = arith.constant 1 : i32
      %dma_start3A_155 = arith.constant 0 : i32
      %dma_start3A_156 = arith.constant 0 : i32
      %dma_start3A_157 = tpu.memref_slice %arg8[%dma_start3A_153, %dma_start3A_155, %dma_start3A_156] : memref<4x64x128xf32, #tpu.memory_space<vmem>> -> memref<1x64x128xf32, #tpu.memory_space<vmem>>
      %dma_start3A_158 = tpu.memref_squeeze %dma_start3A_157 : memref<1x64x128xf32, #tpu.memory_space<vmem>> -> memref<64x128xf32, #tpu.memory_space<vmem>>
      %dma_start3A_159 = arith.constant 0 : i32
      %dma_start3A_160 = arith.constant 0 : i32
      %dma_start3A_161 = tpu.memref_slice %arg6[%rem3A_77, %dma_start3A_159, %dma_start3A_160] : memref<2x20x64xi32, #tpu.memory_space<vmem>> -> memref<1x20x64xi32, #tpu.memory_space<vmem>>
      %dma_start3A_162 = tpu.memref_squeeze %dma_start3A_161 : memref<1x20x64xi32, #tpu.memory_space<vmem>> -> memref<20x64xi32, #tpu.memory_space<vmem>>
      %dma_start3A_163 = arith.constant 0 : i32
      %dma_start3A_164 = tpu.memref_slice %dma_start3A_162[%dma_start3A_152, %dma_start3A_163] : memref<20x64xi32, #tpu.memory_space<vmem>> -> memref<1x64xi32, #tpu.memory_space<vmem>>
      %dma_start3A_165 = tpu.memref_squeeze %dma_start3A_164 : memref<1x64xi32, #tpu.memory_space<vmem>> -> memref<64xi32, #tpu.memory_space<vmem>>
      %dma_start3A_166 = arith.constant 0 : i32
      %dma_start3A_167 = arith.constant 0 : i32
      %dma_start3A_168 = tpu.memref_slice %arg2[%dma_start3A_166, %dma_start3A_167] : memref<20480x128xf32, #tpu.memory_space<hbm>> -> memref<20480x128xf32, #tpu.memory_space<hbm>>
      %dma_start3A_169 = tpu.memref_slice %arg10[%dma_start3A_154] : memref<4x!tpu.dma_semaphore, #tpu.memory_space<semaphore_mem>> -> memref<1x!tpu.dma_semaphore, #tpu.memory_space<semaphore_mem>>
      %dma_start3A_170 = tpu.memref_squeeze %dma_start3A_169 : memref<1x!tpu.dma_semaphore, #tpu.memory_space<semaphore_mem>> -> memref<!tpu.dma_semaphore, #tpu.memory_space<semaphore_mem>>
      tpu.enqueue_indirect_dma source(%dma_start3A_168 : memref<20480x128xf32, #tpu.memory_space<hbm>>) target(%dma_start3A_158 : memref<64x128xf32, #tpu.memory_space<vmem>>) offsets(%dma_start3A_165 : memref<64xi32, #tpu.memory_space<vmem>>) semaphore(%dma_start3A_170 : memref<!tpu.dma_semaphore, #tpu.memory_space<semaphore_mem>>)
      %dma_start3A_171 = arith.constant 2 : i32
      %dma_start3A_172 = arith.constant 2 : i32
      %dma_start3A_173 = arith.constant 2 : i32
      %dma_start3A_174 = arith.constant 0 : i32
      %dma_start3A_175 = arith.constant 0 : i32
      %dma_start3A_176 = tpu.memref_slice %arg8[%dma_start3A_172, %dma_start3A_174, %dma_start3A_175] : memref<4x64x128xf32, #tpu.memory_space<vmem>> -> memref<1x64x128xf32, #tpu.memory_space<vmem>>
      %dma_start3A_177 = tpu.memref_squeeze %dma_start3A_176 : memref<1x64x128xf32, #tpu.memory_space<vmem>> -> memref<64x128xf32, #tpu.memory_space<vmem>>
      %dma_start3A_178 = arith.constant 0 : i32
      %dma_start3A_179 = arith.constant 0 : i32
      %dma_start3A_180 = tpu.memref_slice %arg6[%rem3A_77, %dma_start3A_178, %dma_start3A_179] : memref<2x20x64xi32, #tpu.memory_space<vmem>> -> memref<1x20x64xi32, #tpu.memory_space<vmem>>
      %dma_start3A_181 = tpu.memref_squeeze %dma_start3A_180 : memref<1x20x64xi32, #tpu.memory_space<vmem>> -> memref<20x64xi32, #tpu.memory_space<vmem>>
      %dma_start3A_182 = arith.constant 0 : i32
      %dma_start3A_183 = tpu.memref_slice %dma_start3A_181[%dma_start3A_171, %dma_start3A_182] : memref<20x64xi32, #tpu.memory_space<vmem>> -> memref<1x64xi32, #tpu.memory_space<vmem>>
      %dma_start3A_184 = tpu.memref_squeeze %dma_start3A_183 : memref<1x64xi32, #tpu.memory_space<vmem>> -> memref<64xi32, #tpu.memory_space<vmem>>
      %dma_start3A_185 = arith.constant 0 : i32
      %dma_start3A_186 = arith.constant 0 : i32
      %dma_start3A_187 = tpu.memref_slice %arg2[%dma_start3A_185, %dma_start3A_186] : memref<20480x128xf32, #tpu.memory_space<hbm>> -> memref<20480x128xf32, #tpu.memory_space<hbm>>
      %dma_start3A_188 = tpu.memref_slice %arg10[%dma_start3A_173] : memref<4x!tpu.dma_semaphore, #tpu.memory_space<semaphore_mem>> -> memref<1x!tpu.dma_semaphore, #tpu.memory_space<semaphore_mem>>
      %dma_start3A_189 = tpu.memref_squeeze %dma_start3A_188 : memref<1x!tpu.dma_semaphore, #tpu.memory_space<semaphore_mem>> -> memref<!tpu.dma_semaphore, #tpu.memory_space<semaphore_mem>>
      tpu.enqueue_indirect_dma source(%dma_start3A_187 : memref<20480x128xf32, #tpu.memory_space<hbm>>) target(%dma_start3A_177 : memref<64x128xf32, #tpu.memory_space<vmem>>) offsets(%dma_start3A_184 : memref<64xi32, #tpu.memory_space<vmem>>) semaphore(%dma_start3A_189 : memref<!tpu.dma_semaphore, #tpu.memory_space<semaphore_mem>>)
      %scan3A_190 = arith.constant 0 : i32
      %scan3A_191 = arith.constant 0 : i32
      %scan3A_192 = arith.constant 20 : i32
      %scan3A_193 = arith.addi %scan3A_191, %scan3A_192 : i32
      %scan3A_194 = arith.constant 1 : i32
      scf.for %scan3A_196 = %scan3A_191 to %scan3A_193 step %scan3A_194  : i32 {
        %rem3A_197 = arith.constant 4 : i32
        %rem3A_198 = arith.remsi %scan3A_196, %rem3A_197 : i32
        %dma_wait3A_199 = arith.constant 0 : i32
        %dma_wait3A_200 = arith.constant 0 : i32
        %dma_wait3A_201 = tpu.memref_slice %arg8[%rem3A_198, %dma_wait3A_199, %dma_wait3A_200] : memref<4x64x128xf32, #tpu.memory_space<vmem>> -> memref<1x64x128xf32, #tpu.memory_space<vmem>>
        %dma_wait3A_202 = tpu.memref_squeeze %dma_wait3A_201 : memref<1x64x128xf32, #tpu.memory_space<vmem>> -> memref<64x128xf32, #tpu.memory_space<vmem>>
        %dma_wait3A_203 = arith.constant 0 : i32
        %dma_wait3A_204 = arith.constant 0 : i32
        %dma_wait3A_205 = tpu.memref_slice %arg6[%rem3A_77, %dma_wait3A_203, %dma_wait3A_204] : memref<2x20x64xi32, #tpu.memory_space<vmem>> -> memref<1x20x64xi32, #tpu.memory_space<vmem>>
        %dma_wait3A_206 = tpu.memref_squeeze %dma_wait3A_205 : memref<1x20x64xi32, #tpu.memory_space<vmem>> -> memref<20x64xi32, #tpu.memory_space<vmem>>
        %dma_wait3A_207 = arith.constant 0 : i32
        %dma_wait3A_208 = tpu.memref_slice %dma_wait3A_206[%scan3A_196, %dma_wait3A_207] : memref<20x64xi32, #tpu.memory_space<vmem>> -> memref<1x64xi32, #tpu.memory_space<vmem>>
        %dma_wait3A_209 = tpu.memref_squeeze %dma_wait3A_208 : memref<1x64xi32, #tpu.memory_space<vmem>> -> memref<64xi32, #tpu.memory_space<vmem>>
        %dma_wait3A_210 = arith.constant 0 : i32
        %dma_wait3A_211 = arith.constant 0 : i32
        %dma_wait3A_212 = tpu.memref_slice %arg2[%dma_wait3A_210, %dma_wait3A_211] : memref<20480x128xf32, #tpu.memory_space<hbm>> -> memref<20480x128xf32, #tpu.memory_space<hbm>>
        %dma_wait3A_213 = tpu.memref_slice %arg10[%rem3A_198] : memref<4x!tpu.dma_semaphore, #tpu.memory_space<semaphore_mem>> -> memref<1x!tpu.dma_semaphore, #tpu.memory_space<semaphore_mem>>
        %dma_wait3A_214 = tpu.memref_squeeze %dma_wait3A_213 : memref<1x!tpu.dma_semaphore, #tpu.memory_space<semaphore_mem>> -> memref<!tpu.dma_semaphore, #tpu.memory_space<semaphore_mem>>
        tpu.wait_indirect_dma semaphore(%dma_wait3A_214 : memref<!tpu.dma_semaphore, #tpu.memory_space<semaphore_mem>>) src(%dma_wait3A_212 : memref<20480x128xf32, #tpu.memory_space<hbm>>) dst(%dma_wait3A_202 : memref<64x128xf32, #tpu.memory_space<vmem>>)
        %add3A_215 = arith.constant 3 : i32
        %add3A_216 = arith.addi %scan3A_196, %add3A_215 : i32
        %lt3A_217 = arith.constant 20 : i32
        %lt3A_218 = arith.cmpi slt, %add3A_216, %lt3A_217 : i32
        %convert_element_type3A_219 = arith.extui %lt3A_218 : i1 to i32
        %cond3A_220 = arith.constant 0 : i32
        %cond3A_221 = arith.cmpi ne, %convert_element_type3A_219, %cond3A_220 : i32
        scf.if %cond3A_221 {
          %add3A_222 = arith.constant 3 : i32
          %add3A_223 = arith.addi %scan3A_196, %add3A_222 : i32
          %rem3A_224 = arith.constant 4 : i32
          %rem3A_225 = arith.remsi %add3A_223, %rem3A_224 : i32
          %add3A_226 = arith.constant 3 : i32
          %add3A_227 = arith.addi %scan3A_196, %add3A_226 : i32
          %dma_start3A_228 = arith.constant 0 : i32
          %dma_start3A_229 = arith.constant 0 : i32
          %dma_start3A_230 = tpu.memref_slice %arg8[%rem3A_225, %dma_start3A_228, %dma_start3A_229] : memref<4x64x128xf32, #tpu.memory_space<vmem>> -> memref<1x64x128xf32, #tpu.memory_space<vmem>>
          %dma_start3A_231 = tpu.memref_squeeze %dma_start3A_230 : memref<1x64x128xf32, #tpu.memory_space<vmem>> -> memref<64x128xf32, #tpu.memory_space<vmem>>
          %dma_start3A_232 = arith.constant 0 : i32
          %dma_start3A_233 = arith.constant 0 : i32
          %dma_start3A_234 = tpu.memref_slice %arg6[%rem3A_77, %dma_start3A_232, %dma_start3A_233] : memref<2x20x64xi32, #tpu.memory_space<vmem>> -> memref<1x20x64xi32, #tpu.memory_space<vmem>>
          %dma_start3A_235 = tpu.memref_squeeze %dma_start3A_234 : memref<1x20x64xi32, #tpu.memory_space<vmem>> -> memref<20x64xi32, #tpu.memory_space<vmem>>
          %dma_start3A_236 = arith.constant 0 : i32
          %dma_start3A_237 = tpu.memref_slice %dma_start3A_235[%add3A_227, %dma_start3A_236] : memref<20x64xi32, #tpu.memory_space<vmem>> -> memref<1x64xi32, #tpu.memory_space<vmem>>
          %dma_start3A_238 = tpu.memref_squeeze %dma_start3A_237 : memref<1x64xi32, #tpu.memory_space<vmem>> -> memref<64xi32, #tpu.memory_space<vmem>>
          %dma_start3A_239 = arith.constant 0 : i32
          %dma_start3A_240 = arith.constant 0 : i32
          %dma_start3A_241 = tpu.memref_slice %arg2[%dma_start3A_239, %dma_start3A_240] : memref<20480x128xf32, #tpu.memory_space<hbm>> -> memref<20480x128xf32, #tpu.memory_space<hbm>>
          %dma_start3A_242 = tpu.memref_slice %arg10[%rem3A_225] : memref<4x!tpu.dma_semaphore, #tpu.memory_space<semaphore_mem>> -> memref<1x!tpu.dma_semaphore, #tpu.memory_space<semaphore_mem>>
          %dma_start3A_243 = tpu.memref_squeeze %dma_start3A_242 : memref<1x!tpu.dma_semaphore, #tpu.memory_space<semaphore_mem>> -> memref<!tpu.dma_semaphore, #tpu.memory_space<semaphore_mem>>
          tpu.enqueue_indirect_dma source(%dma_start3A_241 : memref<20480x128xf32, #tpu.memory_space<hbm>>) target(%dma_start3A_231 : memref<64x128xf32, #tpu.memory_space<vmem>>) offsets(%dma_start3A_238 : memref<64xi32, #tpu.memory_space<vmem>>) semaphore(%dma_start3A_243 : memref<!tpu.dma_semaphore, #tpu.memory_space<semaphore_mem>>)
        } else {
        }
        "tpu.region"() ({
          %run_scoped3A = tpu.sem_alloc : memref<!tpu.dma_semaphore, #tpu.memory_space<semaphore_mem>>
          %dma_start3A_222 = arith.constant 0 : i32
          %dma_start3A_223 = arith.constant 0 : i32
          %dma_start3A_224 = tpu.memref_slice %arg8[%rem3A_198, %dma_start3A_222, %dma_start3A_223] : memref<4x64x128xf32, #tpu.memory_space<vmem>> -> memref<1x64x128xf32, #tpu.memory_space<vmem>>
          %dma_start3A_225 = tpu.memref_squeeze %dma_start3A_224 : memref<1x64x128xf32, #tpu.memory_space<vmem>> -> memref<64x128xf32, #tpu.memory_space<vmem>>
          %dma_start3A_226 = arith.constant 0 : i32
          %dma_start3A_227 = arith.constant 0 : i32
          %dma_start3A_228 = tpu.memref_slice %arg7[%rem3A_77, %dma_start3A_226, %dma_start3A_227] : memref<2x20x64xi32, #tpu.memory_space<vmem>> -> memref<1x20x64xi32, #tpu.memory_space<vmem>>
          %dma_start3A_229 = tpu.memref_squeeze %dma_start3A_228 : memref<1x20x64xi32, #tpu.memory_space<vmem>> -> memref<20x64xi32, #tpu.memory_space<vmem>>
          %dma_start3A_230 = arith.constant 0 : i32
          %dma_start3A_231 = tpu.memref_slice %dma_start3A_229[%scan3A_196, %dma_start3A_230] : memref<20x64xi32, #tpu.memory_space<vmem>> -> memref<1x64xi32, #tpu.memory_space<vmem>>
          %dma_start3A_232 = tpu.memref_squeeze %dma_start3A_231 : memref<1x64xi32, #tpu.memory_space<vmem>> -> memref<64xi32, #tpu.memory_space<vmem>>
          %dma_start3A_233 = arith.constant 0 : i32
          %dma_start3A_234 = arith.constant 0 : i32
          %dma_start3A_235 = tpu.memref_slice %arg9[%dma_start3A_233, %dma_start3A_234] : memref<10240x128xf32, #tpu.memory_space<vmem_shared>> -> memref<10240x128xf32, #tpu.memory_space<vmem_shared>>
          tpu.enqueue_indirect_dma source(%dma_start3A_225 : memref<64x128xf32, #tpu.memory_space<vmem>>) target(%dma_start3A_235 : memref<10240x128xf32, #tpu.memory_space<vmem_shared>>) offsets(%dma_start3A_232 : memref<64xi32, #tpu.memory_space<vmem>>) semaphore(%run_scoped3A : memref<!tpu.dma_semaphore, #tpu.memory_space<semaphore_mem>>) {add = true}
          %dma_wait3A_236 = arith.constant 0 : i32
          %dma_wait3A_237 = arith.constant 0 : i32
          %dma_wait3A_238 = tpu.memref_slice %arg8[%rem3A_198, %dma_wait3A_236, %dma_wait3A_237] : memref<4x64x128xf32, #tpu.memory_space<vmem>> -> memref<1x64x128xf32, #tpu.memory_space<vmem>>
          %dma_wait3A_239 = tpu.memref_squeeze %dma_wait3A_238 : memref<1x64x128xf32, #tpu.memory_space<vmem>> -> memref<64x128xf32, #tpu.memory_space<vmem>>
          %dma_wait3A_240 = arith.constant 0 : i32
          %dma_wait3A_241 = arith.constant 0 : i32
          %dma_wait3A_242 = tpu.memref_slice %arg7[%rem3A_77, %dma_wait3A_240, %dma_wait3A_241] : memref<2x20x64xi32, #tpu.memory_space<vmem>> -> memref<1x20x64xi32, #tpu.memory_space<vmem>>
          %dma_wait3A_243 = tpu.memref_squeeze %dma_wait3A_242 : memref<1x20x64xi32, #tpu.memory_space<vmem>> -> memref<20x64xi32, #tpu.memory_space<vmem>>
          %dma_wait3A_244 = arith.constant 0 : i32
          %dma_wait3A_245 = tpu.memref_slice %dma_wait3A_243[%scan3A_196, %dma_wait3A_244] : memref<20x64xi32, #tpu.memory_space<vmem>> -> memref<1x64xi32, #tpu.memory_space<vmem>>
          %dma_wait3A_246 = tpu.memref_squeeze %dma_wait3A_245 : memref<1x64xi32, #tpu.memory_space<vmem>> -> memref<64xi32, #tpu.memory_space<vmem>>
          %dma_wait3A_247 = arith.constant 0 : i32
          %dma_wait3A_248 = arith.constant 0 : i32
          %dma_wait3A_249 = tpu.memref_slice %arg9[%dma_wait3A_247, %dma_wait3A_248] : memref<10240x128xf32, #tpu.memory_space<vmem_shared>> -> memref<10240x128xf32, #tpu.memory_space<vmem_shared>>
          tpu.wait_indirect_dma semaphore(%run_scoped3A : memref<!tpu.dma_semaphore, #tpu.memory_space<semaphore_mem>>) src(%dma_wait3A_239 : memref<64x128xf32, #tpu.memory_space<vmem>>) dst(%dma_wait3A_249 : memref<10240x128xf32, #tpu.memory_space<vmem_shared>>)
          tpu.yield
        }) : () -> ()
      }
      %scan3A_195 = arith.constant 20 : i32
    }
    %scan3A_67 = arith.constant 16 : i32
    %barrier3A_68 = arith.constant 0 : index
    tpu.barrier barrier_id(%barrier3A_68)
    %mul3A_69 = arith.constant 640 : i32
    %mul3A_70 = arith.muli %arg1, %mul3A_69 : i32
    %mul3A_71 = arith.constant 10240 : i32
    %mul3A_72 = arith.muli %arg0, %mul3A_71 : i32
    %mul3A_73 = arith.constant 640 : i32
    %mul3A_74 = arith.muli %arg1, %mul3A_73 : i32
    %add3A_75 = arith.addi %mul3A_72, %mul3A_74 : i32
    "tpu.region"() ({
      %run_scoped3A = tpu.sem_alloc : memref<!tpu.dma_semaphore, #tpu.memory_space<semaphore_mem>>
      %dma_start3A_76 = arith.constant 0 : i32
      %dma_start3A_77 = tpu.memref_slice %arg5[%add3A_75, %dma_start3A_76] : memref<20480x128xf32, #tpu.memory_space<hbm>> -> memref<640x128xf32, #tpu.memory_space<hbm>>
      %dma_start3A_78 = arith.constant 0 : i32
      %dma_start3A_79 = tpu.memref_slice %arg9[%mul3A_70, %dma_start3A_78] : memref<10240x128xf32, #tpu.memory_space<vmem_shared>> -> memref<640x128xf32, #tpu.memory_space<vmem_shared>>
      tpu.enqueue_dma source(%dma_start3A_79 : memref<640x128xf32, #tpu.memory_space<vmem_shared>>) target(%dma_start3A_77 : memref<640x128xf32, #tpu.memory_space<hbm>>) target_semaphore(%run_scoped3A : memref<!tpu.dma_semaphore, #tpu.memory_space<semaphore_mem>>)
      %dma_wait3A = arith.constant 0 : i32
      %dma_wait3A_80 = tpu.memref_slice %arg5[%add3A_75, %dma_wait3A] : memref<20480x128xf32, #tpu.memory_space<hbm>> -> memref<640x128xf32, #tpu.memory_space<hbm>>
      %dma_wait3A_81 = arith.constant 0 : i32
      %dma_wait3A_82 = tpu.memref_slice %arg9[%mul3A_70, %dma_wait3A_81] : memref<10240x128xf32, #tpu.memory_space<vmem_shared>> -> memref<640x128xf32, #tpu.memory_space<vmem_shared>>
      tpu.wait_dma2 semaphore(%run_scoped3A : memref<!tpu.dma_semaphore, #tpu.memory_space<semaphore_mem>>) src(%dma_wait3A_82 : memref<640x128xf32, #tpu.memory_space<vmem_shared>>) dst(%dma_wait3A_80 : memref<640x128xf32, #tpu.memory_space<hbm>>)
      tpu.yield
    }) : () -> ()
    return
  }
}

module attributes {stable_mosaic.version = 14 : i64} {
  func.func @_k1_body(%arg0: i32, %arg1: memref<2048x128xf32, #tpu.memory_space<vmem>>, %arg2: memref<128x256xf32, #tpu.memory_space<vmem>>, %arg3: memref<2x2048x1xf32, #tpu.memory_space<vmem>>, %arg4: memref<2x2048x128xf32, #tpu.memory_space<vmem>>) attributes {dimension_semantics = [#tpu.dimension_semantics<arbitrary>], iteration_bounds = array<i64: 5>, scalar_prefetch = 0 : i64, scratch_operands = 0 : i64, tpu.core_type = #tpu.core_type<tc>, window_params = [{transform_indices = @transform_0, window_bounds = array<i64: 2048, 128>}, {pipeline_mode = #tpu.pipeline_mode<synchronous>, transform_indices = @transform_1, window_bounds = array<i64: 128, 256>}, {transform_indices = @transform_2, window_bounds = array<i64: 2, 2048, 1>}, {transform_indices = @transform_3, window_bounds = array<i64: 2, 2048, 128>}]} {
    %get3A = arith.constant 0 : index
    %get3A_0 = arith.constant 0 : index
    %get3A_1 = vector.load %arg1[%get3A, %get3A_0] : memref<2048x128xf32, #tpu.memory_space<vmem>>, vector<2048x128xf32>
    %get3A_2 = arith.constant 0 : index
    %get3A_3 = arith.constant 0 : index
    %get3A_4 = vector.load %arg2[%get3A_2, %get3A_3] : memref<128x256xf32, #tpu.memory_space<vmem>>, vector<128x256xf32>
    %dot_general3A = arith.constant dense<0.000000e+00> : vector<2048x256xf32>
    %dot_general3A_5 = tpu.matmul %get3A_1, %get3A_4, %dot_general3A {dimension_numbers = #tpu.dot_dimension_numbers<[1], [0], [0], [1], [0, 0, 1, 1], [], []>, transpose_lhs_hint = false} : vector<2048x128xf32>, vector<128x256xf32>, vector<2048x256xf32> -> vector<2048x256xf32>
    %get3A_6 = arith.constant 0 : index
    %get3A_7 = arith.constant 0 : index
    %get3A_8 = arith.constant 0 : index
    %get3A_9 = vector.load %arg3[%get3A_6, %get3A_7, %get3A_8] : memref<2x2048x1xf32, #tpu.memory_space<vmem>>, vector<1x2048x1xf32>
    %get3A_10 = vector.shape_cast %get3A_9 : vector<1x2048x1xf32> to vector<2048x1xf32>
    %get3A_11 = arith.constant 1 : index
    %get3A_12 = arith.constant 0 : index
    %get3A_13 = arith.constant 0 : index
    %get3A_14 = vector.load %arg3[%get3A_11, %get3A_12, %get3A_13] : memref<2x2048x1xf32, #tpu.memory_space<vmem>>, vector<1x2048x1xf32>
    %get3A_15 = vector.shape_cast %get3A_14 : vector<1x2048x1xf32> to vector<2048x1xf32>
    %add3A = arith.addf %get3A_10, %get3A_15 : vector<2048x1xf32>
    %add3A_16 = arith.constant 1.000000e+00 : f32
    %add3A_17 = vector.broadcast %add3A_16 : f32 to vector<2048x1xf32>
    %add3A_18 = arith.addf %add3A, %add3A_17 : vector<2048x1xf32>
    %rsqrt3A = math.rsqrt %add3A_18 : vector<2048x1xf32>
    %mul3A = vector.broadcast %rsqrt3A : vector<2048x1xf32> to vector<2048x256xf32>
    %mul3A_19 = arith.mulf %dot_general3A_5, %mul3A : vector<2048x256xf32>
    %slice3A = vector.extract_strided_slice %mul3A_19 {offsets = [0, 0], sizes = [2048, 128], strides = [1, 1]} : vector<2048x256xf32> to vector<2048x128xf32>
    %swap3A = arith.constant 0 : index
    %swap3A_20 = arith.constant 0 : index
    %swap3A_21 = arith.constant 0 : index
    %swap3A_22 = vector.load %arg4[%swap3A, %swap3A_20, %swap3A_21] : memref<2x2048x128xf32, #tpu.memory_space<vmem>>, vector<1x2048x128xf32>
    %swap3A_23 = vector.shape_cast %swap3A_22 : vector<1x2048x128xf32> to vector<2048x128xf32>
    %swap3A_24 = vector.shape_cast %slice3A : vector<2048x128xf32> to vector<1x2048x128xf32>
    tpu.vector_store %arg4[%swap3A, %swap3A_20, %swap3A_21], %swap3A_24 {strides = array<i32>} : memref<2x2048x128xf32, #tpu.memory_space<vmem>>, vector<1x2048x128xf32>,
    %slice3A_25 = vector.extract_strided_slice %mul3A_19 {offsets = [0, 128], sizes = [2048, 128], strides = [1, 1]} : vector<2048x256xf32> to vector<2048x128xf32>
    %swap3A_26 = arith.constant 1 : index
    %swap3A_27 = arith.constant 0 : index
    %swap3A_28 = arith.constant 0 : index
    %swap3A_29 = vector.load %arg4[%swap3A_26, %swap3A_27, %swap3A_28] : memref<2x2048x128xf32, #tpu.memory_space<vmem>>, vector<1x2048x128xf32>
    %swap3A_30 = vector.shape_cast %swap3A_29 : vector<1x2048x128xf32> to vector<2048x128xf32>
    %swap3A_31 = vector.shape_cast %slice3A_25 : vector<2048x128xf32> to vector<1x2048x128xf32>
    tpu.vector_store %arg4[%swap3A_26, %swap3A_27, %swap3A_28], %swap3A_31 {strides = array<i32>} : memref<2x2048x128xf32, #tpu.memory_space<vmem>>, vector<1x2048x128xf32>,
    return
  }
  func.func @transform_0(%arg0: i32) -> (i32, i32) {
    %c0_i32 = arith.constant 0 : i32
    %c0_i32_0 = arith.constant 0 : i32
    return %arg0, %c0_i32 : i32, i32
  }
  func.func @transform_1(%arg0: i32) -> (i32, i32) {
    %c0_i32 = arith.constant 0 : i32
    %c0_i32_0 = arith.constant 0 : i32
    %c0_i32_1 = arith.constant 0 : i32
    return %c0_i32, %c0_i32_0 : i32, i32
  }
  func.func @transform_2(%arg0: i32) -> (i32, i32, i32) {
    %c0_i32 = arith.constant 0 : i32
    %c0_i32_0 = arith.constant 0 : i32
    %c0_i32_1 = arith.constant 0 : i32
    return %c0_i32, %arg0, %c0_i32_0 : i32, i32, i32
  }
  func.func @transform_3(%arg0: i32) -> (i32, i32, i32) {
    %c0_i32 = arith.constant 0 : i32
    %c0_i32_0 = arith.constant 0 : i32
    %c0_i32_1 = arith.constant 0 : i32
    return %c0_i32, %arg0, %c0_i32_0 : i32, i32, i32
  }
}

module attributes {stable_mosaic.version = 14 : i64} {
  func.func @_k23_body(%arg0: i32, %arg1: memref<2x2048x128xf32, #tpu.memory_space<vmem>>, %arg2: memref<256x256xf32, #tpu.memory_space<vmem>>, %arg3: memref<1x256xf32, #tpu.memory_space<vmem>>, %arg4: memref<2x2048x1xf32, #tpu.memory_space<vmem>>, %arg5: memref<2x2048x128xf32, #tpu.memory_space<vmem>>) attributes {dimension_semantics = [#tpu.dimension_semantics<arbitrary>], iteration_bounds = array<i64: 5>, scalar_prefetch = 0 : i64, scratch_operands = 0 : i64, tpu.core_type = #tpu.core_type<tc>, window_params = [{transform_indices = @transform_0, window_bounds = array<i64: 2, 2048, 128>}, {pipeline_mode = #tpu.pipeline_mode<synchronous>, transform_indices = @transform_1, window_bounds = array<i64: 256, 256>}, {pipeline_mode = #tpu.pipeline_mode<synchronous>, transform_indices = @transform_2, window_bounds = array<i64: 1, 256>}, {transform_indices = @transform_3, window_bounds = array<i64: 2, 2048, 1>}, {transform_indices = @transform_4, window_bounds = array<i64: 2, 2048, 128>}]} {
    %get3A = arith.constant 0 : index
    %get3A_0 = arith.constant 0 : index
    %get3A_1 = arith.constant 0 : index
    %get3A_2 = vector.load %arg4[%get3A, %get3A_0, %get3A_1] : memref<2x2048x1xf32, #tpu.memory_space<vmem>>, vector<1x2048x1xf32>
    %get3A_3 = vector.shape_cast %get3A_2 : vector<1x2048x1xf32> to vector<2048x1xf32>
    %get3A_4 = arith.constant 1 : index
    %get3A_5 = arith.constant 0 : index
    %get3A_6 = arith.constant 0 : index
    %get3A_7 = vector.load %arg4[%get3A_4, %get3A_5, %get3A_6] : memref<2x2048x1xf32, #tpu.memory_space<vmem>>, vector<1x2048x1xf32>
    %get3A_8 = vector.shape_cast %get3A_7 : vector<1x2048x1xf32> to vector<2048x1xf32>
    %add3A = arith.addf %get3A_3, %get3A_8 : vector<2048x1xf32>
    %add3A_9 = arith.constant 1.000000e+00 : f32
    %add3A_10 = vector.broadcast %add3A_9 : f32 to vector<2048x1xf32>
    %add3A_11 = arith.addf %add3A, %add3A_10 : vector<2048x1xf32>
    %rsqrt3A = math.rsqrt %add3A_11 : vector<2048x1xf32>
    %get3A_12 = arith.constant 0 : index
    %get3A_13 = arith.constant 0 : index
    %get3A_14 = arith.constant 0 : index
    %get3A_15 = vector.load %arg1[%get3A_12, %get3A_13, %get3A_14] : memref<2x2048x128xf32, #tpu.memory_space<vmem>>, vector<1x2048x128xf32>
    %get3A_16 = vector.shape_cast %get3A_15 : vector<1x2048x128xf32> to vector<2048x128xf32>
    %mul3A = vector.broadcast %rsqrt3A : vector<2048x1xf32> to vector<2048x128xf32>
    %mul3A_17 = arith.mulf %get3A_16, %mul3A : vector<2048x128xf32>
    %get3A_18 = arith.constant 0 : index
    %get3A_19 = arith.constant 0 : index
    %get3A_20 = vector.load %arg3[%get3A_18, %get3A_19] : memref<1x256xf32, #tpu.memory_space<vmem>>, vector<1x128xf32>
    %add3A_21 = vector.broadcast %get3A_20 : vector<1x128xf32> to vector<2048x128xf32>
    %add3A_22 = arith.addf %mul3A_17, %add3A_21 : vector<2048x128xf32>
    %max3A = arith.constant 0.000000e+00 : f32
    %max3A_23 = vector.broadcast %max3A : f32 to vector<2048x128xf32>
    %max3A_24 = arith.maximumf %add3A_22, %max3A_23 : vector<2048x128xf32>
    %get3A_25 = arith.constant 1 : index
    %get3A_26 = arith.constant 0 : index
    %get3A_27 = arith.constant 0 : index
    %get3A_28 = vector.load %arg1[%get3A_25, %get3A_26, %get3A_27] : memref<2x2048x128xf32, #tpu.memory_space<vmem>>, vector<1x2048x128xf32>
    %get3A_29 = vector.shape_cast %get3A_28 : vector<1x2048x128xf32> to vector<2048x128xf32>
    %mul3A_30 = vector.broadcast %rsqrt3A : vector<2048x1xf32> to vector<2048x128xf32>
    %mul3A_31 = arith.mulf %get3A_29, %mul3A_30 : vector<2048x128xf32>
    %get3A_32 = arith.constant 0 : index
    %get3A_33 = arith.constant 128 : index
    %get3A_34 = vector.load %arg3[%get3A_32, %get3A_33] : memref<1x256xf32, #tpu.memory_space<vmem>>, vector<1x128xf32>
    %add3A_35 = vector.broadcast %get3A_34 : vector<1x128xf32> to vector<2048x128xf32>
    %add3A_36 = arith.addf %mul3A_31, %add3A_35 : vector<2048x128xf32>
    %max3A_37 = arith.constant 0.000000e+00 : f32
    %max3A_38 = vector.broadcast %max3A_37 : f32 to vector<2048x128xf32>
    %max3A_39 = arith.maximumf %add3A_36, %max3A_38 : vector<2048x128xf32>
    %get3A_40 = arith.constant 0 : index
    %get3A_41 = arith.constant 0 : index
    %get3A_42 = vector.load %arg2[%get3A_40, %get3A_41] : memref<256x256xf32, #tpu.memory_space<vmem>>, vector<128x256xf32>
    %dot_general3A = arith.constant dense<0.000000e+00> : vector<2048x256xf32>
    %dot_general3A_43 = tpu.matmul %max3A_24, %get3A_42, %dot_general3A {dimension_numbers = #tpu.dot_dimension_numbers<[1], [0], [0], [1], [0, 0, 1, 1], [], []>, transpose_lhs_hint = false} : vector<2048x128xf32>, vector<128x256xf32>, vector<2048x256xf32> -> vector<2048x256xf32>
    %get3A_44 = arith.constant 128 : index
    %get3A_45 = arith.constant 0 : index
    %get3A_46 = vector.load %arg2[%get3A_44, %get3A_45] : memref<256x256xf32, #tpu.memory_space<vmem>>, vector<128x256xf32>
    %dot_general3A_47 = arith.constant dense<0.000000e+00> : vector<2048x256xf32>
    %dot_general3A_48 = tpu.matmul %max3A_39, %get3A_46, %dot_general3A_47 {dimension_numbers = #tpu.dot_dimension_numbers<[1], [0], [0], [1], [0, 0, 1, 1], [], []>, transpose_lhs_hint = false} : vector<2048x128xf32>, vector<128x256xf32>, vector<2048x256xf32> -> vector<2048x256xf32>
    %add3A_49 = arith.addf %dot_general3A_43, %dot_general3A_48 : vector<2048x256xf32>
    %mul3A_50 = vector.broadcast %rsqrt3A : vector<2048x1xf32> to vector<2048x256xf32>
    %mul3A_51 = arith.mulf %add3A_49, %mul3A_50 : vector<2048x256xf32>
    %slice3A = vector.extract_strided_slice %mul3A_51 {offsets = [0, 0], sizes = [2048, 128], strides = [1, 1]} : vector<2048x256xf32> to vector<2048x128xf32>
    %swap3A = arith.constant 0 : index
    %swap3A_52 = arith.constant 0 : index
    %swap3A_53 = arith.constant 0 : index
    %swap3A_54 = vector.load %arg5[%swap3A, %swap3A_52, %swap3A_53] : memref<2x2048x128xf32, #tpu.memory_space<vmem>>, vector<1x2048x128xf32>
    %swap3A_55 = vector.shape_cast %swap3A_54 : vector<1x2048x128xf32> to vector<2048x128xf32>
    %swap3A_56 = vector.shape_cast %slice3A : vector<2048x128xf32> to vector<1x2048x128xf32>
    tpu.vector_store %arg5[%swap3A, %swap3A_52, %swap3A_53], %swap3A_56 {strides = array<i32>} : memref<2x2048x128xf32, #tpu.memory_space<vmem>>, vector<1x2048x128xf32>,
    %slice3A_57 = vector.extract_strided_slice %mul3A_51 {offsets = [0, 128], sizes = [2048, 128], strides = [1, 1]} : vector<2048x256xf32> to vector<2048x128xf32>
    %swap3A_58 = arith.constant 1 : index
    %swap3A_59 = arith.constant 0 : index
    %swap3A_60 = arith.constant 0 : index
    %swap3A_61 = vector.load %arg5[%swap3A_58, %swap3A_59, %swap3A_60] : memref<2x2048x128xf32, #tpu.memory_space<vmem>>, vector<1x2048x128xf32>
    %swap3A_62 = vector.shape_cast %swap3A_61 : vector<1x2048x128xf32> to vector<2048x128xf32>
    %swap3A_63 = vector.shape_cast %slice3A_57 : vector<2048x128xf32> to vector<1x2048x128xf32>
    tpu.vector_store %arg5[%swap3A_58, %swap3A_59, %swap3A_60], %swap3A_63 {strides = array<i32>} : memref<2x2048x128xf32, #tpu.memory_space<vmem>>, vector<1x2048x128xf32>,
    return
  }
  func.func @transform_0(%arg0: i32) -> (i32, i32, i32) {
    %c0_i32 = arith.constant 0 : i32
    %c0_i32_0 = arith.constant 0 : i32
    %c0_i32_1 = arith.constant 0 : i32
    return %c0_i32, %arg0, %c0_i32_0 : i32, i32, i32
  }
  func.func @transform_1(%arg0: i32) -> (i32, i32) {
    %c0_i32 = arith.constant 0 : i32
    %c0_i32_0 = arith.constant 0 : i32
    %c0_i32_1 = arith.constant 0 : i32
    return %c0_i32, %c0_i32_0 : i32, i32
  }
  func.func @transform_2(%arg0: i32) -> (i32, i32) {
    %c0_i32 = arith.constant 0 : i32
    %c0_i32_0 = arith.constant 0 : i32
    %c0_i32_1 = arith.constant 0 : i32
    return %c0_i32, %c0_i32_0 : i32, i32
  }
  func.func @transform_3(%arg0: i32) -> (i32, i32, i32) {
    %c0_i32 = arith.constant 0 : i32
    %c0_i32_0 = arith.constant 0 : i32
    %c0_i32_1 = arith.constant 0 : i32
    return %c0_i32, %arg0, %c0_i32_0 : i32, i32, i32
  }
  func.func @transform_4(%arg0: i32) -> (i32, i32, i32) {
    %c0_i32 = arith.constant 0 : i32
    %c0_i32_0 = arith.constant 0 : i32
    %c0_i32_1 = arith.constant 0 : i32
    return %c0_i32, %arg0, %c0_i32_0 : i32, i32, i32
  }
}

module attributes {stable_mosaic.version = 14 : i64} {
  func.func @_k4_body(%arg0: i32, %arg1: memref<2x2048x128xf32, #tpu.memory_space<vmem>>, %arg2: memref<1x256xf32, #tpu.memory_space<vmem>>, %arg3: memref<2x2048x1xf32, #tpu.memory_space<vmem>>, %arg4: memref<2048x256xf32, #tpu.memory_space<vmem>>) attributes {dimension_semantics = [#tpu.dimension_semantics<arbitrary>], iteration_bounds = array<i64: 5>, scalar_prefetch = 0 : i64, scratch_operands = 0 : i64, tpu.core_type = #tpu.core_type<tc>, window_params = [{transform_indices = @transform_0, window_bounds = array<i64: 2, 2048, 128>}, {pipeline_mode = #tpu.pipeline_mode<synchronous>, transform_indices = @transform_1, window_bounds = array<i64: 1, 256>}, {transform_indices = @transform_2, window_bounds = array<i64: 2, 2048, 1>}, {transform_indices = @transform_3, window_bounds = array<i64: 2048, 256>}]} {
    %get3A = arith.constant 0 : index
    %get3A_0 = arith.constant 0 : index
    %get3A_1 = arith.constant 0 : index
    %get3A_2 = vector.load %arg3[%get3A, %get3A_0, %get3A_1] : memref<2x2048x1xf32, #tpu.memory_space<vmem>>, vector<1x2048x1xf32>
    %get3A_3 = vector.shape_cast %get3A_2 : vector<1x2048x1xf32> to vector<2048x1xf32>
    %get3A_4 = arith.constant 1 : index
    %get3A_5 = arith.constant 0 : index
    %get3A_6 = arith.constant 0 : index
    %get3A_7 = vector.load %arg3[%get3A_4, %get3A_5, %get3A_6] : memref<2x2048x1xf32, #tpu.memory_space<vmem>>, vector<1x2048x1xf32>
    %get3A_8 = vector.shape_cast %get3A_7 : vector<1x2048x1xf32> to vector<2048x1xf32>
    %add3A = arith.addf %get3A_3, %get3A_8 : vector<2048x1xf32>
    %add3A_9 = arith.constant 1.000000e+00 : f32
    %add3A_10 = vector.broadcast %add3A_9 : f32 to vector<2048x1xf32>
    %add3A_11 = arith.addf %add3A, %add3A_10 : vector<2048x1xf32>
    %rsqrt3A = math.rsqrt %add3A_11 : vector<2048x1xf32>
    %get3A_12 = arith.constant 0 : index
    %get3A_13 = arith.constant 0 : index
    %get3A_14 = arith.constant 0 : index
    %get3A_15 = vector.load %arg1[%get3A_12, %get3A_13, %get3A_14] : memref<2x2048x128xf32, #tpu.memory_space<vmem>>, vector<1x2048x128xf32>
    %get3A_16 = vector.shape_cast %get3A_15 : vector<1x2048x128xf32> to vector<2048x128xf32>
    %mul3A = vector.broadcast %rsqrt3A : vector<2048x1xf32> to vector<2048x128xf32>
    %mul3A_17 = arith.mulf %get3A_16, %mul3A : vector<2048x128xf32>
    %get3A_18 = arith.constant 0 : index
    %get3A_19 = arith.constant 0 : index
    %get3A_20 = vector.load %arg2[%get3A_18, %get3A_19] : memref<1x256xf32, #tpu.memory_space<vmem>>, vector<1x128xf32>
    %add3A_21 = vector.broadcast %get3A_20 : vector<1x128xf32> to vector<2048x128xf32>
    %add3A_22 = arith.addf %mul3A_17, %add3A_21 : vector<2048x128xf32>
    %get3A_23 = arith.constant 1 : index
    %get3A_24 = arith.constant 0 : index
    %get3A_25 = arith.constant 0 : index
    %get3A_26 = vector.load %arg1[%get3A_23, %get3A_24, %get3A_25] : memref<2x2048x128xf32, #tpu.memory_space<vmem>>, vector<1x2048x128xf32>
    %get3A_27 = vector.shape_cast %get3A_26 : vector<1x2048x128xf32> to vector<2048x128xf32>
    %mul3A_28 = vector.broadcast %rsqrt3A : vector<2048x1xf32> to vector<2048x128xf32>
    %mul3A_29 = arith.mulf %get3A_27, %mul3A_28 : vector<2048x128xf32>
    %get3A_30 = arith.constant 0 : index
    %get3A_31 = arith.constant 128 : index
    %get3A_32 = vector.load %arg2[%get3A_30, %get3A_31] : memref<1x256xf32, #tpu.memory_space<vmem>>, vector<1x128xf32>
    %add3A_33 = vector.broadcast %get3A_32 : vector<1x128xf32> to vector<2048x128xf32>
    %add3A_34 = arith.addf %mul3A_29, %add3A_33 : vector<2048x128xf32>
    %concatenate3A = tpu.concatenate %add3A_22, %add3A_34 in 1 : vector<2048x128xf32>, vector<2048x128xf32> -> vector<2048x256xf32>
    %swap3A = arith.constant 0 : index
    %swap3A_35 = arith.constant 0 : index
    %swap3A_36 = vector.load %arg4[%swap3A, %swap3A_35] : memref<2048x256xf32, #tpu.memory_space<vmem>>, vector<2048x256xf32>
    tpu.vector_store %arg4[%swap3A, %swap3A_35], %concatenate3A {strides = array<i32>} : memref<2048x256xf32, #tpu.memory_space<vmem>>, vector<2048x256xf32>,
    return
  }
  func.func @transform_0(%arg0: i32) -> (i32, i32, i32) {
    %c0_i32 = arith.constant 0 : i32
    %c0_i32_0 = arith.constant 0 : i32
    %c0_i32_1 = arith.constant 0 : i32
    return %c0_i32, %arg0, %c0_i32_0 : i32, i32, i32
  }
  func.func @transform_1(%arg0: i32) -> (i32, i32) {
    %c0_i32 = arith.constant 0 : i32
    %c0_i32_0 = arith.constant 0 : i32
    %c0_i32_1 = arith.constant 0 : i32
    return %c0_i32, %c0_i32_0 : i32, i32
  }
  func.func @transform_2(%arg0: i32) -> (i32, i32, i32) {
    %c0_i32 = arith.constant 0 : i32
    %c0_i32_0 = arith.constant 0 : i32
    %c0_i32_1 = arith.constant 0 : i32
    return %c0_i32, %arg0, %c0_i32_0 : i32, i32, i32
  }
  func.func @transform_3(%arg0: i32) -> (i32, i32) {
    %c0_i32 = arith.constant 0 : i32
    %c0_i32_0 = arith.constant 0 : i32
    return %arg0, %c0_i32 : i32, i32
  }
}

</mosaic_0001>

<sc_bundles>
// kernel: kernel.10.cloned.1.call-start
scs
__scs_entry_jumppad:
0x0: {  	(pc) =	sbr.rel $0x88, $3  }
0x1: {  	(tag) =	ssettag $0x0;
	lr =	simm.s32 $0x1  }
0x2: {  	[smem:$0x3F99] =	sst lr;
	_ =	strace $0xD0000000  }
0x3: {  	_ = 	snop  }
0x4: {  	_ = 	snop  }
0x5: {  	_ = 	snop  }
0x6: {  	_ = 	snop  }
0x7: {  	_ = 	snop  }
__scs_overlays_trampoline_lowered:
0x8: {  	[smem:$0x3FA8] =	sst s0  }
0x9: {  	[smem:$0x3FA9] =	sst s1  }
0xa: {  	[smem:$0x3FAA] =	sst s2  }
0xb: {  	[smem:$0x3FAB] =	sst s3  }
0xc: {  	[smem:$0x3FAC] =	sst s4  }
0xd: {  	[smem:$0x3FAD] =	sst s5  }
0xe: {  	[smem:$0x3FAE] =	sst s6  }
0xf: {  	[smem:$0x3FAF] =	sst s7  }
0x10: {  	[smem:$0x3FB0] =	sst s8  }
0x11: {  	[smem:$0x3FB1] =	sst s9;
	s0 =	simm.s32 @!p0 $0x0  }
0x12: {  	s1 =	sld [smem:$0x3F97];
	s0 =	simm.s32 @p0 $0x1  }
0x13: {  	[smem:$0x3FB2] =	sst s0;
	s0 =	simm.s32 @!p1 $0x0  }
0x14: {  	s2 =	sld [smem:$0x3F96];
	s0 =	simm.s32 @p1 $0x1  }
0x15: {  	[smem:$0x3FB3] =	sst s0;
	s0 =	simm.s32 @!p2 $0x0  }
0x16: {  	s3 =	sld [smem:$0x3FDB];
	s0 =	simm.s32 @p2 $0x1  }
0x17: {  	s4 =	simm.s32 $0x1BF5;
	[smem:$0x3FB5] =	sst s0  }
0x18: {  	s0 =	sld [smem:$0x3F98];
	_ =	swait.ge [sflag:s4], $0x0  }
0x19: {  	s7 =	sld [smem:$0x3F99]  }
0x1a: {  	s8 =	sadd.s32 $0xFFFFE003, lr  }
0x1b: {  	s9 =	sadd.s32 $0xFFFFFEF7, lr;
	s5 =	simm.s32 $0xFFFFFFFF;
	p2 =	slt.u32 s8, $0xFFFFF086  }
0x1c: {  	p1 =	slt.u32 s9, $0xF7A;
	s5 =	simm.s32 @!p2 $0x0  }
0x1d: {  	s5 =	simm.s32 @p1 $0x1;
	p0 =	seq.s32 s7, s2  }
0x1e: {  	s7 =	smul.u32 @!p0 $0xF7A, s2;
	p2 =	seq.s32 @!p0 s5, $0x0  }
0x1f: {  	s9 =	smul.u32 $0xF7A, s1;
	s8 =	simm.s32 @!p0 $0x1BF5;
	p2 =	por !p2, p0  }
0x20: {  	[sflag:s8] =	ssyncset.s32 @!p0 $0xFFFFF086;
	s6 =	sadd.s32 @!p0 s3, s7;
	s7 =	simm.s32 @!p0 $0x108  }
0x21: {  	s3 =	sadd.s32 s3, s9;
	s6 =	sadd.s32 @!p0 $0x88, s6;
	s7 =	simm.s32 @p2 $0x1082  }
0x22: {  	[simem:s7], [sflag:s8] =	dma.local @!p0 [hbm:s6], $0xF7A  }
0x23: {  	s9 =	sor.u32 $0xD0000000, s2;
	s6 =	simm.s32 $0x108;
	_ =	swait.ge @!p0 [sflag:s8], $0x0  }
0x24: {  	s3 =	sadd.s32 $0x88, s3;
	s6 =	simm.s32 @!p1 $0x1082;
	[sflag:s4] =	ssyncset.s32 $0xFFFFF086  }
0x25: {  	[simem:s6], [sflag:s4] =	dma.local [hbm:s3], $0xF7A  }
0x26: {  	[smem:$0x3F99] =	sst s1;
	(tag) =	ssettag s2;
	_ =	strace s9  }
0x27: {  	s1 =	sld [smem:$0x3FA9]  }
0x28: {  	s2 =	sld [smem:$0x3FAA]  }
0x29: {  	s4 =	sld [smem:$0x3FAC]  }
0x2a: {  	p0 =	seq.s32 s5, $0x0;
	s5 =	sld [smem:$0x3FAD]  }
0x2b: {  	s6 =	sld [smem:$0x3FAE]  }
0x2c: {  	s7 =	sld [smem:$0x3FAF]  }
0x2d: {  	s3 =	simm.s32 $0x108;
	s8 =	sld [smem:$0x3FB0]  }
0x2e: {  	s3 =	simm.s32 @!p0 $0x1082;
	s9 =	sld [smem:$0x3FB1]  }
0x2f: {  	lr =	sadd.s32 s0, s3;
	s0 =	sld [smem:$0x3FA8]  }
0x30: {  	s3 =	sld [smem:$0x3FAB]  }
0x31: {  	[smem:$0x3FB4] =	sst s10  }
0x32: {  	s10 =	sld [smem:$0x3FB2];
	_ =	sdelay $0x3  }
0x33: {  	p0 =	seq.s32 s10, $0x1;
	s10 =	sld [smem:$0x3FB4];
	_ =	sdelay $0x3  }
0x34: {  	[smem:$0x3FB4] =	sst s10  }
0x35: {  	s10 =	sld [smem:$0x3FB3];
	_ =	sdelay $0x3  }
0x36: {  	p1 =	seq.s32 s10, $0x1;
	s10 =	sld [smem:$0x3FB4];
	_ =	sdelay $0x3  }
0x37: {  	[smem:$0x3FB4] =	sst s10  }
0x38: {  	s10 =	sld [smem:$0x3FB5]  }
0x39: {  	_ = 	snop;
	(pc) =	sbr.ind lr, $3  }
0x3a: {  	_ = 	snop  }
0x3b: {  	_ = 	snop  }
0x3c: {  	p2 =	seq.s32 s10, $0x1;
	s10 =	sld [smem:$0x3FB4]  }
0x3d: {  	_ =	shalt  }
0x3e: {  	_ =	shalt  }
0x3f: {  	_ =	shalt  }
0x40: {  	_ =	shalt  }
0x41: {  	_ =	shalt  }
0x42: {  	_ =	shalt  }
0x43: {  	_ =	shalt  }
0x44: {  	_ =	shalt  }
0x45: {  	_ =	shalt  }
0x46: {  	_ =	shalt  }
0x47: {  	_ =	shalt  }
0x48: {  	_ =	shalt  }
0x49: {  	_ =	shalt  }
0x4a: {  	_ =	shalt  }
0x4b: {  	_ =	shalt  }
0x4c: {  	_ =	shalt  }
0x4d: {  	_ =	shalt  }
0x4e: {  	_ =	shalt  }
0x4f: {  	_ =	shalt  }
0x50: {  	_ =	shalt  }
0x51: {  	_ =	shalt  }
0x52: {  	_ =	shalt  }
0x53: {  	_ =	shalt  }
0x54: {  	_ =	shalt  }
0x55: {  	_ =	shalt  }
0x56: {  	_ =	shalt  }
0x57: {  	_ =	shalt  }
0x58: {  	_ =	shalt  }
0x59: {  	_ =	shalt  }
0x5a: {  	_ =	shalt  }
0x5b: {  	_ =	shalt  }
0x5c: {  	_ =	shalt  }
0x5d: {  	_ =	shalt  }
0x5e: {  	_ =	shalt  }
0x5f: {  	_ =	shalt  }
0x60: {  	_ =	shalt  }
0x61: {  	_ =	shalt  }
0x62: {  	_ =	shalt  }
0x63: {  	_ =	shalt  }
0x64: {  	_ =	shalt  }
0x65: {  	_ =	shalt  }
0x66: {  	_ =	shalt  }
0x67: {  	_ =	shalt  }
0x68: {  	_ =	shalt  }
0x69: {  	_ =	shalt  }
0x6a: {  	_ =	shalt  }
0x6b: {  	_ =	shalt  }
0x6c: {  	_ =	shalt  }
0x6d: {  	_ =	shalt  }
0x6e: {  	_ =	shalt  }
0x6f: {  	_ =	shalt  }
0x70: {  	_ =	shalt  }
0x71: {  	_ =	shalt  }
0x72: {  	_ =	shalt  }
0x73: {  	_ =	shalt  }
0x74: {  	_ =	shalt  }
0x75: {  	_ =	shalt  }
0x76: {  	_ =	shalt  }
0x77: {  	_ =	shalt  }
0x78: {  	_ =	shalt  }
0x79: {  	_ =	shalt  }
0x7a: {  	_ =	shalt  }
0x7b: {  	_ =	shalt  }
0x7c: {  	_ =	shalt  }
0x7d: {  	_ =	shalt  }
0x7e: {  	_ =	shalt  }
0x7f: {  	_ =	shalt  }
0x80: {  	_ =	shalt  }
0x81: {  	_ =	shalt  }
0x82: {  	_ =	shalt  }
0x83: {  	_ =	shalt  }
0x84: {  	_ =	shalt  }
0x85: {  	_ =	shalt  }
0x86: {  	_ =	shalt  }
0x87: {  	_ =	shalt  }
.Lfunc_end0:
.L_simem_size_0:
called_computation_lowered:
.L_overlay_start_0:
0x88: {  	s2 =	sld [smem:$0x3FD9]  }
0x89: {  	s3 =	sld [smem:$0x3FFE];
	_ =	sdelay $0x1  }
0x8a: {  	s1 =	srdreg.scid  }
0x8b: {  	s0 =	sand.u32 $0x1, s1  }
0x8c: {  	s16 =	sshll.u32 s0, $0xA;
	s2 =	sadd.s32 s3, s2  }
0x8d: {  	s2 =	sadd.s32 s2, s16  }
0x8e: {  	[smem:$0x3FC0] =	sst s2  }
0x8f: {  	_ = 	snop  }
0x90: {  	(tm) =	ssettm $0x1  }
0x91: {  	s17 =	sld [smem:$0x3FFB];
	_ =	sdelay $0x3  }
0x92: {  	_ =	strace s17  }
0x93: {  	s2 =	sld [smem:$0x3FFC];
	_ =	sdelay $0x3  }
0x94: {  	_ =	strace s2  }
0x95: {  	s2 =	sld [smem:$0x3FFD];
	_ =	sdelay $0x3  }
0x96: {  	_ =	strace s2  }
0x97: {  	_ =	strace $0x8FFFFFFF  }
0x98: {  	s18 =	sld [smem:$0x3FDB];
	_ =	sdelay $0x1  }
0x99: {  	s19 =	simm.s32 $_scs_section_size  }
0x9a: {  	s4 =	simm.s32 $_size__tile_overlayer_lowered;
	s5 =	simm.s32 $_tile_overlayer_lowered  }
0x9b: {  	s22 =	simm.s32 $0x1BFF;
	s21 =	sshll.u32 s5, $0x1;
	s2 =	sadd.s32 s19, s18  }
0x9c: {  	s6 =	simm.s32 $0x0;
	s20 =	sshll.u32 s4, $0x1;
	s4 =	sadd.s32 s21, s2  }
0x9d: {  	[timem:s6], [sflag:s22] =	dma.local [hbm:s4], s20  }
0x9e: {  	_ =	swait.ge [sflag:s22], s20  }
0x9f: {  	s3 =	ssub.s32 $0x0, s20;
	[sflag:s22] =	ssyncset.done $0x0  }
0xa0: {  	[sflag:s22] =	ssyncadd.s32 s3;
	_ =	sdelay $0x1  }
0xa1: {  	s23 =	simm.s32 $0x1B8B  }
0xa2: {  	_ =	swait.ge [sflag:s23], $0x1  }
0xa3: {  	[sflag:s23] =	ssyncset.done $0x0  }
0xa4: {  	s25 =	simm.s32 $0x1B8E;
	s24 =	sld [smem:$0x3FFE];
	[sflag:s23] =	ssyncadd.s32 $0xFFFFFFFF  }
0xa5: {  	s26 =	simm.s32 $execute0_lowered;
	[smem:$0x3FD2] =	sst s25  }
0xa6: {  	s4 =	sshll.u32 s26, $0x1;
	_ =	strace $0x80000046;
	[dreg:$0x1] =	wrdreg $0xFFFFFFFF  }
0xa7: {  	s28 =	simm.s32 $_size_execute0_lowered;
	s2 =	sadd.s32 s2, s4;
	[dreg:$0x0] =	wrdreg $0x0  }
0xa8: {  	s4 =	sshll.u32 s28, $0x1;
	[dreg:$0x2] =	wrdreg s2  }
0xa9: {  	[dreg:$0x3] =	wrdreg s4  }
0xaa: {  	[dreg:$0x4] =	wrdreg $0xC0  }
0xab: {  	_ =	task [dreg:s6], $0x5FFFF  }
0xac: {  	[dreg:$0x1] =	wrdreg $0xFFFFFFFF  }
0xad: {  	[dreg:$0x0] =	wrdreg $0x60  }
0xae: {  	[dreg:$0x2] =	wrdreg s24  }
0xaf: {  	[dreg:$0x3] =	wrdreg $0x2B000  }
0xb0: {  	[dreg:$0x4] =	wrdreg $0x9  }
0xb1: {  	_ =	task.clear_ibuf [dreg:s6], $0x5FFFF;
	_ =	strace $0x90000046  }
0xb2: {  	s29 =	simm.s32 $0x9;
	_ =	strace $0x80000048  }
0xb3: {  	_ =	swait.ge [sflag:s29], $0x1  }
0xb4: {  	[sflag:s29] =	ssyncadd.s32 $0xFFFFFFFF  }
0xb5: {  	_ =	strace $0x90000048  }
0xb6: {  	_ =	sfence  }
0xb7: {  	s30 =	sld [smem:$0x0];
	_ =	sdelay $0x2  }
0xb8: {  	s31 =	sshll.u32 s1, $0xD;
	s1 =	sshrl.u32 s1, $0x2  }
0xb9: {  	s3 =	sand.u32 $0x4000, s31;
	s1 =	sadd.s32 s1, s30  }
0xba: {  	s0 =	sor.u32 s3, s0;
	s1 =	sshll.u32 s1, $0x11  }
0xbb: {  	s0 =	sor.u32 s1, s0  }
0xbc: {  	s0 =	sadd.s32 $0x8F2B, s0  }
0xbd: {  	[sflag:s0] =	ssyncadd.remote.s32 $0x1  }
0xbe: {  	_ =	sfence.sel $0xFFFF  }
0xbf: {  	[dreg:$0x0] =	wrdreg $0xFFFFFFFF;
	(pc) =	sbr.abs _section_cstart, $3  }
0xc0: {  	[dreg:$0x1] =	wrdreg $0xFFFFFFFF  }
0xc1: {  	_ =	task.clear_ibuf [dreg:s6], $0x2FFFF;
	_ =	strace $0x9FFFFFFF  }
0xc2: {  	(tm) =	ssettm $0x7FFFFFFF  }
0xc3: {  	_ =	shalt  }
tec
execute0_lowered:
.L_overlay_start_1:
0x0: {  	(tag) =	ssettag $0x1  }
0x1: {  	s4 =	rddreg [dreg:$0x0]  }
0x2: {  	s2 =	rddreg [dreg:$0x1];
	s3 =	srdreg.scid  }
0x3: {  	s1 =	stileid.u32;
	s0 =	rddreg [dreg:$0x2];
	s10 =	simm.s32 $0x80  }
0x4: {  	s11 =	simm.s32 $0x2A80;
	s14 =	simm.s32 $0x0;
	s5 =	sand.u32 $0x1, s3  }
0x5: {  	s6 =	smul.u32 $0x280, s1;
	s3 =	simm.s32 $0x0;
	s12 =	sshll.u32 s1, $0x6  }
0x6: {  	s7 =	sshll.u32 s5, $0x4;
	s8 =	smul.u32 $0x2800, s5;
	[smem:$0x7FF] =	sst s3  }
0x7: {  	s5 =	ssub.s32 $0x2, s5;
	s12 =	sor.u32 $0x1C01, s12;
	s7 =	sor.u32 s1, s7  }
0x8: {  	s9 =	sshrl.u32 s5, $0x1;
	s7 =	smul.u32 $0x500, s7;
	s8 =	sadd.s32 s6, s8  }
0x9: {  	_ =	strace $0x80000047;
	s9 =	ssub.s32 s5, s9;
	s8 =	sshrl.u32 s8, $0x3  }
0xa: {  	s5 =	sadd.s32 s6, s2;
	s7 =	sadd.s32 s7, s4;
	s8 =	sadd.s32 s8, s4  }
0xb: {  	s13 =	sshrl.u32 s5, $0x3;
	s4 =	sadd.s32 $0x3400, s7;
	s6 =	sadd.s32 $0xD400, s8  }
0xc: {  	v0 =	vimm.f32 $0.0e+00;
	v1 =	vimm.f32 $1.000000000e+00;
	s7 =	smax.u32 s9, $0x1;
	s8 =	simm.s32 $0x1;
	s9 =	simm.s32 $0x2800  }
.LBB2_1:
0xd: {  	[tilespmem:$0x2800] =	vst v0  }
0xe: {  	[tilespmem:$0x2810] =	vst v0  }
0xf: {  	[tilespmem:$0x2820] =	vst v0  }
0x10: {  	[tilespmem:$0x2830] =	vst v0  }
0x11: {  	[tilespmem:$0x2840] =	vst v0  }
0x12: {  	[tilespmem:$0x2850] =	vst v0  }
0x13: {  	[tilespmem:$0x2860] =	vst v0  }
0x14: {  	[tilespmem:$0x2870] =	vst v0  }
0x15: {  	[tilespmem:$0x2880] =	vst v0  }
0x16: {  	[tilespmem:$0x2890] =	vst v0  }
0x17: {  	[tilespmem:$0x28A0] =	vst v0  }
0x18: {  	[tilespmem:$0x28B0] =	vst v0  }
0x19: {  	[tilespmem:$0x28C0] =	vst v0  }
0x1a: {  	[tilespmem:$0x28D0] =	vst v0  }
0x1b: {  	[tilespmem:$0x28E0] =	vst v0  }
0x1c: {  	[tilespmem:$0x28F0] =	vst v0  }
0x1d: {  	[tilespmem:$0x2900] =	vst v0  }
0x1e: {  	[tilespmem:$0x2910] =	vst v0  }
0x1f: {  	[tilespmem:$0x2920] =	vst v0  }
0x20: {  	[tilespmem:$0x2930] =	vst v0  }
0x21: {  	[tilespmem:$0x2940] =	vst v0  }
0x22: {  	[tilespmem:$0x2950] =	vst v0  }
0x23: {  	[tilespmem:$0x2960] =	vst v0  }
0x24: {  	[tilespmem:$0x2970] =	vst v0  }
0x25: {  	[tilespmem:$0x2980] =	vst v0  }
0x26: {  	[tilespmem:$0x2990] =	vst v0  }
0x27: {  	[tilespmem:$0x29A0] =	vst v0  }
0x28: {  	[tilespmem:$0x29B0] =	vst v0  }
0x29: {  	[tilespmem:$0x29C0] =	vst v0  }
0x2a: {  	[tilespmem:$0x29D0] =	vst v0  }
0x2b: {  	[tilespmem:$0x29E0] =	vst v0  }
0x2c: {  	[tilespmem:$0x29F0] =	vst v0  }
0x2d: {  	[tilespmem:$0x2A00] =	vst v0  }
0x2e: {  	[tilespmem:$0x2A10] =	vst v0  }
0x2f: {  	[tilespmem:$0x2A20] =	vst v0  }
0x30: {  	[tilespmem:$0x2A30] =	vst v0  }
0x31: {  	[tilespmem:$0x2A40] =	vst v0  }
0x32: {  	[tilespmem:$0x2A50] =	vst v0  }
0x33: {  	[tilespmem:$0x2A60] =	vst v0  }
0x34: {  	[tilespmem:$0x2A70] =	vst v0  }
0x35: {  	[tilespmem:$0x2A80] =	vst v1  }
0x36: {  	[tilespmem:$0x2A90] =	vst v1  }
0x37: {  	[tilespmem:$0x2AA0] =	vst v1  }
0x38: {  	[tilespmem:$0x2AB0] =	vst v1  }
0x39: {  	[tilespmem:$0x2AC0] =	vst v1  }
0x3a: {  	[tilespmem:$0x2AD0] =	vst v1  }
0x3b: {  	[tilespmem:$0x2AE0] =	vst v1  }
0x3c: {  	[tilespmem:$0x2AF0] =	vst v1  }
0x3d: {  	[tilespmem:s3], [sflag:$0x1] =	stream.linear.gather [hbm4b:s4+s3], $0x2780, $0x38;
	[tilespmem:$0x2D80] =	vst v63  }
0x3e: {  	_ =	swait.ge [sflag:s8], $0x2780  }
0x3f: {  	[sflag:s8] =	ssyncset.done $0x0  }
0x40: {  	[sflag:s8] =	ssyncadd.s32 $0xFFFFD880  }
0x41: {  	[spmem:s5] =	stream.linear.scatter [tilespmem:s9], [sflag:$0x1], $0x280, $0x38;
	[tilespmem:$0x2D80] =	vst v63  }
0x42: {  	_ =	swait.ge [sflag:s8], $0x280  }
0x43: {  	[sflag:s8] =	ssyncset.done $0x0  }
0x44: {  	[sflag:s8] =	ssyncadd.s32 $0xFFFFFD80  }
0x45: {  	s15 =	simm.s32 $0x0;
	[bflag:$0x0] =	sbarrier.arrive $0xFFFF  }
0x46: {  	[spmem:s2] =	stream.indirect.scatter.add.f32 [tilespmem:s11], [sflag:$0x1], $0x1, s15, s10, $0xb8;
	[tilespmem:$0x2D80] =	vst v63  }
0x47: {  	_ =	swait.ge [sflag:s8], $0x80  }
0x48: {  	s15 =	simm.s32 $0x200;
	[sflag:s8] =	ssyncset.done $0x0  }
.LBB2_2:
0x49: {  	s16 =	sshra.s32 s15, $0x2;
	[sflag:s8] =	ssyncadd.s32 $0xFFFFFF80;
	p0 =	sne.s32 s15, $0x9C00  }
0x4a: {  	[spmem:s2] =	stream.indirect.scatter.add.f32 [tilespmem:s11], [sflag:$0x1], $0x1, s16, s10, $0xb8;
	[tilespmem:$0x2D80] =	vst v63  }
.Ltmp0:
0x4b: {  	_ = 	snop;
	(pc) =	sbr.rel @p0 .LBB2_2-.Ltmp0, $4  }
0x4c: {  	_ = 	snop  }
0x4d: {  	s15 =	sadd.s32 $0x200, s15  }
0x4e: {  	_ =	swait.ge [sflag:s8], $0x80  }
0x4f: {  	[sflag:s8] =	ssyncset.done $0x0  }
0x50: {  	s14 =	sadd.s32 $0x1, s14  }
0x51: {  	[sflag:s8] =	ssyncadd.s32 $0xFFFFFF80;
	p0 =	sne.s32 s14, s7  }
.Ltmp1:
0x52: {  	[bflag:$0x0] =	sbarrier.arrive $0xFFFF;
	(pc) =	sbr.rel @p0 .LBB2_1-.Ltmp1, $4  }
0x53: {  	[hbm:s6], [sflag:s12] =	dma.local [spmem:s13], $0x50  }
0x54: {  	_ =	swait.ge [sflag:s8], $0x50  }
0x55: {  	[sflag:s8] =	ssyncset.done $0x0  }
0x56: {  	[sflag:s8] =	ssyncadd.s32 $0xFFFFFFB0  }
0x57: {  	_ =	sfence.sel $0x180000  }
0x58: {  	[bflag:$0x0] =	sbarrier.arrive $0xFFFF  }
0x59: {  	p0 =	sne.s32 s1, $0x0;
	_ =	strace $0x90000047  }
0x5a: {  	s0 =	sadd.s32 @!p0 $0x100000, s0;
	[bflag:$0x2] =	sbarrier.arrive $0xFFFF  }
0x5b: {  	[sflag:s0] =	ssyncadd.tile.s32 @!p0 $0x1;
	_ =	shalt  }
.Lfunc_end2:
_tile_overlayer_lowered:
.L_overlay_start_2:
0x5c: {  	(tag) =	ssettag $0x2  }
0x5d: {  	s0 =	rddreg [dreg:$0x0];
	s2 =	stileid.u32  }
0x5e: {  	s1 =	rddreg [dreg:$0x1];
	p0 =	sne.s32 s2, $0x0  }
0x5f: {  	s3 =	rddreg [dreg:$0x2];
	[bflag:$0x3] =	sbarrier.arrive $0xFFFF;
	s2 =	simm.s32 @!p0 $0x1C01  }
0x60: {  	[timem:s3], [sflag:s2] =	dma.local @!p0 [hbm:s0], s1  }
0x61: {  	s0 =	simm.s32 @!p0 $0x1  }
0x62: {  	_ =	swait.ge @!p0 [sflag:s0], s1  }
0x63: {  	s1 =	ssub.s32 @!p0 $0x0, s1;
	[sflag:s0] =	ssyncset.done @!p0 $0x0  }
0x64: {  	[sflag:s0] =	ssyncadd.s32 @!p0 s1  }
0x65: {  	[bflag:$0x3] =	sbarrier.arrive $0xFFFF  }
0x66: {  	_ =	shalt  }

// kernel: kernel.13.cloned.1.call-start
scs
__scs_entry_jumppad:
0x0: {  	(pc) =	sbr.rel $0x88, $3  }
0x1: {  	(tag) =	ssettag $0x0;
	lr =	simm.s32 $0x1  }
0x2: {  	[smem:$0x3F99] =	sst lr;
	_ =	strace $0xD0000000  }
0x3: {  	_ = 	snop  }
0x4: {  	_ = 	snop  }
0x5: {  	_ = 	snop  }
0x6: {  	_ = 	snop  }
0x7: {  	_ = 	snop  }
__scs_overlays_trampoline_lowered:
0x8: {  	[smem:$0x3FA8] =	sst s0  }
0x9: {  	[smem:$0x3FA9] =	sst s1  }
0xa: {  	[smem:$0x3FAA] =	sst s2  }
0xb: {  	[smem:$0x3FAB] =	sst s3  }
0xc: {  	[smem:$0x3FAC] =	sst s4  }
0xd: {  	[smem:$0x3FAD] =	sst s5  }
0xe: {  	[smem:$0x3FAE] =	sst s6  }
0xf: {  	[smem:$0x3FAF] =	sst s7  }
0x10: {  	[smem:$0x3FB0] =	sst s8  }
0x11: {  	[smem:$0x3FB1] =	sst s9;
	s0 =	simm.s32 @!p0 $0x0  }
0x12: {  	s1 =	sld [smem:$0x3F97];
	s0 =	simm.s32 @p0 $0x1  }
0x13: {  	[smem:$0x3FB2] =	sst s0;
	s0 =	simm.s32 @!p1 $0x0  }
0x14: {  	s2 =	sld [smem:$0x3F96];
	s0 =	simm.s32 @p1 $0x1  }
0x15: {  	[smem:$0x3FB3] =	sst s0;
	s0 =	simm.s32 @!p2 $0x0  }
0x16: {  	s3 =	sld [smem:$0x3FDB];
	s0 =	simm.s32 @p2 $0x1  }
0x17: {  	s4 =	simm.s32 $0x1BF5;
	[smem:$0x3FB5] =	sst s0  }
0x18: {  	s0 =	sld [smem:$0x3F98];
	_ =	swait.ge [sflag:s4], $0x0  }
0x19: {  	s7 =	sld [smem:$0x3F99]  }
0x1a: {  	s8 =	sadd.s32 $0xFFFFE003, lr  }
0x1b: {  	s9 =	sadd.s32 $0xFFFFFEF7, lr;
	s5 =	simm.s32 $0xFFFFFFFF;
	p2 =	slt.u32 s8, $0xFFFFF086  }
0x1c: {  	p1 =	slt.u32 s9, $0xF7A;
	s5 =	simm.s32 @!p2 $0x0  }
0x1d: {  	s5 =	simm.s32 @p1 $0x1;
	p0 =	seq.s32 s7, s2  }
0x1e: {  	s7 =	smul.u32 @!p0 $0xF7A, s2;
	p2 =	seq.s32 @!p0 s5, $0x0  }
0x1f: {  	s9 =	smul.u32 $0xF7A, s1;
	s8 =	simm.s32 @!p0 $0x1BF5;
	p2 =	por !p2, p0  }
0x20: {  	[sflag:s8] =	ssyncset.s32 @!p0 $0xFFFFF086;
	s6 =	sadd.s32 @!p0 s3, s7;
	s7 =	simm.s32 @!p0 $0x108  }
0x21: {  	s3 =	sadd.s32 s3, s9;
	s6 =	sadd.s32 @!p0 $0x88, s6;
	s7 =	simm.s32 @p2 $0x1082  }
0x22: {  	[simem:s7], [sflag:s8] =	dma.local @!p0 [hbm:s6], $0xF7A  }
0x23: {  	s9 =	sor.u32 $0xD0000000, s2;
	s6 =	simm.s32 $0x108;
	_ =	swait.ge @!p0 [sflag:s8], $0x0  }
0x24: {  	s3 =	sadd.s32 $0x88, s3;
	s6 =	simm.s32 @!p1 $0x1082;
	[sflag:s4] =	ssyncset.s32 $0xFFFFF086  }
0x25: {  	[simem:s6], [sflag:s4] =	dma.local [hbm:s3], $0xF7A  }
0x26: {  	[smem:$0x3F99] =	sst s1;
	(tag) =	ssettag s2;
	_ =	strace s9  }
0x27: {  	s1 =	sld [smem:$0x3FA9]  }
0x28: {  	s2 =	sld [smem:$0x3FAA]  }
0x29: {  	s4 =	sld [smem:$0x3FAC]  }
0x2a: {  	p0 =	seq.s32 s5, $0x0;
	s5 =	sld [smem:$0x3FAD]  }
0x2b: {  	s6 =	sld [smem:$0x3FAE]  }
0x2c: {  	s7 =	sld [smem:$0x3FAF]  }
0x2d: {  	s3 =	simm.s32 $0x108;
	s8 =	sld [smem:$0x3FB0]  }
0x2e: {  	s3 =	simm.s32 @!p0 $0x1082;
	s9 =	sld [smem:$0x3FB1]  }
0x2f: {  	lr =	sadd.s32 s0, s3;
	s0 =	sld [smem:$0x3FA8]  }
0x30: {  	s3 =	sld [smem:$0x3FAB]  }
0x31: {  	[smem:$0x3FB4] =	sst s10  }
0x32: {  	s10 =	sld [smem:$0x3FB2];
	_ =	sdelay $0x3  }
0x33: {  	p0 =	seq.s32 s10, $0x1;
	s10 =	sld [smem:$0x3FB4];
	_ =	sdelay $0x3  }
0x34: {  	[smem:$0x3FB4] =	sst s10  }
0x35: {  	s10 =	sld [smem:$0x3FB3];
	_ =	sdelay $0x3  }
0x36: {  	p1 =	seq.s32 s10, $0x1;
	s10 =	sld [smem:$0x3FB4];
	_ =	sdelay $0x3  }
0x37: {  	[smem:$0x3FB4] =	sst s10  }
0x38: {  	s10 =	sld [smem:$0x3FB5]  }
0x39: {  	_ = 	snop;
	(pc) =	sbr.ind lr, $3  }
0x3a: {  	_ = 	snop  }
0x3b: {  	_ = 	snop  }
0x3c: {  	p2 =	seq.s32 s10, $0x1;
	s10 =	sld [smem:$0x3FB4]  }
0x3d: {  	_ =	shalt  }
0x3e: {  	_ =	shalt  }
0x3f: {  	_ =	shalt  }
0x40: {  	_ =	shalt  }
0x41: {  	_ =	shalt  }
0x42: {  	_ =	shalt  }
0x43: {  	_ =	shalt  }
0x44: {  	_ =	shalt  }
0x45: {  	_ =	shalt  }
0x46: {  	_ =	shalt  }
0x47: {  	_ =	shalt  }
0x48: {  	_ =	shalt  }
0x49: {  	_ =	shalt  }
0x4a: {  	_ =	shalt  }
0x4b: {  	_ =	shalt  }
0x4c: {  	_ =	shalt  }
0x4d: {  	_ =	shalt  }
0x4e: {  	_ =	shalt  }
0x4f: {  	_ =	shalt  }
0x50: {  	_ =	shalt  }
0x51: {  	_ =	shalt  }
0x52: {  	_ =	shalt  }
0x53: {  	_ =	shalt  }
0x54: {  	_ =	shalt  }
0x55: {  	_ =	shalt  }
0x56: {  	_ =	shalt  }
0x57: {  	_ =	shalt  }
0x58: {  	_ =	shalt  }
0x59: {  	_ =	shalt  }
0x5a: {  	_ =	shalt  }
0x5b: {  	_ =	shalt  }
0x5c: {  	_ =	shalt  }
0x5d: {  	_ =	shalt  }
0x5e: {  	_ =	shalt  }
0x5f: {  	_ =	shalt  }
0x60: {  	_ =	shalt  }
0x61: {  	_ =	shalt  }
0x62: {  	_ =	shalt  }
0x63: {  	_ =	shalt  }
0x64: {  	_ =	shalt  }
0x65: {  	_ =	shalt  }
0x66: {  	_ =	shalt  }
0x67: {  	_ =	shalt  }
0x68: {  	_ =	shalt  }
0x69: {  	_ =	shalt  }
0x6a: {  	_ =	shalt  }
0x6b: {  	_ =	shalt  }
0x6c: {  	_ =	shalt  }
0x6d: {  	_ =	shalt  }
0x6e: {  	_ =	shalt  }
0x6f: {  	_ =	shalt  }
0x70: {  	_ =	shalt  }
0x71: {  	_ =	shalt  }
0x72: {  	_ =	shalt  }
0x73: {  	_ =	shalt  }
0x74: {  	_ =	shalt  }
0x75: {  	_ =	shalt  }
0x76: {  	_ =	shalt  }
0x77: {  	_ =	shalt  }
0x78: {  	_ =	shalt  }
0x79: {  	_ =	shalt  }
0x7a: {  	_ =	shalt  }
0x7b: {  	_ =	shalt  }
0x7c: {  	_ =	shalt  }
0x7d: {  	_ =	shalt  }
0x7e: {  	_ =	shalt  }
0x7f: {  	_ =	shalt  }
0x80: {  	_ =	shalt  }
0x81: {  	_ =	shalt  }
0x82: {  	_ =	shalt  }
0x83: {  	_ =	shalt  }
0x84: {  	_ =	shalt  }
0x85: {  	_ =	shalt  }
0x86: {  	_ =	shalt  }
0x87: {  	_ =	shalt  }
.Lfunc_end0:
.L_simem_size_0:
called_computation.1_lowered:
.L_overlay_start_0:
0x88: {  	s2 =	sld [smem:$0x3FD9]  }
0x89: {  	s3 =	sld [smem:$0x3FFE];
	_ =	sdelay $0x1  }
0x8a: {  	s1 =	srdreg.scid  }
0x8b: {  	s0 =	sand.u32 $0x1, s1  }
0x8c: {  	s17 =	sshll.u32 s0, $0xA;
	s2 =	sadd.s32 s3, s2  }
0x8d: {  	s2 =	sadd.s32 s2, s17  }
0x8e: {  	[smem:$0x3FC0] =	sst s2  }
0x8f: {  	_ = 	snop  }
0x90: {  	s2 =	sld [smem:$0x3FD0];
	(tm) =	ssettm $0x1  }
0x91: {  	s18 =	sld [smem:$0x3FFB];
	_ =	sdelay $0x3  }
0x92: {  	_ =	strace s18  }
0x93: {  	s3 =	sld [smem:$0x3FFC];
	_ =	sdelay $0x3  }
0x94: {  	_ =	strace s3  }
0x95: {  	s3 =	sld [smem:$0x3FFD];
	_ =	sdelay $0x3  }
0x96: {  	_ =	strace s3  }
0x97: {  	_ =	strace $0x8FFFFFFF  }
0x98: {  	s19 =	sld [smem:$0x3FDB];
	_ =	sdelay $0x1  }
0x99: {  	s4 =	simm.s32 $_scs_section_size  }
0x9a: {  	s5 =	simm.s32 $_size__tile_overlayer_lowered;
	s6 =	simm.s32 $_tile_overlayer_lowered  }
0x9b: {  	s22 =	simm.s32 $0x1BFF;
	s21 =	sshll.u32 s6, $0x1;
	s3 =	sadd.s32 s4, s19  }
0x9c: {  	s7 =	simm.s32 $0x0;
	s20 =	sshll.u32 s5, $0x1;
	s5 =	sadd.s32 s21, s3  }
0x9d: {  	[timem:s7], [sflag:s22] =	dma.local [hbm:s5], s20  }
0x9e: {  	_ =	swait.ge [sflag:s22], s20  }
0x9f: {  	s4 =	ssub.s32 $0x0, s20;
	[sflag:s22] =	ssyncset.done $0x0  }
0xa0: {  	[sflag:s22] =	ssyncadd.s32 s4;
	_ =	sdelay $0x1  }
0xa1: {  	s23 =	simm.s32 $0x1B8B  }
0xa2: {  	_ =	swait.ge [sflag:s23], $0x1  }
0xa3: {  	[sflag:s23] =	ssyncset.done $0x0  }
0xa4: {  	s25 =	simm.s32 $0x1B8E;
	s24 =	sld [smem:$0x3FFE];
	[sflag:s23] =	ssyncadd.s32 $0xFFFFFFFF  }
0xa5: {  	s26 =	simm.s32 $execute0_lowered;
	[smem:$0x3FD2] =	sst s25  }
0xa6: {  	s5 =	sshll.u32 s26, $0x1;
	_ =	strace $0x80000049;
	[dreg:$0x1] =	wrdreg $0xFFFFFFFF  }
0xa7: {  	s28 =	simm.s32 $_size_execute0_lowered;
	s3 =	sadd.s32 s3, s5;
	[dreg:$0x0] =	wrdreg $0x0  }
0xa8: {  	s5 =	sshll.u32 s28, $0x1;
	[dreg:$0x2] =	wrdreg s3  }
0xa9: {  	[dreg:$0x3] =	wrdreg s5  }
0xaa: {  	[dreg:$0x4] =	wrdreg $0xC0  }
0xab: {  	_ =	task [dreg:s7], $0x5FFFF  }
0xac: {  	[dreg:$0x1] =	wrdreg $0xFFFFFFFF  }
0xad: {  	[dreg:$0x0] =	wrdreg $0x60  }
0xae: {  	[dreg:$0x2] =	wrdreg s24  }
0xaf: {  	[dreg:$0x3] =	wrdreg s2  }
0xb0: {  	[dreg:$0x4] =	wrdreg $0xB0000  }
0xb1: {  	[dreg:$0x5] =	wrdreg $0x9  }
0xb2: {  	_ =	task.clear_ibuf [dreg:s7], $0x6FFFF;
	_ =	strace $0x90000049  }
0xb3: {  	s29 =	simm.s32 $0x9;
	_ =	strace $0x8000004B  }
0xb4: {  	_ =	swait.ge [sflag:s29], $0x1  }
0xb5: {  	[sflag:s29] =	ssyncadd.s32 $0xFFFFFFFF  }
0xb6: {  	_ =	strace $0x9000004B  }
0xb7: {  	_ =	sfence  }
0xb8: {  	s30 =	sld [smem:$0x0];
	_ =	sdelay $0x2  }
0xb9: {  	s31 =	sshll.u32 s1, $0xD;
	s1 =	sshrl.u32 s1, $0x2  }
0xba: {  	s3 =	sand.u32 $0x4000, s31;
	s1 =	sadd.s32 s1, s30  }
0xbb: {  	s0 =	sor.u32 s3, s0;
	s1 =	sshll.u32 s1, $0x11  }
0xbc: {  	s0 =	sor.u32 s1, s0  }
0xbd: {  	s0 =	sadd.s32 $0x8F2B, s0  }
0xbe: {  	[sflag:s0] =	ssyncadd.remote.s32 $0x1  }
0xbf: {  	_ =	sfence.sel $0xFFFF  }
0xc0: {  	[dreg:$0x0] =	wrdreg $0xFFFFFFFF;
	(pc) =	sbr.abs _section_cstart, $3  }
0xc1: {  	[dreg:$0x1] =	wrdreg $0xFFFFFFFF  }
0xc2: {  	_ =	task.clear_ibuf [dreg:s7], $0x2FFFF;
	_ =	strace $0x9FFFFFFF  }
0xc3: {  	(tm) =	ssettm $0x7FFFFFFF  }
tec
execute0_lowered:
.L_overlay_start_1:
0x0: {  	(tag) =	ssettag $0x1  }
0x1: {  	s5 =	rddreg [dreg:$0x0]  }
0x2: {  	s7 =	rddreg [dreg:$0x1]  }
0x3: {  	s0 =	stileid.u32;
	s1 =	srdreg.scid  }
0x4: {  	s2 =	rddreg [dreg:$0x2];
	s3 =	simm.s32 $0x0;
	s14 =	simm.s32 $0x5  }
0x5: {  	s15 =	simm.s32 $0x40;
	s16 =	simm.s32 $0x3000;
	s17 =	simm.s32 $0x5000  }
0x6: {  	s18 =	simm.s32 $0x7000;
	s19 =	simm.s32 $0x0;
	s6 =	smul.u32 $0x1800, s0  }
0x7: {  	s8 =	sand.u32 $0x1, s1;
	s1 =	rddreg [dreg:$0x3];
	s10 =	smul.u32 $0x280, s0  }
0x8: {  	[smem:$0x7FF] =	sst s3;
	s4 =	sadd.s32 $0x75E00, s5;
	s25 =	smul.u32 $0x50000, s0  }
0x9: {  	s31 =	sshll.u32 s0, $0x6;
	s9 =	smul.u32 $0x2800, s8;
	_ =	strace $0x8000004A  }
0xa: {  	s26 =	sshll.u32 s8, $0x4;
	s28 =	ssub.s32 $0x2, s8;
	s11 =	sadd.s32 s6, s5  }
0xb: {  	s29 =	sor.u32 s0, s26;
	s30 =	sshrl.u32 s28, $0x1;
	s24 =	sadd.s32 s10, s9  }
0xc: {  	s9 =	sshrl.u32 s25, $0x2;
	s8 =	smul.u32 $0x1800, s29;
	s10 =	ssub.s32 s28, s30  }
0xd: {  	s6 =	sshll.u32 s24, $0x4;
	s13 =	sadd.s32 s9, s2;
	s10 =	smax.u32 s10, $0x1  }
0xe: {  	s12 =	sadd.s32 s6, s5;
	s5 =	sadd.s32 s4, s6;
	s6 =	sor.u32 $0x1C06, s31  }
0xf: {  	s7 =	sadd.s32 s7, s8;
	s8 =	sadd.s32 $0xDE00, s11;
	s11 =	sshrl.u32 s13, $0x3  }
0x10: {  	s13 =	simm.s32 $0x1800;
	s9 =	sadd.s32 $0xC5E00, s12;
	s12 =	simm.s32 $0x6  }
.LBB2_1:
0x11: {  	[spmem:s11], [sflag:s6] =	dma.local [hbm:s5], $0x2800  }
0x12: {  	_ =	swait.ge [sflag:s12], $0x2800  }
0x13: {  	[sflag:s12] =	ssyncset.done $0x0  }
0x14: {  	[sflag:s12] =	ssyncadd.s32 $0xFFFFD800  }
0x15: {  	[bflag:$0x0] =	sbarrier.arrive $0xFFFF  }
0x16: {  	[tilespmem:s3], [sflag:$0x5] =	stream.linear.gather [hbm4b:s7+s3], $0xA00, $0x38;
	[tilespmem:$0x1F000] =	vst v63  }
0x17: {  	p0 =	por $0x0, $0x0;
	s20 =	simm.s32 $0x0  }
0x18: {  	[tilespmem:s13], [sflag:$0x5] =	stream.linear.gather [hbm4b:s8+s3], $0xA00, $0x38;
	[tilespmem:$0x1F000] =	vst v63  }
.LBB2_3:
0x19: {  	_ =	swait.ge [sflag:s14], $0xA00  }
0x1a: {  	s21 =	smov.u32 s20;
	s22 =	sand.u32 $0x1, s20;
	[sflag:s14] =	ssyncset.done $0x0  }
0x1b: {  	s20 =	sadd.s32 $0x1, s20;
	p1 =	seq.s32 s21, $0xF;
	[sflag:s14] =	ssyncadd.s32 $0xFFFFF600  }
0x1c: {  	s21 =	sxor.u32 @!p1 $0x1, s22;
	s23 =	smul.u32 @!p1 $0x180, s20;
	_ =	swait.ge [sflag:s14], $0xA00  }
0x1d: {  	s21 =	smul.u32 @!p1 $0xC00, s21;
	[sflag:s14] =	ssyncset.done $0x0  }
0x1e: {  	s25 =	simm.s32 @!p1 $0x0;
	s24 =	sadd.s32 @!p1 s7, s23;
	[sflag:s14] =	ssyncadd.s32 $0xFFFFF600  }
0x1f: {  	[tilespmem:s21], [sflag:$0x5] =	stream.linear.gather @!p1 [hbm4b:s24+s25], $0xA00, $0x38;
	[tilespmem:$0x1F000] =	vst v63  }
0x20: {  	s22 =	smul.u32 $0xC00, s22;
	s23 =	sadd.s32 @!p1 s8, s23;
	s21 =	sadd.s32 @!p1 $0x1800, s21  }
0x21: {  	[tilespmem:s21], [sflag:$0x5] =	stream.linear.gather @!p1 [hbm4b:s23+s25], $0xA00, $0x38;
	[tilespmem:$0x1F000] =	vst v63  }
0x22: {  	_ = 	snop  }
0x23: {  	[tilespmem:s16], [sflag:$0x1] =	stream.indirect.gather [hbm4b:s4+s15], $0x80, s22, s15, $0xb8;
	[tilespmem:$0x1F000] =	vst v63  }
0x24: {  	s30 =	simm.s32 $0x0;
	s29 =	sadd.s32 $0x80, s22;
	s21 =	simm.s32 $0x1  }
0x25: {  	[tilespmem:s17], [sflag:$0x2] =	stream.indirect.gather [hbm4b:s4+s15], $0x80, s29, s15, $0xb8;
	[tilespmem:$0x1F000] =	vst v63  }
0x26: {  	s23 =	simm.s32 $0x3;
	p1 =	por $0x0, $0x0;
	s22 =	sadd.s32 $0x100, s22  }
0x27: {  	[tilespmem:s18], [sflag:$0x3] =	stream.indirect.gather [hbm4b:s4+s15], $0x80, s22, s15, $0xb8;
	[tilespmem:$0x1F000] =	vst v63  }
0x28: {  	s21 =	simm.s32 @!p0 $0x0;
	s23 =	sand.u32 @!p1 $0x3, s23;
	s22 =	sand.u32 $0x3, s30  }
0x29: {  	s21 =	smul.u32 $0x3000, s21;
	s26 =	sshll.u32 @!p1 s23, $0xD;
	s31 =	sadd.s32 $0x1, s22  }
0x2a: {  	s23 =	sadd.s32 @!p1 $0x1, s23;
	s24 =	sadd.s32 @!p1 $0x3000, s26;
	_ =	swait.ge [sflag:s31], $0x2000  }
0x2b: {  	s26 =	simm.s32 @!p1 $0x40;
	s21 =	sshrl.u32 s21, $0x2;
	[sflag:s31] =	ssyncset.done $0x0  }
0x2c: {  	s25 =	sor.u32 $0x180, s21;
	s22 =	sshll.u32 s22, $0xD;
	[sflag:s31] =	ssyncadd.s32 $0xFFFFE000  }
0x2d: {  	[tilespmem:s24], [sflag:s23] =	stream.indirect.gather @!p1 [hbm4b:s4+s26], $0x80, s25, s26, $0xb8;
	[tilespmem:$0x1F000] =	vst v63  }
0x2e: {  	s21 =	sadd.s32 $0x1800, s21;
	s22 =	sadd.s32 $0x3000, s22  }
0x2f: {  	[spmem:s2] =	stream.indirect.scatter.add.f32 [tilespmem:s22], [sflag:$0x6], $0x80, s21, s15, $0xb8;
	[tilespmem:$0x1F000] =	vst v63  }
0x30: {  	s23 =	simm.s32 $0x4;
	s24 =	simm.s32 $0x5;
	_ =	swait.ge [sflag:s12], $0x2000  }
0x31: {  	s22 =	sadd.s32 $0x80, s25;
	s21 =	sadd.s32 $0x80, s21;
	[sflag:s12] =	ssyncset.done $0x0  }
.LBB2_4:
0x32: {  	s25 =	sadd.s32 $0xFFFFFFFD, s23  }
0x33: {  	[sflag:s12] =	ssyncadd.s32 $0xFFFFE000;
	s26 =	smov.u32 s24;
	s24 =	sadd.s32 $0x1, s24  }
0x34: {  	p1 =	seq.s32 s24, $0x17;
	s28 =	sand.u32 $0x3, s25;
	p2 =	sgt.u32 s25, $0x10  }
0x35: {  	s25 =	sshll.u32 s28, $0xD;
	s28 =	sadd.s32 $0x1, s28;
	s23 =	sand.u32 @!p2 $0x3, s23  }
0x36: {  	_ =	swait.ge [sflag:s28], $0x2000;
	s29 =	sshll.u32 @!p2 s23, $0xD;
	s30 =	sadd.s32 @!p2 $0x1, s23  }
0x37: {  	s23 =	smov.u32 s26;
	[sflag:s28] =	ssyncset.done $0x0  }
0x38: {  	s26 =	sadd.s32 @!p2 $0x3000, s29;
	[sflag:s28] =	ssyncadd.s32 $0xFFFFE000;
	s28 =	simm.s32 @!p2 $0x40  }
0x39: {  	[tilespmem:s26], [sflag:s30] =	stream.indirect.gather @!p2 [hbm4b:s4+s28], $0x80, s22, s28, $0xb8;
	[tilespmem:$0x1F000] =	vst v63  }
.Ltmp0:
0x3a: {  	_ = 	snop;
	(pc) =	sbr.rel @!p1 .LBB2_4-.Ltmp0, $4  }
0x3b: {  	s25 =	sadd.s32 $0x3000, s25  }
0x3c: {  	[spmem:s2] =	stream.indirect.scatter.add.f32 [tilespmem:s25], [sflag:$0x6], $0x80, s21, s15, $0xb8;
	[tilespmem:$0x1F000] =	vst v63  }
0x3d: {  	_ =	swait.ge [sflag:s12], $0x2000  }
0x3e: {  	s22 =	sadd.s32 $0x80, s22;
	s21 =	sadd.s32 $0x80, s21;
	[sflag:s12] =	ssyncset.done $0x0  }
0x3f: {  	s24 =	sadd.s32 $0xFFFFFFFD, s23  }
0x40: {  	s25 =	sand.u32 $0x3, s24  }
0x41: {  	[sflag:s12] =	ssyncadd.s32 $0xFFFFE000;
	p1 =	sgt.u32 s24, $0x10;
	s30 =	sadd.s32 $0x1, s25  }
0x42: {  	s25 =	sshll.u32 s25, $0xD;
	s23 =	sand.u32 @!p1 $0x3, s23;
	_ =	swait.ge [sflag:s30], $0x2000  }
0x43: {  	s26 =	sshll.u32 @!p1 s23, $0xD;
	s23 =	sadd.s32 @!p1 $0x1, s23;
	[sflag:s30] =	ssyncset.done $0x0  }
0x44: {  	s24 =	sadd.s32 @!p1 $0x3000, s26;
	s26 =	simm.s32 @!p1 $0x40;
	[sflag:s30] =	ssyncadd.s32 $0xFFFFE000  }
0x45: {  	[tilespmem:s24], [sflag:s23] =	stream.indirect.gather @!p1 [hbm4b:s4+s26], $0x80, s22, s26, $0xb8;
	[tilespmem:$0x1F000] =	vst v63  }
0x46: {  	s31 =	sadd.s32 $0x3000, s25  }
0x47: {  	[spmem:s2] =	stream.indirect.scatter.add.f32 [tilespmem:s31], [sflag:$0x6], $0x80, s21, s15, $0xb8;
	[tilespmem:$0x1F000] =	vst v63  }
0x48: {  	_ =	swait.ge [sflag:s12], $0x2000  }
0x49: {  	[sflag:s12] =	ssyncset.done $0x0  }
0x4a: {  	[sflag:s12] =	ssyncadd.s32 $0xFFFFE000  }
0x4b: {  	p1 =	seq.s32 s20, $0x10  }
.Ltmp1:
0x4c: {  	_ = 	snop;
	(pc) =	sbr.rel @!p1 .LBB2_3-.Ltmp1, $2  }
0x4d: {  	_ =	sdelay $0x2  }
0x4e: {  	p0 =	por !p0, !p0  }
0x4f: {  	s19 =	sadd.s32 $0x1, s19  }
0x50: {  	p0 =	sne.s32 s19, s10  }
.Ltmp2:
0x51: {  	[bflag:$0x0] =	sbarrier.arrive $0xFFFF;
	(pc) =	sbr.rel @p0 .LBB2_1-.Ltmp2, $4  }
0x52: {  	[hbm:s9], [sflag:s6] =	dma.local [spmem:s11], $0x2800  }
0x53: {  	_ =	swait.ge [sflag:s12], $0x2800  }
0x54: {  	[sflag:s12] =	ssyncset.done $0x0  }
0x55: {  	[sflag:s12] =	ssyncadd.s32 $0xFFFFD800  }
0x56: {  	_ =	sfence.sel $0x180000  }
0x57: {  	[bflag:$0x0] =	sbarrier.arrive $0xFFFF  }
0x58: {  	p0 =	sne.s32 s0, $0x0;
	_ =	strace $0x9000004A  }
0x59: {  	s0 =	sadd.s32 @!p0 $0x100000, s1;
	[bflag:$0x2] =	sbarrier.arrive $0xFFFF  }
0x5a: {  	[sflag:s0] =	ssyncadd.tile.s32 @!p0 $0x1;
	_ =	shalt  }
.Lfunc_end2:
_tile_overlayer_lowered:
.L_overlay_start_2:
0x5b: {  	(tag) =	ssettag $0x2  }
0x5c: {  	s0 =	rddreg [dreg:$0x0];
	s2 =	stileid.u32  }
0x5d: {  	s1 =	rddreg [dreg:$0x1];
	p0 =	sne.s32 s2, $0x0  }
0x5e: {  	s3 =	rddreg [dreg:$0x2];
	[bflag:$0x3] =	sbarrier.arrive $0xFFFF;
	s2 =	simm.s32 @!p0 $0x1C06  }
0x5f: {  	[timem:s3], [sflag:s2] =	dma.local @!p0 [hbm:s0], s1  }
0x60: {  	s0 =	simm.s32 @!p0 $0x6  }
0x61: {  	_ =	swait.ge @!p0 [sflag:s0], s1  }
0x62: {  	s1 =	ssub.s32 @!p0 $0x0, s1;
	[sflag:s0] =	ssyncset.done @!p0 $0x0  }
0x63: {  	[sflag:s0] =	ssyncadd.s32 @!p0 s1  }
0x64: {  	[bflag:$0x3] =	sbarrier.arrive $0xFFFF  }
0x65: {  	_ =	shalt  }

// kernel: kernel.16.cloned.1.call-start
scs
__scs_entry_jumppad:
0x0: {  	(pc) =	sbr.rel $0x88, $3  }
0x1: {  	(tag) =	ssettag $0x0;
	lr =	simm.s32 $0x1  }
0x2: {  	[smem:$0x3F99] =	sst lr;
	_ =	strace $0xD0000000  }
0x3: {  	_ = 	snop  }
0x4: {  	_ = 	snop  }
0x5: {  	_ = 	snop  }
0x6: {  	_ = 	snop  }
0x7: {  	_ = 	snop  }
__scs_overlays_trampoline_lowered:
0x8: {  	[smem:$0x3FA8] =	sst s0  }
0x9: {  	[smem:$0x3FA9] =	sst s1  }
0xa: {  	[smem:$0x3FAA] =	sst s2  }
0xb: {  	[smem:$0x3FAB] =	sst s3  }
0xc: {  	[smem:$0x3FAC] =	sst s4  }
0xd: {  	[smem:$0x3FAD] =	sst s5  }
0xe: {  	[smem:$0x3FAE] =	sst s6  }
0xf: {  	[smem:$0x3FAF] =	sst s7  }
0x10: {  	[smem:$0x3FB0] =	sst s8  }
0x11: {  	[smem:$0x3FB1] =	sst s9;
	s0 =	simm.s32 @!p0 $0x0  }
0x12: {  	s1 =	sld [smem:$0x3F97];
	s0 =	simm.s32 @p0 $0x1  }
0x13: {  	[smem:$0x3FB2] =	sst s0;
	s0 =	simm.s32 @!p1 $0x0  }
0x14: {  	s2 =	sld [smem:$0x3F96];
	s0 =	simm.s32 @p1 $0x1  }
0x15: {  	[smem:$0x3FB3] =	sst s0;
	s0 =	simm.s32 @!p2 $0x0  }
0x16: {  	s3 =	sld [smem:$0x3FDB];
	s0 =	simm.s32 @p2 $0x1  }
0x17: {  	s4 =	simm.s32 $0x1BF5;
	[smem:$0x3FB5] =	sst s0  }
0x18: {  	s0 =	sld [smem:$0x3F98];
	_ =	swait.ge [sflag:s4], $0x0  }
0x19: {  	s7 =	sld [smem:$0x3F99]  }
0x1a: {  	s8 =	sadd.s32 $0xFFFFE003, lr  }
0x1b: {  	s9 =	sadd.s32 $0xFFFFFEF7, lr;
	s5 =	simm.s32 $0xFFFFFFFF;
	p2 =	slt.u32 s8, $0xFFFFF086  }
0x1c: {  	p1 =	slt.u32 s9, $0xF7A;
	s5 =	simm.s32 @!p2 $0x0  }
0x1d: {  	s5 =	simm.s32 @p1 $0x1;
	p0 =	seq.s32 s7, s2  }
0x1e: {  	s7 =	smul.u32 @!p0 $0xF7A, s2;
	p2 =	seq.s32 @!p0 s5, $0x0  }
0x1f: {  	s9 =	smul.u32 $0xF7A, s1;
	s8 =	simm.s32 @!p0 $0x1BF5;
	p2 =	por !p2, p0  }
0x20: {  	[sflag:s8] =	ssyncset.s32 @!p0 $0xFFFFF086;
	s6 =	sadd.s32 @!p0 s3, s7;
	s7 =	simm.s32 @!p0 $0x108  }
0x21: {  	s3 =	sadd.s32 s3, s9;
	s6 =	sadd.s32 @!p0 $0x88, s6;
	s7 =	simm.s32 @p2 $0x1082  }
0x22: {  	[simem:s7], [sflag:s8] =	dma.local @!p0 [hbm:s6], $0xF7A  }
0x23: {  	s9 =	sor.u32 $0xD0000000, s2;
	s6 =	simm.s32 $0x108;
	_ =	swait.ge @!p0 [sflag:s8], $0x0  }
0x24: {  	s3 =	sadd.s32 $0x88, s3;
	s6 =	simm.s32 @!p1 $0x1082;
	[sflag:s4] =	ssyncset.s32 $0xFFFFF086  }
0x25: {  	[simem:s6], [sflag:s4] =	dma.local [hbm:s3], $0xF7A  }
0x26: {  	[smem:$0x3F99] =	sst s1;
	(tag) =	ssettag s2;
	_ =	strace s9  }
0x27: {  	s1 =	sld [smem:$0x3FA9]  }
0x28: {  	s2 =	sld [smem:$0x3FAA]  }
0x29: {  	s4 =	sld [smem:$0x3FAC]  }
0x2a: {  	p0 =	seq.s32 s5, $0x0;
	s5 =	sld [smem:$0x3FAD]  }
0x2b: {  	s6 =	sld [smem:$0x3FAE]  }
0x2c: {  	s7 =	sld [smem:$0x3FAF]  }
0x2d: {  	s3 =	simm.s32 $0x108;
	s8 =	sld [smem:$0x3FB0]  }
0x2e: {  	s3 =	simm.s32 @!p0 $0x1082;
	s9 =	sld [smem:$0x3FB1]  }
0x2f: {  	lr =	sadd.s32 s0, s3;
	s0 =	sld [smem:$0x3FA8]  }
0x30: {  	s3 =	sld [smem:$0x3FAB]  }
0x31: {  	[smem:$0x3FB4] =	sst s10  }
0x32: {  	s10 =	sld [smem:$0x3FB2];
	_ =	sdelay $0x3  }
0x33: {  	p0 =	seq.s32 s10, $0x1;
	s10 =	sld [smem:$0x3FB4];
	_ =	sdelay $0x3  }
0x34: {  	[smem:$0x3FB4] =	sst s10  }
0x35: {  	s10 =	sld [smem:$0x3FB3];
	_ =	sdelay $0x3  }
0x36: {  	p1 =	seq.s32 s10, $0x1;
	s10 =	sld [smem:$0x3FB4];
	_ =	sdelay $0x3  }
0x37: {  	[smem:$0x3FB4] =	sst s10  }
0x38: {  	s10 =	sld [smem:$0x3FB5]  }
0x39: {  	_ = 	snop;
	(pc) =	sbr.ind lr, $3  }
0x3a: {  	_ = 	snop  }
0x3b: {  	_ = 	snop  }
0x3c: {  	p2 =	seq.s32 s10, $0x1;
	s10 =	sld [smem:$0x3FB4]  }
0x3d: {  	_ =	shalt  }
0x3e: {  	_ =	shalt  }
0x3f: {  	_ =	shalt  }
0x40: {  	_ =	shalt  }
0x41: {  	_ =	shalt  }
0x42: {  	_ =	shalt  }
0x43: {  	_ =	shalt  }
0x44: {  	_ =	shalt  }
0x45: {  	_ =	shalt  }
0x46: {  	_ =	shalt  }
0x47: {  	_ =	shalt  }
0x48: {  	_ =	shalt  }
0x49: {  	_ =	shalt  }
0x4a: {  	_ =	shalt  }
0x4b: {  	_ =	shalt  }
0x4c: {  	_ =	shalt  }
0x4d: {  	_ =	shalt  }
0x4e: {  	_ =	shalt  }
0x4f: {  	_ =	shalt  }
0x50: {  	_ =	shalt  }
0x51: {  	_ =	shalt  }
0x52: {  	_ =	shalt  }
0x53: {  	_ =	shalt  }
0x54: {  	_ =	shalt  }
0x55: {  	_ =	shalt  }
0x56: {  	_ =	shalt  }
0x57: {  	_ =	shalt  }
0x58: {  	_ =	shalt  }
0x59: {  	_ =	shalt  }
0x5a: {  	_ =	shalt  }
0x5b: {  	_ =	shalt  }
0x5c: {  	_ =	shalt  }
0x5d: {  	_ =	shalt  }
0x5e: {  	_ =	shalt  }
0x5f: {  	_ =	shalt  }
0x60: {  	_ =	shalt  }
0x61: {  	_ =	shalt  }
0x62: {  	_ =	shalt  }
0x63: {  	_ =	shalt  }
0x64: {  	_ =	shalt  }
0x65: {  	_ =	shalt  }
0x66: {  	_ =	shalt  }
0x67: {  	_ =	shalt  }
0x68: {  	_ =	shalt  }
0x69: {  	_ =	shalt  }
0x6a: {  	_ =	shalt  }
0x6b: {  	_ =	shalt  }
0x6c: {  	_ =	shalt  }
0x6d: {  	_ =	shalt  }
0x6e: {  	_ =	shalt  }
0x6f: {  	_ =	shalt  }
0x70: {  	_ =	shalt  }
0x71: {  	_ =	shalt  }
0x72: {  	_ =	shalt  }
0x73: {  	_ =	shalt  }
0x74: {  	_ =	shalt  }
0x75: {  	_ =	shalt  }
0x76: {  	_ =	shalt  }
0x77: {  	_ =	shalt  }
0x78: {  	_ =	shalt  }
0x79: {  	_ =	shalt  }
0x7a: {  	_ =	shalt  }
0x7b: {  	_ =	shalt  }
0x7c: {  	_ =	shalt  }
0x7d: {  	_ =	shalt  }
0x7e: {  	_ =	shalt  }
0x7f: {  	_ =	shalt  }
0x80: {  	_ =	shalt  }
0x81: {  	_ =	shalt  }
0x82: {  	_ =	shalt  }
0x83: {  	_ =	shalt  }
0x84: {  	_ =	shalt  }
0x85: {  	_ =	shalt  }
0x86: {  	_ =	shalt  }
0x87: {  	_ =	shalt  }
.Lfunc_end0:
.L_simem_size_0:
called_computation.2_lowered:
.L_overlay_start_0:
0x88: {  	s2 =	sld [smem:$0x3FD9]  }
0x89: {  	s3 =	sld [smem:$0x3FFE];
	_ =	sdelay $0x1  }
0x8a: {  	s1 =	srdreg.scid  }
0x8b: {  	s0 =	sand.u32 $0x1, s1  }
0x8c: {  	s17 =	sshll.u32 s0, $0xA;
	s2 =	sadd.s32 s3, s2  }
0x8d: {  	s2 =	sadd.s32 s2, s17  }
0x8e: {  	[smem:$0x3FC0] =	sst s2  }
0x8f: {  	_ = 	snop  }
0x90: {  	s2 =	sld [smem:$0x3FD0];
	(tm) =	ssettm $0x1  }
0x91: {  	s18 =	sld [smem:$0x3FFB];
	_ =	sdelay $0x3  }
0x92: {  	_ =	strace s18  }
0x93: {  	s3 =	sld [smem:$0x3FFC];
	_ =	sdelay $0x3  }
0x94: {  	_ =	strace s3  }
0x95: {  	s3 =	sld [smem:$0x3FFD];
	_ =	sdelay $0x3  }
0x96: {  	_ =	strace s3  }
0x97: {  	_ =	strace $0x8FFFFFFF  }
0x98: {  	s19 =	sld [smem:$0x3FDB];
	_ =	sdelay $0x1  }
0x99: {  	s4 =	simm.s32 $_scs_section_size  }
0x9a: {  	s5 =	simm.s32 $_size__tile_overlayer_lowered;
	s6 =	simm.s32 $_tile_overlayer_lowered  }
0x9b: {  	s22 =	simm.s32 $0x1BFF;
	s21 =	sshll.u32 s6, $0x1;
	s3 =	sadd.s32 s4, s19  }
0x9c: {  	s7 =	simm.s32 $0x0;
	s20 =	sshll.u32 s5, $0x1;
	s5 =	sadd.s32 s21, s3  }
0x9d: {  	[timem:s7], [sflag:s22] =	dma.local [hbm:s5], s20  }
0x9e: {  	_ =	swait.ge [sflag:s22], s20  }
0x9f: {  	s4 =	ssub.s32 $0x0, s20;
	[sflag:s22] =	ssyncset.done $0x0  }
0xa0: {  	[sflag:s22] =	ssyncadd.s32 s4;
	_ =	sdelay $0x1  }
0xa1: {  	s23 =	simm.s32 $0x1B8B  }
0xa2: {  	_ =	swait.ge [sflag:s23], $0x1  }
0xa3: {  	[sflag:s23] =	ssyncset.done $0x0  }
0xa4: {  	s25 =	simm.s32 $0x1B8E;
	s24 =	sld [smem:$0x3FFE];
	[sflag:s23] =	ssyncadd.s32 $0xFFFFFFFF  }
0xa5: {  	s26 =	simm.s32 $execute0_lowered;
	[smem:$0x3FD2] =	sst s25  }
0xa6: {  	s5 =	sshll.u32 s26, $0x1;
	_ =	strace $0x8000004C;
	[dreg:$0x1] =	wrdreg $0xFFFFFFFF  }
0xa7: {  	s28 =	simm.s32 $_size_execute0_lowered;
	s3 =	sadd.s32 s3, s5;
	[dreg:$0x0] =	wrdreg $0x0  }
0xa8: {  	s5 =	sshll.u32 s28, $0x1;
	[dreg:$0x2] =	wrdreg s3  }
0xa9: {  	[dreg:$0x3] =	wrdreg s5  }
0xaa: {  	[dreg:$0x4] =	wrdreg $0xC0  }
0xab: {  	_ =	task [dreg:s7], $0x5FFFF  }
0xac: {  	[dreg:$0x1] =	wrdreg $0xFFFFFFFF  }
0xad: {  	[dreg:$0x0] =	wrdreg $0x60  }
0xae: {  	[dreg:$0x2] =	wrdreg s24  }
0xaf: {  	[dreg:$0x3] =	wrdreg s2  }
0xb0: {  	[dreg:$0x4] =	wrdreg $0xB0000  }
0xb1: {  	[dreg:$0x5] =	wrdreg $0x9  }
0xb2: {  	_ =	task.clear_ibuf [dreg:s7], $0x6FFFF;
	_ =	strace $0x9000004C  }
0xb3: {  	s29 =	simm.s32 $0x9;
	_ =	strace $0x8000004E  }
0xb4: {  	_ =	swait.ge [sflag:s29], $0x1  }
0xb5: {  	[sflag:s29] =	ssyncadd.s32 $0xFFFFFFFF  }
0xb6: {  	_ =	strace $0x9000004E  }
0xb7: {  	_ =	sfence  }
0xb8: {  	s30 =	sld [smem:$0x0];
	_ =	sdelay $0x2  }
0xb9: {  	s31 =	sshll.u32 s1, $0xD;
	s1 =	sshrl.u32 s1, $0x2  }
0xba: {  	s3 =	sand.u32 $0x4000, s31;
	s1 =	sadd.s32 s1, s30  }
0xbb: {  	s0 =	sor.u32 s3, s0;
	s1 =	sshll.u32 s1, $0x11  }
0xbc: {  	s0 =	sor.u32 s1, s0  }
0xbd: {  	s0 =	sadd.s32 $0x8F2B, s0  }
0xbe: {  	[sflag:s0] =	ssyncadd.remote.s32 $0x1  }
0xbf: {  	_ =	sfence.sel $0xFFFF  }
0xc0: {  	[dreg:$0x0] =	wrdreg $0xFFFFFFFF;
	(pc) =	sbr.abs _section_cstart, $3  }
0xc1: {  	[dreg:$0x1] =	wrdreg $0xFFFFFFFF  }
0xc2: {  	_ =	task.clear_ibuf [dreg:s7], $0x2FFFF;
	_ =	strace $0x9FFFFFFF  }
0xc3: {  	(tm) =	ssettm $0x7FFFFFFF  }
tec
execute0_lowered:
.L_overlay_start_1:
0x0: {  	(tag) =	ssettag $0x1  }
0x1: {  	s5 =	rddreg [dreg:$0x0]  }
0x2: {  	s7 =	rddreg [dreg:$0x1]  }
0x3: {  	s0 =	stileid.u32;
	s1 =	srdreg.scid  }
0x4: {  	s2 =	rddreg [dreg:$0x2];
	s3 =	simm.s32 $0x0;
	s14 =	simm.s32 $0x5  }
0x5: {  	s15 =	simm.s32 $0x40;
	s16 =	simm.s32 $0x3000;
	s17 =	simm.s32 $0x5000  }
0x6: {  	s18 =	simm.s32 $0x7000;
	s19 =	simm.s32 $0x0;
	s6 =	smul.u32 $0x1800, s0  }
0x7: {  	s8 =	sand.u32 $0x1, s1;
	s1 =	rddreg [dreg:$0x3];
	s10 =	smul.u32 $0x280, s0  }
0x8: {  	[smem:$0x7FF] =	sst s3;
	s4 =	sadd.s32 $0x75E00, s5;
	s25 =	smul.u32 $0x50000, s0  }
0x9: {  	s31 =	sshll.u32 s0, $0x6;
	s9 =	smul.u32 $0x2800, s8;
	_ =	strace $0x8000004D  }
0xa: {  	s26 =	sshll.u32 s8, $0x4;
	s28 =	ssub.s32 $0x2, s8;
	s11 =	sadd.s32 s6, s5  }
0xb: {  	s29 =	sor.u32 s0, s26;
	s30 =	sshrl.u32 s28, $0x1;
	s24 =	sadd.s32 s10, s9  }
0xc: {  	s9 =	sshrl.u32 s25, $0x2;
	s8 =	smul.u32 $0x1800, s29;
	s10 =	ssub.s32 s28, s30  }
0xd: {  	s6 =	sshll.u32 s24, $0x4;
	s13 =	sadd.s32 s9, s2;
	s10 =	smax.u32 s10, $0x1  }
0xe: {  	s12 =	sadd.s32 s6, s5;
	s5 =	sadd.s32 s4, s6;
	s6 =	sor.u32 $0x1C06, s31  }
0xf: {  	s7 =	sadd.s32 s7, s8;
	s8 =	sadd.s32 $0xDE00, s11;
	s11 =	sshrl.u32 s13, $0x3  }
0x10: {  	s13 =	simm.s32 $0x1800;
	s9 =	sadd.s32 $0xC5E00, s12;
	s12 =	simm.s32 $0x6  }
.LBB2_1:
0x11: {  	[spmem:s11], [sflag:s6] =	dma.local [hbm:s5], $0x2800  }
0x12: {  	_ =	swait.ge [sflag:s12], $0x2800  }
0x13: {  	[sflag:s12] =	ssyncset.done $0x0  }
0x14: {  	[sflag:s12] =	ssyncadd.s32 $0xFFFFD800  }
0x15: {  	[bflag:$0x0] =	sbarrier.arrive $0xFFFF  }
0x16: {  	[tilespmem:s3], [sflag:$0x5] =	stream.linear.gather [hbm4b:s7+s3], $0xA00, $0x38;
	[tilespmem:$0x1F000] =	vst v63  }
0x17: {  	p0 =	por $0x0, $0x0;
	s20 =	simm.s32 $0x0  }
0x18: {  	[tilespmem:s13], [sflag:$0x5] =	stream.linear.gather [hbm4b:s8+s3], $0xA00, $0x38;
	[tilespmem:$0x1F000] =	vst v63  }
.LBB2_3:
0x19: {  	_ =	swait.ge [sflag:s14], $0xA00  }
0x1a: {  	s21 =	smov.u32 s20;
	s22 =	sand.u32 $0x1, s20;
	[sflag:s14] =	ssyncset.done $0x0  }
0x1b: {  	s20 =	sadd.s32 $0x1, s20;
	p1 =	seq.s32 s21, $0xF;
	[sflag:s14] =	ssyncadd.s32 $0xFFFFF600  }
0x1c: {  	s21 =	sxor.u32 @!p1 $0x1, s22;
	s23 =	smul.u32 @!p1 $0x180, s20;
	_ =	swait.ge [sflag:s14], $0xA00  }
0x1d: {  	s21 =	smul.u32 @!p1 $0xC00, s21;
	[sflag:s14] =	ssyncset.done $0x0  }
0x1e: {  	s25 =	simm.s32 @!p1 $0x0;
	s24 =	sadd.s32 @!p1 s7, s23;
	[sflag:s14] =	ssyncadd.s32 $0xFFFFF600  }
0x1f: {  	[tilespmem:s21], [sflag:$0x5] =	stream.linear.gather @!p1 [hbm4b:s24+s25], $0xA00, $0x38;
	[tilespmem:$0x1F000] =	vst v63  }
0x20: {  	s22 =	smul.u32 $0xC00, s22;
	s23 =	sadd.s32 @!p1 s8, s23;
	s21 =	sadd.s32 @!p1 $0x1800, s21  }
0x21: {  	[tilespmem:s21], [sflag:$0x5] =	stream.linear.gather @!p1 [hbm4b:s23+s25], $0xA00, $0x38;
	[tilespmem:$0x1F000] =	vst v63  }
0x22: {  	_ = 	snop  }
0x23: {  	[tilespmem:s16], [sflag:$0x1] =	stream.indirect.gather [hbm4b:s4+s15], $0x80, s22, s15, $0xb8;
	[tilespmem:$0x1F000] =	vst v63  }
0x24: {  	s30 =	simm.s32 $0x0;
	s29 =	sadd.s32 $0x80, s22;
	s21 =	simm.s32 $0x1  }
0x25: {  	[tilespmem:s17], [sflag:$0x2] =	stream.indirect.gather [hbm4b:s4+s15], $0x80, s29, s15, $0xb8;
	[tilespmem:$0x1F000] =	vst v63  }
0x26: {  	s23 =	simm.s32 $0x3;
	p1 =	por $0x0, $0x0;
	s22 =	sadd.s32 $0x100, s22  }
0x27: {  	[tilespmem:s18], [sflag:$0x3] =	stream.indirect.gather [hbm4b:s4+s15], $0x80, s22, s15, $0xb8;
	[tilespmem:$0x1F000] =	vst v63  }
0x28: {  	s21 =	simm.s32 @!p0 $0x0;
	s23 =	sand.u32 @!p1 $0x3, s23;
	s22 =	sand.u32 $0x3, s30  }
0x29: {  	s21 =	smul.u32 $0x3000, s21;
	s26 =	sshll.u32 @!p1 s23, $0xD;
	s31 =	sadd.s32 $0x1, s22  }
0x2a: {  	s23 =	sadd.s32 @!p1 $0x1, s23;
	s24 =	sadd.s32 @!p1 $0x3000, s26;
	_ =	swait.ge [sflag:s31], $0x2000  }
0x2b: {  	s26 =	simm.s32 @!p1 $0x40;
	s21 =	sshrl.u32 s21, $0x2;
	[sflag:s31] =	ssyncset.done $0x0  }
0x2c: {  	s25 =	sor.u32 $0x180, s21;
	s22 =	sshll.u32 s22, $0xD;
	[sflag:s31] =	ssyncadd.s32 $0xFFFFE000  }
0x2d: {  	[tilespmem:s24], [sflag:s23] =	stream.indirect.gather @!p1 [hbm4b:s4+s26], $0x80, s25, s26, $0xb8;
	[tilespmem:$0x1F000] =	vst v63  }
0x2e: {  	s21 =	sadd.s32 $0x1800, s21;
	s22 =	sadd.s32 $0x3000, s22  }
0x2f: {  	[spmem:s2] =	stream.indirect.scatter.add.f32 [tilespmem:s22], [sflag:$0x6], $0x80, s21, s15, $0xb8;
	[tilespmem:$0x1F000] =	vst v63  }
0x30: {  	s23 =	simm.s32 $0x4;
	s24 =	simm.s32 $0x5;
	_ =	swait.ge [sflag:s12], $0x2000  }
0x31: {  	s22 =	sadd.s32 $0x80, s25;
	s21 =	sadd.s32 $0x80, s21;
	[sflag:s12] =	ssyncset.done $0x0  }
.LBB2_4:
0x32: {  	s25 =	sadd.s32 $0xFFFFFFFD, s23  }
0x33: {  	[sflag:s12] =	ssyncadd.s32 $0xFFFFE000;
	s26 =	smov.u32 s24;
	s24 =	sadd.s32 $0x1, s24  }
0x34: {  	p1 =	seq.s32 s24, $0x17;
	s28 =	sand.u32 $0x3, s25;
	p2 =	sgt.u32 s25, $0x10  }
0x35: {  	s25 =	sshll.u32 s28, $0xD;
	s28 =	sadd.s32 $0x1, s28;
	s23 =	sand.u32 @!p2 $0x3, s23  }
0x36: {  	_ =	swait.ge [sflag:s28], $0x2000;
	s29 =	sshll.u32 @!p2 s23, $0xD;
	s30 =	sadd.s32 @!p2 $0x1, s23  }
0x37: {  	s23 =	smov.u32 s26;
	[sflag:s28] =	ssyncset.done $0x0  }
0x38: {  	s26 =	sadd.s32 @!p2 $0x3000, s29;
	[sflag:s28] =	ssyncadd.s32 $0xFFFFE000;
	s28 =	simm.s32 @!p2 $0x40  }
0x39: {  	[tilespmem:s26], [sflag:s30] =	stream.indirect.gather @!p2 [hbm4b:s4+s28], $0x80, s22, s28, $0xb8;
	[tilespmem:$0x1F000] =	vst v63  }
.Ltmp0:
0x3a: {  	_ = 	snop;
	(pc) =	sbr.rel @!p1 .LBB2_4-.Ltmp0, $4  }
0x3b: {  	s25 =	sadd.s32 $0x3000, s25  }
0x3c: {  	[spmem:s2] =	stream.indirect.scatter.add.f32 [tilespmem:s25], [sflag:$0x6], $0x80, s21, s15, $0xb8;
	[tilespmem:$0x1F000] =	vst v63  }
0x3d: {  	_ =	swait.ge [sflag:s12], $0x2000  }
0x3e: {  	s22 =	sadd.s32 $0x80, s22;
	s21 =	sadd.s32 $0x80, s21;
	[sflag:s12] =	ssyncset.done $0x0  }
0x3f: {  	s24 =	sadd.s32 $0xFFFFFFFD, s23  }
0x40: {  	s25 =	sand.u32 $0x3, s24  }
0x41: {  	[sflag:s12] =	ssyncadd.s32 $0xFFFFE000;
	p1 =	sgt.u32 s24, $0x10;
	s30 =	sadd.s32 $0x1, s25  }
0x42: {  	s25 =	sshll.u32 s25, $0xD;
	s23 =	sand.u32 @!p1 $0x3, s23;
	_ =	swait.ge [sflag:s30], $0x2000  }
0x43: {  	s26 =	sshll.u32 @!p1 s23, $0xD;
	s23 =	sadd.s32 @!p1 $0x1, s23;
	[sflag:s30] =	ssyncset.done $0x0  }
0x44: {  	s24 =	sadd.s32 @!p1 $0x3000, s26;
	s26 =	simm.s32 @!p1 $0x40;
	[sflag:s30] =	ssyncadd.s32 $0xFFFFE000  }
0x45: {  	[tilespmem:s24], [sflag:s23] =	stream.indirect.gather @!p1 [hbm4b:s4+s26], $0x80, s22, s26, $0xb8;
	[tilespmem:$0x1F000] =	vst v63  }
0x46: {  	s31 =	sadd.s32 $0x3000, s25  }
0x47: {  	[spmem:s2] =	stream.indirect.scatter.add.f32 [tilespmem:s31], [sflag:$0x6], $0x80, s21, s15, $0xb8;
	[tilespmem:$0x1F000] =	vst v63  }
0x48: {  	_ =	swait.ge [sflag:s12], $0x2000  }
0x49: {  	[sflag:s12] =	ssyncset.done $0x0  }
0x4a: {  	[sflag:s12] =	ssyncadd.s32 $0xFFFFE000  }
0x4b: {  	p1 =	seq.s32 s20, $0x10  }
.Ltmp1:
0x4c: {  	_ = 	snop;
	(pc) =	sbr.rel @!p1 .LBB2_3-.Ltmp1, $2  }
0x4d: {  	_ =	sdelay $0x2  }
0x4e: {  	p0 =	por !p0, !p0  }
0x4f: {  	s19 =	sadd.s32 $0x1, s19  }
0x50: {  	p0 =	sne.s32 s19, s10  }
.Ltmp2:
0x51: {  	[bflag:$0x0] =	sbarrier.arrive $0xFFFF;
	(pc) =	sbr.rel @p0 .LBB2_1-.Ltmp2, $4  }
0x52: {  	[hbm:s9], [sflag:s6] =	dma.local [spmem:s11], $0x2800  }
0x53: {  	_ =	swait.ge [sflag:s12], $0x2800  }
0x54: {  	[sflag:s12] =	ssyncset.done $0x0  }
0x55: {  	[sflag:s12] =	ssyncadd.s32 $0xFFFFD800  }
0x56: {  	_ =	sfence.sel $0x180000  }
0x57: {  	[bflag:$0x0] =	sbarrier.arrive $0xFFFF  }
0x58: {  	p0 =	sne.s32 s0, $0x0;
	_ =	strace $0x9000004D  }
0x59: {  	s0 =	sadd.s32 @!p0 $0x100000, s1;
	[bflag:$0x2] =	sbarrier.arrive $0xFFFF  }
0x5a: {  	[sflag:s0] =	ssyncadd.tile.s32 @!p0 $0x1;
	_ =	shalt  }
.Lfunc_end2:
_tile_overlayer_lowered:
.L_overlay_start_2:
0x5b: {  	(tag) =	ssettag $0x2  }
0x5c: {  	s0 =	rddreg [dreg:$0x0];
	s2 =	stileid.u32  }
0x5d: {  	s1 =	rddreg [dreg:$0x1];
	p0 =	sne.s32 s2, $0x0  }
0x5e: {  	s3 =	rddreg [dreg:$0x2];
	[bflag:$0x3] =	sbarrier.arrive $0xFFFF;
	s2 =	simm.s32 @!p0 $0x1C06  }
0x5f: {  	[timem:s3], [sflag:s2] =	dma.local @!p0 [hbm:s0], s1  }
0x60: {  	s0 =	simm.s32 @!p0 $0x6  }
0x61: {  	_ =	swait.ge @!p0 [sflag:s0], s1  }
0x62: {  	s1 =	ssub.s32 @!p0 $0x0, s1;
	[sflag:s0] =	ssyncset.done @!p0 $0x0  }
0x63: {  	[sflag:s0] =	ssyncadd.s32 @!p0 s1  }
0x64: {  	[bflag:$0x3] =	sbarrier.arrive $0xFFFF  }
0x65: {  	_ =	shalt  }

// kernel: kernel.19.cloned.1.call-start
scs
__scs_entry_jumppad:
0x0: {  	(pc) =	sbr.rel $0x88, $3  }
0x1: {  	(tag) =	ssettag $0x0;
	lr =	simm.s32 $0x1  }
0x2: {  	[smem:$0x3F99] =	sst lr;
	_ =	strace $0xD0000000  }
0x3: {  	_ = 	snop  }
0x4: {  	_ = 	snop  }
0x5: {  	_ = 	snop  }
0x6: {  	_ = 	snop  }
0x7: {  	_ = 	snop  }
__scs_overlays_trampoline_lowered:
0x8: {  	[smem:$0x3FA8] =	sst s0  }
0x9: {  	[smem:$0x3FA9] =	sst s1  }
0xa: {  	[smem:$0x3FAA] =	sst s2  }
0xb: {  	[smem:$0x3FAB] =	sst s3  }
0xc: {  	[smem:$0x3FAC] =	sst s4  }
0xd: {  	[smem:$0x3FAD] =	sst s5  }
0xe: {  	[smem:$0x3FAE] =	sst s6  }
0xf: {  	[smem:$0x3FAF] =	sst s7  }
0x10: {  	[smem:$0x3FB0] =	sst s8  }
0x11: {  	[smem:$0x3FB1] =	sst s9;
	s0 =	simm.s32 @!p0 $0x0  }
0x12: {  	s1 =	sld [smem:$0x3F97];
	s0 =	simm.s32 @p0 $0x1  }
0x13: {  	[smem:$0x3FB2] =	sst s0;
	s0 =	simm.s32 @!p1 $0x0  }
0x14: {  	s2 =	sld [smem:$0x3F96];
	s0 =	simm.s32 @p1 $0x1  }
0x15: {  	[smem:$0x3FB3] =	sst s0;
	s0 =	simm.s32 @!p2 $0x0  }
0x16: {  	s3 =	sld [smem:$0x3FDB];
	s0 =	simm.s32 @p2 $0x1  }
0x17: {  	s4 =	simm.s32 $0x1BF5;
	[smem:$0x3FB5] =	sst s0  }
0x18: {  	s0 =	sld [smem:$0x3F98];
	_ =	swait.ge [sflag:s4], $0x0  }
0x19: {  	s7 =	sld [smem:$0x3F99]  }
0x1a: {  	s8 =	sadd.s32 $0xFFFFE003, lr  }
0x1b: {  	s9 =	sadd.s32 $0xFFFFFEF7, lr;
	s5 =	simm.s32 $0xFFFFFFFF;
	p2 =	slt.u32 s8, $0xFFFFF086  }
0x1c: {  	p1 =	slt.u32 s9, $0xF7A;
	s5 =	simm.s32 @!p2 $0x0  }
0x1d: {  	s5 =	simm.s32 @p1 $0x1;
	p0 =	seq.s32 s7, s2  }
0x1e: {  	s7 =	smul.u32 @!p0 $0xF7A, s2;
	p2 =	seq.s32 @!p0 s5, $0x0  }
0x1f: {  	s9 =	smul.u32 $0xF7A, s1;
	s8 =	simm.s32 @!p0 $0x1BF5;
	p2 =	por !p2, p0  }
0x20: {  	[sflag:s8] =	ssyncset.s32 @!p0 $0xFFFFF086;
	s6 =	sadd.s32 @!p0 s3, s7;
	s7 =	simm.s32 @!p0 $0x108  }
0x21: {  	s3 =	sadd.s32 s3, s9;
	s6 =	sadd.s32 @!p0 $0x88, s6;
	s7 =	simm.s32 @p2 $0x1082  }
0x22: {  	[simem:s7], [sflag:s8] =	dma.local @!p0 [hbm:s6], $0xF7A  }
0x23: {  	s9 =	sor.u32 $0xD0000000, s2;
	s6 =	simm.s32 $0x108;
	_ =	swait.ge @!p0 [sflag:s8], $0x0  }
0x24: {  	s3 =	sadd.s32 $0x88, s3;
	s6 =	simm.s32 @!p1 $0x1082;
	[sflag:s4] =	ssyncset.s32 $0xFFFFF086  }
0x25: {  	[simem:s6], [sflag:s4] =	dma.local [hbm:s3], $0xF7A  }
0x26: {  	[smem:$0x3F99] =	sst s1;
	(tag) =	ssettag s2;
	_ =	strace s9  }
0x27: {  	s1 =	sld [smem:$0x3FA9]  }
0x28: {  	s2 =	sld [smem:$0x3FAA]  }
0x29: {  	s4 =	sld [smem:$0x3FAC]  }
0x2a: {  	p0 =	seq.s32 s5, $0x0;
	s5 =	sld [smem:$0x3FAD]  }
0x2b: {  	s6 =	sld [smem:$0x3FAE]  }
0x2c: {  	s7 =	sld [smem:$0x3FAF]  }
0x2d: {  	s3 =	simm.s32 $0x108;
	s8 =	sld [smem:$0x3FB0]  }
0x2e: {  	s3 =	simm.s32 @!p0 $0x1082;
	s9 =	sld [smem:$0x3FB1]  }
0x2f: {  	lr =	sadd.s32 s0, s3;
	s0 =	sld [smem:$0x3FA8]  }
0x30: {  	s3 =	sld [smem:$0x3FAB]  }
0x31: {  	[smem:$0x3FB4] =	sst s10  }
0x32: {  	s10 =	sld [smem:$0x3FB2];
	_ =	sdelay $0x3  }
0x33: {  	p0 =	seq.s32 s10, $0x1;
	s10 =	sld [smem:$0x3FB4];
	_ =	sdelay $0x3  }
0x34: {  	[smem:$0x3FB4] =	sst s10  }
0x35: {  	s10 =	sld [smem:$0x3FB3];
	_ =	sdelay $0x3  }
0x36: {  	p1 =	seq.s32 s10, $0x1;
	s10 =	sld [smem:$0x3FB4];
	_ =	sdelay $0x3  }
0x37: {  	[smem:$0x3FB4] =	sst s10  }
0x38: {  	s10 =	sld [smem:$0x3FB5]  }
0x39: {  	_ = 	snop;
	(pc) =	sbr.ind lr, $3  }
0x3a: {  	_ = 	snop  }
0x3b: {  	_ = 	snop  }
0x3c: {  	p2 =	seq.s32 s10, $0x1;
	s10 =	sld [smem:$0x3FB4]  }
0x3d: {  	_ =	shalt  }
0x3e: {  	_ =	shalt  }
0x3f: {  	_ =	shalt  }
0x40: {  	_ =	shalt  }
0x41: {  	_ =	shalt  }
0x42: {  	_ =	shalt  }
0x43: {  	_ =	shalt  }
0x44: {  	_ =	shalt  }
0x45: {  	_ =	shalt  }
0x46: {  	_ =	shalt  }
0x47: {  	_ =	shalt  }
0x48: {  	_ =	shalt  }
0x49: {  	_ =	shalt  }
0x4a: {  	_ =	shalt  }
0x4b: {  	_ =	shalt  }
0x4c: {  	_ =	shalt  }
0x4d: {  	_ =	shalt  }
0x4e: {  	_ =	shalt  }
0x4f: {  	_ =	shalt  }
0x50: {  	_ =	shalt  }
0x51: {  	_ =	shalt  }
0x52: {  	_ =	shalt  }
0x53: {  	_ =	shalt  }
0x54: {  	_ =	shalt  }
0x55: {  	_ =	shalt  }
0x56: {  	_ =	shalt  }
0x57: {  	_ =	shalt  }
0x58: {  	_ =	shalt  }
0x59: {  	_ =	shalt  }
0x5a: {  	_ =	shalt  }
0x5b: {  	_ =	shalt  }
0x5c: {  	_ =	shalt  }
0x5d: {  	_ =	shalt  }
0x5e: {  	_ =	shalt  }
0x5f: {  	_ =	shalt  }
0x60: {  	_ =	shalt  }
0x61: {  	_ =	shalt  }
0x62: {  	_ =	shalt  }
0x63: {  	_ =	shalt  }
0x64: {  	_ =	shalt  }
0x65: {  	_ =	shalt  }
0x66: {  	_ =	shalt  }
0x67: {  	_ =	shalt  }
0x68: {  	_ =	shalt  }
0x69: {  	_ =	shalt  }
0x6a: {  	_ =	shalt  }
0x6b: {  	_ =	shalt  }
0x6c: {  	_ =	shalt  }
0x6d: {  	_ =	shalt  }
0x6e: {  	_ =	shalt  }
0x6f: {  	_ =	shalt  }
0x70: {  	_ =	shalt  }
0x71: {  	_ =	shalt  }
0x72: {  	_ =	shalt  }
0x73: {  	_ =	shalt  }
0x74: {  	_ =	shalt  }
0x75: {  	_ =	shalt  }
0x76: {  	_ =	shalt  }
0x77: {  	_ =	shalt  }
0x78: {  	_ =	shalt  }
0x79: {  	_ =	shalt  }
0x7a: {  	_ =	shalt  }
0x7b: {  	_ =	shalt  }
0x7c: {  	_ =	shalt  }
0x7d: {  	_ =	shalt  }
0x7e: {  	_ =	shalt  }
0x7f: {  	_ =	shalt  }
0x80: {  	_ =	shalt  }
0x81: {  	_ =	shalt  }
0x82: {  	_ =	shalt  }
0x83: {  	_ =	shalt  }
0x84: {  	_ =	shalt  }
0x85: {  	_ =	shalt  }
0x86: {  	_ =	shalt  }
0x87: {  	_ =	shalt  }
.Lfunc_end0:
.L_simem_size_0:
called_computation.3_lowered:
.L_overlay_start_0:
0x88: {  	s2 =	sld [smem:$0x3FD9]  }
0x89: {  	s3 =	sld [smem:$0x3FFE];
	_ =	sdelay $0x1  }
0x8a: {  	s1 =	srdreg.scid  }
0x8b: {  	s0 =	sand.u32 $0x1, s1  }
0x8c: {  	s17 =	sshll.u32 s0, $0xA;
	s2 =	sadd.s32 s3, s2  }
0x8d: {  	s2 =	sadd.s32 s2, s17  }
0x8e: {  	[smem:$0x3FC0] =	sst s2  }
0x8f: {  	_ = 	snop  }
0x90: {  	s2 =	sld [smem:$0x3FD0];
	(tm) =	ssettm $0x1  }
0x91: {  	s18 =	sld [smem:$0x3FFB];
	_ =	sdelay $0x3  }
0x92: {  	_ =	strace s18  }
0x93: {  	s3 =	sld [smem:$0x3FFC];
	_ =	sdelay $0x3  }
0x94: {  	_ =	strace s3  }
0x95: {  	s3 =	sld [smem:$0x3FFD];
	_ =	sdelay $0x3  }
0x96: {  	_ =	strace s3  }
0x97: {  	_ =	strace $0x8FFFFFFF  }
0x98: {  	s19 =	sld [smem:$0x3FDB];
	_ =	sdelay $0x1  }
0x99: {  	s4 =	simm.s32 $_scs_section_size  }
0x9a: {  	s5 =	simm.s32 $_size__tile_overlayer_lowered;
	s6 =	simm.s32 $_tile_overlayer_lowered  }
0x9b: {  	s22 =	simm.s32 $0x1BFF;
	s21 =	sshll.u32 s6, $0x1;
	s3 =	sadd.s32 s4, s19  }
0x9c: {  	s7 =	simm.s32 $0x0;
	s20 =	sshll.u32 s5, $0x1;
	s5 =	sadd.s32 s21, s3  }
0x9d: {  	[timem:s7], [sflag:s22] =	dma.local [hbm:s5], s20  }
0x9e: {  	_ =	swait.ge [sflag:s22], s20  }
0x9f: {  	s4 =	ssub.s32 $0x0, s20;
	[sflag:s22] =	ssyncset.done $0x0  }
0xa0: {  	[sflag:s22] =	ssyncadd.s32 s4;
	_ =	sdelay $0x1  }
0xa1: {  	s23 =	simm.s32 $0x1B8B  }
0xa2: {  	_ =	swait.ge [sflag:s23], $0x1  }
0xa3: {  	[sflag:s23] =	ssyncset.done $0x0  }
0xa4: {  	s25 =	simm.s32 $0x1B8E;
	s24 =	sld [smem:$0x3FFE];
	[sflag:s23] =	ssyncadd.s32 $0xFFFFFFFF  }
0xa5: {  	s26 =	simm.s32 $execute0_lowered;
	[smem:$0x3FD2] =	sst s25  }
0xa6: {  	s5 =	sshll.u32 s26, $0x1;
	_ =	strace $0x8000004F;
	[dreg:$0x1] =	wrdreg $0xFFFFFFFF  }
0xa7: {  	s28 =	simm.s32 $_size_execute0_lowered;
	s3 =	sadd.s32 s3, s5;
	[dreg:$0x0] =	wrdreg $0x0  }
0xa8: {  	s5 =	sshll.u32 s28, $0x1;
	[dreg:$0x2] =	wrdreg s3  }
0xa9: {  	[dreg:$0x3] =	wrdreg s5  }
0xaa: {  	[dreg:$0x4] =	wrdreg $0xC0  }
0xab: {  	_ =	task [dreg:s7], $0x5FFFF  }
0xac: {  	[dreg:$0x1] =	wrdreg $0xFFFFFFFF  }
0xad: {  	[dreg:$0x0] =	wrdreg $0x60  }
0xae: {  	[dreg:$0x2] =	wrdreg s24  }
0xaf: {  	[dreg:$0x3] =	wrdreg s2  }
0xb0: {  	[dreg:$0x4] =	wrdreg $0xB0000  }
0xb1: {  	[dreg:$0x5] =	wrdreg $0x9  }
0xb2: {  	_ =	task.clear_ibuf [dreg:s7], $0x6FFFF;
	_ =	strace $0x9000004F  }
0xb3: {  	s29 =	simm.s32 $0x9;
	_ =	strace $0x80000051  }
0xb4: {  	_ =	swait.ge [sflag:s29], $0x1  }
0xb5: {  	[sflag:s29] =	ssyncadd.s32 $0xFFFFFFFF  }
0xb6: {  	_ =	strace $0x90000051  }
0xb7: {  	_ =	sfence  }
0xb8: {  	s30 =	sld [smem:$0x0];
	_ =	sdelay $0x2  }
0xb9: {  	s31 =	sshll.u32 s1, $0xD;
	s1 =	sshrl.u32 s1, $0x2  }
0xba: {  	s3 =	sand.u32 $0x4000, s31;
	s1 =	sadd.s32 s1, s30  }
0xbb: {  	s0 =	sor.u32 s3, s0;
	s1 =	sshll.u32 s1, $0x11  }
0xbc: {  	s0 =	sor.u32 s1, s0  }
0xbd: {  	s0 =	sadd.s32 $0x8F2B, s0  }
0xbe: {  	[sflag:s0] =	ssyncadd.remote.s32 $0x1  }
0xbf: {  	_ =	sfence.sel $0xFFFF  }
0xc0: {  	[dreg:$0x0] =	wrdreg $0xFFFFFFFF;
	(pc) =	sbr.abs _section_cstart, $3  }
0xc1: {  	[dreg:$0x1] =	wrdreg $0xFFFFFFFF  }
0xc2: {  	_ =	task.clear_ibuf [dreg:s7], $0x2FFFF;
	_ =	strace $0x9FFFFFFF  }
0xc3: {  	(tm) =	ssettm $0x7FFFFFFF  }
tec
execute0_lowered:
.L_overlay_start_1:
0x0: {  	(tag) =	ssettag $0x1  }
0x1: {  	s5 =	rddreg [dreg:$0x0]  }
0x2: {  	s7 =	rddreg [dreg:$0x1]  }
0x3: {  	s0 =	stileid.u32;
	s1 =	srdreg.scid  }
0x4: {  	s2 =	rddreg [dreg:$0x2];
	s3 =	simm.s32 $0x0;
	s14 =	simm.s32 $0x5  }
0x5: {  	s15 =	simm.s32 $0x40;
	s16 =	simm.s32 $0x3000;
	s17 =	simm.s32 $0x5000  }
0x6: {  	s18 =	simm.s32 $0x7000;
	s19 =	simm.s32 $0x0;
	s6 =	smul.u32 $0x1800, s0  }
0x7: {  	s8 =	sand.u32 $0x1, s1;
	s1 =	rddreg [dreg:$0x3];
	s10 =	smul.u32 $0x280, s0  }
0x8: {  	[smem:$0x7FF] =	sst s3;
	s4 =	sadd.s32 $0x75E00, s5;
	s25 =	smul.u32 $0x50000, s0  }
0x9: {  	s31 =	sshll.u32 s0, $0x6;
	s9 =	smul.u32 $0x2800, s8;
	_ =	strace $0x80000050  }
0xa: {  	s26 =	sshll.u32 s8, $0x4;
	s28 =	ssub.s32 $0x2, s8;
	s11 =	sadd.s32 s6, s5  }
0xb: {  	s29 =	sor.u32 s0, s26;
	s30 =	sshrl.u32 s28, $0x1;
	s24 =	sadd.s32 s10, s9  }
0xc: {  	s9 =	sshrl.u32 s25, $0x2;
	s8 =	smul.u32 $0x1800, s29;
	s10 =	ssub.s32 s28, s30  }
0xd: {  	s6 =	sshll.u32 s24, $0x4;
	s13 =	sadd.s32 s9, s2;
	s10 =	smax.u32 s10, $0x1  }
0xe: {  	s12 =	sadd.s32 s6, s5;
	s5 =	sadd.s32 s4, s6;
	s6 =	sor.u32 $0x1C06, s31  }
0xf: {  	s7 =	sadd.s32 s7, s8;
	s8 =	sadd.s32 $0xDE00, s11;
	s11 =	sshrl.u32 s13, $0x3  }
0x10: {  	s13 =	simm.s32 $0x1800;
	s9 =	sadd.s32 $0xC5E00, s12;
	s12 =	simm.s32 $0x6  }
.LBB2_1:
0x11: {  	[spmem:s11], [sflag:s6] =	dma.local [hbm:s5], $0x2800  }
0x12: {  	_ =	swait.ge [sflag:s12], $0x2800  }
0x13: {  	[sflag:s12] =	ssyncset.done $0x0  }
0x14: {  	[sflag:s12] =	ssyncadd.s32 $0xFFFFD800  }
0x15: {  	[bflag:$0x0] =	sbarrier.arrive $0xFFFF  }
0x16: {  	[tilespmem:s3], [sflag:$0x5] =	stream.linear.gather [hbm4b:s7+s3], $0xA00, $0x38;
	[tilespmem:$0x1F000] =	vst v63  }
0x17: {  	p0 =	por $0x0, $0x0;
	s20 =	simm.s32 $0x0  }
0x18: {  	[tilespmem:s13], [sflag:$0x5] =	stream.linear.gather [hbm4b:s8+s3], $0xA00, $0x38;
	[tilespmem:$0x1F000] =	vst v63  }
.LBB2_3:
0x19: {  	_ =	swait.ge [sflag:s14], $0xA00  }
0x1a: {  	s21 =	smov.u32 s20;
	s22 =	sand.u32 $0x1, s20;
	[sflag:s14] =	ssyncset.done $0x0  }
0x1b: {  	s20 =	sadd.s32 $0x1, s20;
	p1 =	seq.s32 s21, $0xF;
	[sflag:s14] =	ssyncadd.s32 $0xFFFFF600  }
0x1c: {  	s21 =	sxor.u32 @!p1 $0x1, s22;
	s23 =	smul.u32 @!p1 $0x180, s20;
	_ =	swait.ge [sflag:s14], $0xA00  }
0x1d: {  	s21 =	smul.u32 @!p1 $0xC00, s21;
	[sflag:s14] =	ssyncset.done $0x0  }
0x1e: {  	s25 =	simm.s32 @!p1 $0x0;
	s24 =	sadd.s32 @!p1 s7, s23;
	[sflag:s14] =	ssyncadd.s32 $0xFFFFF600  }
0x1f: {  	[tilespmem:s21], [sflag:$0x5] =	stream.linear.gather @!p1 [hbm4b:s24+s25], $0xA00, $0x38;
	[tilespmem:$0x1F000] =	vst v63  }
0x20: {  	s22 =	smul.u32 $0xC00, s22;
	s23 =	sadd.s32 @!p1 s8, s23;
	s21 =	sadd.s32 @!p1 $0x1800, s21  }
0x21: {  	[tilespmem:s21], [sflag:$0x5] =	stream.linear.gather @!p1 [hbm4b:s23+s25], $0xA00, $0x38;
	[tilespmem:$0x1F000] =	vst v63  }
0x22: {  	_ = 	snop  }
0x23: {  	[tilespmem:s16], [sflag:$0x1] =	stream.indirect.gather [hbm4b:s4+s15], $0x80, s22, s15, $0xb8;
	[tilespmem:$0x1F000] =	vst v63  }
0x24: {  	s30 =	simm.s32 $0x0;
	s29 =	sadd.s32 $0x80, s22;
	s21 =	simm.s32 $0x1  }
0x25: {  	[tilespmem:s17], [sflag:$0x2] =	stream.indirect.gather [hbm4b:s4+s15], $0x80, s29, s15, $0xb8;
	[tilespmem:$0x1F000] =	vst v63  }
0x26: {  	s23 =	simm.s32 $0x3;
	p1 =	por $0x0, $0x0;
	s22 =	sadd.s32 $0x100, s22  }
0x27: {  	[tilespmem:s18], [sflag:$0x3] =	stream.indirect.gather [hbm4b:s4+s15], $0x80, s22, s15, $0xb8;
	[tilespmem:$0x1F000] =	vst v63  }
0x28: {  	s21 =	simm.s32 @!p0 $0x0;
	s23 =	sand.u32 @!p1 $0x3, s23;
	s22 =	sand.u32 $0x3, s30  }
0x29: {  	s21 =	smul.u32 $0x3000, s21;
	s26 =	sshll.u32 @!p1 s23, $0xD;
	s31 =	sadd.s32 $0x1, s22  }
0x2a: {  	s23 =	sadd.s32 @!p1 $0x1, s23;
	s24 =	sadd.s32 @!p1 $0x3000, s26;
	_ =	swait.ge [sflag:s31], $0x2000  }
0x2b: {  	s26 =	simm.s32 @!p1 $0x40;
	s21 =	sshrl.u32 s21, $0x2;
	[sflag:s31] =	ssyncset.done $0x0  }
0x2c: {  	s25 =	sor.u32 $0x180, s21;
	s22 =	sshll.u32 s22, $0xD;
	[sflag:s31] =	ssyncadd.s32 $0xFFFFE000  }
0x2d: {  	[tilespmem:s24], [sflag:s23] =	stream.indirect.gather @!p1 [hbm4b:s4+s26], $0x80, s25, s26, $0xb8;
	[tilespmem:$0x1F000] =	vst v63  }
0x2e: {  	s21 =	sadd.s32 $0x1800, s21;
	s22 =	sadd.s32 $0x3000, s22  }
0x2f: {  	[spmem:s2] =	stream.indirect.scatter.add.f32 [tilespmem:s22], [sflag:$0x6], $0x80, s21, s15, $0xb8;
	[tilespmem:$0x1F000] =	vst v63  }
0x30: {  	s23 =	simm.s32 $0x4;
	s24 =	simm.s32 $0x5;
	_ =	swait.ge [sflag:s12], $0x2000  }
0x31: {  	s22 =	sadd.s32 $0x80, s25;
	s21 =	sadd.s32 $0x80, s21;
	[sflag:s12] =	ssyncset.done $0x0  }
.LBB2_4:
0x32: {  	s25 =	sadd.s32 $0xFFFFFFFD, s23  }
0x33: {  	[sflag:s12] =	ssyncadd.s32 $0xFFFFE000;
	s26 =	smov.u32 s24;
	s24 =	sadd.s32 $0x1, s24  }
0x34: {  	p1 =	seq.s32 s24, $0x17;
	s28 =	sand.u32 $0x3, s25;
	p2 =	sgt.u32 s25, $0x10  }
0x35: {  	s25 =	sshll.u32 s28, $0xD;
	s28 =	sadd.s32 $0x1, s28;
	s23 =	sand.u32 @!p2 $0x3, s23  }
0x36: {  	_ =	swait.ge [sflag:s28], $0x2000;
	s29 =	sshll.u32 @!p2 s23, $0xD;
	s30 =	sadd.s32 @!p2 $0x1, s23  }
0x37: {  	s23 =	smov.u32 s26;
	[sflag:s28] =	ssyncset.done $0x0  }
0x38: {  	s26 =	sadd.s32 @!p2 $0x3000, s29;
	[sflag:s28] =	ssyncadd.s32 $0xFFFFE000;
	s28 =	simm.s32 @!p2 $0x40  }
0x39: {  	[tilespmem:s26], [sflag:s30] =	stream.indirect.gather @!p2 [hbm4b:s4+s28], $0x80, s22, s28, $0xb8;
	[tilespmem:$0x1F000] =	vst v63  }
.Ltmp0:
0x3a: {  	_ = 	snop;
	(pc) =	sbr.rel @!p1 .LBB2_4-.Ltmp0, $4  }
0x3b: {  	s25 =	sadd.s32 $0x3000, s25  }
0x3c: {  	[spmem:s2] =	stream.indirect.scatter.add.f32 [tilespmem:s25], [sflag:$0x6], $0x80, s21, s15, $0xb8;
	[tilespmem:$0x1F000] =	vst v63  }
0x3d: {  	_ =	swait.ge [sflag:s12], $0x2000  }
0x3e: {  	s22 =	sadd.s32 $0x80, s22;
	s21 =	sadd.s32 $0x80, s21;
	[sflag:s12] =	ssyncset.done $0x0  }
0x3f: {  	s24 =	sadd.s32 $0xFFFFFFFD, s23  }
0x40: {  	s25 =	sand.u32 $0x3, s24  }
0x41: {  	[sflag:s12] =	ssyncadd.s32 $0xFFFFE000;
	p1 =	sgt.u32 s24, $0x10;
	s30 =	sadd.s32 $0x1, s25  }
0x42: {  	s25 =	sshll.u32 s25, $0xD;
	s23 =	sand.u32 @!p1 $0x3, s23;
	_ =	swait.ge [sflag:s30], $0x2000  }
0x43: {  	s26 =	sshll.u32 @!p1 s23, $0xD;
	s23 =	sadd.s32 @!p1 $0x1, s23;
	[sflag:s30] =	ssyncset.done $0x0  }
0x44: {  	s24 =	sadd.s32 @!p1 $0x3000, s26;
	s26 =	simm.s32 @!p1 $0x40;
	[sflag:s30] =	ssyncadd.s32 $0xFFFFE000  }
0x45: {  	[tilespmem:s24], [sflag:s23] =	stream.indirect.gather @!p1 [hbm4b:s4+s26], $0x80, s22, s26, $0xb8;
	[tilespmem:$0x1F000] =	vst v63  }
0x46: {  	s31 =	sadd.s32 $0x3000, s25  }
0x47: {  	[spmem:s2] =	stream.indirect.scatter.add.f32 [tilespmem:s31], [sflag:$0x6], $0x80, s21, s15, $0xb8;
	[tilespmem:$0x1F000] =	vst v63  }
0x48: {  	_ =	swait.ge [sflag:s12], $0x2000  }
0x49: {  	[sflag:s12] =	ssyncset.done $0x0  }
0x4a: {  	[sflag:s12] =	ssyncadd.s32 $0xFFFFE000  }
0x4b: {  	p1 =	seq.s32 s20, $0x10  }
.Ltmp1:
0x4c: {  	_ = 	snop;
	(pc) =	sbr.rel @!p1 .LBB2_3-.Ltmp1, $2  }
0x4d: {  	_ =	sdelay $0x2  }
0x4e: {  	p0 =	por !p0, !p0  }
0x4f: {  	s19 =	sadd.s32 $0x1, s19  }
0x50: {  	p0 =	sne.s32 s19, s10  }
.Ltmp2:
0x51: {  	[bflag:$0x0] =	sbarrier.arrive $0xFFFF;
	(pc) =	sbr.rel @p0 .LBB2_1-.Ltmp2, $4  }
0x52: {  	[hbm:s9], [sflag:s6] =	dma.local [spmem:s11], $0x2800  }
0x53: {  	_ =	swait.ge [sflag:s12], $0x2800  }
0x54: {  	[sflag:s12] =	ssyncset.done $0x0  }
0x55: {  	[sflag:s12] =	ssyncadd.s32 $0xFFFFD800  }
0x56: {  	_ =	sfence.sel $0x180000  }
0x57: {  	[bflag:$0x0] =	sbarrier.arrive $0xFFFF  }
0x58: {  	p0 =	sne.s32 s0, $0x0;
	_ =	strace $0x90000050  }
0x59: {  	s0 =	sadd.s32 @!p0 $0x100000, s1;
	[bflag:$0x2] =	sbarrier.arrive $0xFFFF  }
0x5a: {  	[sflag:s0] =	ssyncadd.tile.s32 @!p0 $0x1;
	_ =	shalt  }
.Lfunc_end2:
_tile_overlayer_lowered:
.L_overlay_start_2:
0x5b: {  	(tag) =	ssettag $0x2  }
0x5c: {  	s0 =	rddreg [dreg:$0x0];
	s2 =	stileid.u32  }
0x5d: {  	s1 =	rddreg [dreg:$0x1];
	p0 =	sne.s32 s2, $0x0  }
0x5e: {  	s3 =	rddreg [dreg:$0x2];
	[bflag:$0x3] =	sbarrier.arrive $0xFFFF;
	s2 =	simm.s32 @!p0 $0x1C06  }
0x5f: {  	[timem:s3], [sflag:s2] =	dma.local @!p0 [hbm:s0], s1  }
0x60: {  	s0 =	simm.s32 @!p0 $0x6  }
0x61: {  	_ =	swait.ge @!p0 [sflag:s0], s1  }
0x62: {  	s1 =	ssub.s32 @!p0 $0x0, s1;
	[sflag:s0] =	ssyncset.done @!p0 $0x0  }
0x63: {  	[sflag:s0] =	ssyncadd.s32 @!p0 s1  }
0x64: {  	[bflag:$0x3] =	sbarrier.arrive $0xFFFF  }
0x65: {  	_ =	shalt  }

</sc_bundles>
